<compile_context>
chip_gen: v7x
topology: tpu7x:2x2x1
jax: 0.10.2.dev20260603
libtpu: 0.0.44.dev20260713+nightly
codegen_flags: <defaults>
</compile_context>

<pallas_src>
import jax
import jax.numpy as jnp
from jax import lax
from jax.experimental import pallas as pl
from jax.experimental.pallas import tpu as pltpu
from jax.experimental.pallas import tpu_sc as plsc

_N = 10000
_D = 128
_G = 16
_E = 320000
_EPS_BN = 1e-5

_NC = 2
_NS = 16
_NW = _NC * _NS
_EB = 128
_BW = 80
_TBP = _NW * _BW
_EPAD = _TBP * _EB - _E
_AR = 10240
_RPT = _AR // _NS
_PB = _BW // 2


def _seg_sum_body(h_hbm, src_hbm, dst_hbm, out_hbm,
                  sidx, didx, rows, acc, gsem0, gsem1):
    c = lax.axis_index("c")
    s = lax.axis_index("s")
    wid = s * _NC + c
    bbase = wid * _BW

    def zrow(r, carry):
        for k in range(_D // 16):
            rows[0, r, pl.ds(k * 16, 16)] = jnp.zeros((16,), jnp.float32)
        return carry
    lax.fori_loop(0, _EB, zrow, 0)
    for t in range(_RPT // _EB):
        pltpu.sync_copy(rows.at[0], acc.at[pl.ds(s * _RPT + t * _EB, _EB)])

    plsc.subcore_barrier()

    sems = (gsem0, gsem1)
    for phase in range(2):
        pb = bbase + phase * _PB
        pltpu.sync_copy(src_hbm.at[pl.ds(pb, _PB)], sidx)
        pltpu.sync_copy(dst_hbm.at[pl.ds(pb, _PB)], didx)
        for b in range(2):
            pltpu.async_copy(h_hbm.at[sidx.at[b]], rows.at[b], sems[b])

        def body(t, carry):
            j0 = t * 2
            for b in range(2):
                j = j0 + b
                pltpu.make_async_copy(h_hbm.at[sidx.at[j]], rows.at[b],
                                      sems[b]).wait()
                pltpu.sync_copy(rows.at[b], acc.at[didx.at[j]], add=True)

                @pl.when(j + 2 < _PB)
                def _():
                    pltpu.async_copy(h_hbm.at[sidx.at[j + 2]], rows.at[b],
                                     sems[b])
            return carry
        lax.fori_loop(0, _PB // 2, body, 0)

    plsc.subcore_barrier()

    @pl.when(s < _NS - 1)
    def _():
        pltpu.sync_copy(acc.at[pl.ds(s * _RPT, _RPT)],
                        out_hbm.at[c].at[pl.ds(s * _RPT, _RPT)])

    @pl.when(s == _NS - 1)
    def _():
        pltpu.sync_copy(acc.at[pl.ds((_NS - 1) * _RPT, _N - (_NS - 1) * _RPT)],
                        out_hbm.at[c].at[pl.ds((_NS - 1) * _RPT,
                                               _N - (_NS - 1) * _RPT)])


def _sc_segment_sum(h, src2, dst2):
    mesh = plsc.VectorSubcoreMesh(core_axis_name="c", subcore_axis_name="s")
    return pl.kernel(
        _seg_sum_body,
        out_type=jax.ShapeDtypeStruct((_NC, _N, _D), jnp.float32),
        mesh=mesh,
        scratch_types=[
            pltpu.VMEM((_PB, _EB), jnp.int32),
            pltpu.VMEM((_PB, _EB), jnp.int32),
            pltpu.VMEM((2, _EB, _D), jnp.float32),
            pltpu.VMEM_SHARED((_AR, _D), jnp.float32),
            pltpu.SemaphoreType.DMA,
            pltpu.SemaphoreType.DMA,
        ],
    )(h, src2, dst2)


def _tc_layer_body(x_ref, a_ref, w1_ref, b1_ref, w2_ref, b2_ref,
                   g_ref, be_ref, bt_ref, h_ref, p_ref):
    z = x_ref[...] + a_ref[0] + a_ref[1]
    u = jnp.dot(z.astype(jnp.bfloat16), w1_ref[...].astype(jnp.bfloat16),
                preferred_element_type=jnp.float32) + b1_ref[...]
    u = jnp.maximum(u, 0.0)
    u = jnp.dot(u.astype(jnp.bfloat16), w2_ref[...].astype(jnp.bfloat16),
                preferred_element_type=jnp.float32) + b2_ref[...]
    u = jnp.maximum(u, 0.0)
    mean = jnp.mean(u, axis=0, keepdims=True)
    d = u - mean
    var = jnp.mean(d * d, axis=0, keepdims=True)
    hn = g_ref[...] * d * lax.rsqrt(var + _EPS_BN) + be_ref[...]
    h_ref[...] = hn
    onehot = (bt_ref[...] == lax.broadcasted_iota(jnp.int32, (_G, _N), 0))
    p_ref[...] = jnp.dot(onehot.astype(jnp.float32), hn,
                         precision=lax.Precision.HIGHEST,
                         preferred_element_type=jnp.float32)


def _tc_layer(x, agg2, W1, b1, W2, b2, gamma, beta, bt):
    return pl.pallas_call(
        _tc_layer_body,
        out_shape=(jax.ShapeDtypeStruct((_N, _D), jnp.float32),
                   jax.ShapeDtypeStruct((_G, _D), jnp.float32)),
    )(x, agg2, W1, b1, W2, b2, gamma, beta, bt)


def kernel(x, edge_index, batch,
           W1_0, b1_0, W2_0, b2_0, gamma_0, beta_0,
           W1_1, b1_1, W2_1, b2_1, gamma_1, beta_1):
    src = edge_index[0].astype(jnp.int32)
    dst = edge_index[1].astype(jnp.int32)
    src2 = jnp.concatenate(
        [src, jnp.zeros((_EPAD,), jnp.int32)]).reshape(_TBP, _EB)
    dst2 = jnp.concatenate(
        [dst, jnp.full((_EPAD,), _N, jnp.int32)]).reshape(_TBP, _EB)
    bt = batch.astype(jnp.int32).reshape(1, _N)

    agg0 = _sc_segment_sum(x, src2, dst2)
    h0, p0 = _tc_layer(x, agg0, W1_0, b1_0.reshape(1, _D), W2_0,
                       b2_0.reshape(1, _D), gamma_0.reshape(1, _D),
                       beta_0.reshape(1, _D), bt)
    agg1 = _sc_segment_sum(h0, src2, dst2)
    h1, p1 = _tc_layer(h0, agg1, W1_1, b1_1.reshape(1, _D), W2_1,
                       b2_1.reshape(1, _D), gamma_1.reshape(1, _D),
                       beta_1.reshape(1, _D), bt)
    return (jnp.concatenate([p0, p1], axis=1), h1)

# --- scband reference (transcript-rebuilt; emitter-appended) ---
"""Pipeline reference for scband-encoder-5222680232495 (READ-ONLY COPY).

The authoritative reference and input builder live on the scoring server;
editing this copy changes nothing except your own understanding.
"""

import jax, jax.numpy as jnp
import numpy as np

N = 10000
E = 320000
D = 128
H = 128
G = 16
EPS_BN = 1e-5


def setup_inputs(seed: int = 0) -> dict:
    key = jax.random.key(seed)
    ks = jax.random.split(key, 16)
    x = jax.random.normal(ks[0], (N, D), dtype=jnp.float32)
    edge_index = jax.random.randint(ks[1], (2, E), 0, N)
    batch = jnp.sort(jax.random.randint(ks[2], (N,), 0, G))
    s = 1.0 / np.sqrt(D)
    sh = 1.0 / np.sqrt(H)
    inp = {
        "x": x,
        "edge_index": edge_index,
        "batch": batch,
        # layer 0 (in=D)
        "W1_0": jax.random.uniform(ks[3], (D, H), jnp.float32, -s, s),
        "b1_0": jax.random.uniform(ks[4], (H,), jnp.float32, -s, s),
        "W2_0": jax.random.uniform(ks[5], (H, H), jnp.float32, -sh, sh),
        "b2_0": jax.random.uniform(ks[6], (H,), jnp.float32, -sh, sh),
        "gamma_0": jnp.ones((H,), jnp.float32),
        "beta_0": jnp.zeros((H,), jnp.float32),
        # layer 1 (in=H)
        "W1_1": jax.random.uniform(ks[7], (H, H), jnp.float32, -sh, sh),
        "b1_1": jax.random.uniform(ks[8], (H,), jnp.float32, -sh, sh),
        "W2_1": jax.random.uniform(ks[9], (H, H), jnp.float32, -sh, sh),
        "b2_1": jax.random.uniform(ks[10], (H,), jnp.float32, -sh, sh),
        "gamma_1": jnp.ones((H,), jnp.float32),
        "beta_1": jnp.zeros((H,), jnp.float32),
    }
    return inp


def _gin_block(h, src, dst, W1, b1, W2, b2, gamma, beta):
    # GINConv (eps=0): mlp((1+eps)*x + sum_{j in N(i)} x_j)
    agg = jax.ops.segment_sum(h[src], dst, num_segments=N)
    z = h + agg
    z = jax.nn.relu(z @ W1 + b1)
    z = z @ W2 + b2
    # F.relu after GINConv
    z = jax.nn.relu(z)
    # BatchNorm1d (training mode: batch statistics, biased variance)
    mean = jnp.mean(z, axis=0)
    var = jnp.var(z, axis=0)
    z = gamma * (z - mean) / jnp.sqrt(var + EPS_BN) + beta
    return z


def reference(x, edge_index, batch,
              W1_0, b1_0, W2_0, b2_0, gamma_0, beta_0,
              W1_1, b1_1, W2_1, b2_1, gamma_1, beta_1):
    src = edge_index[0]
    dst = edge_index[1]
    h0 = _gin_block(x, src, dst, W1_0, b1_0, W2_0, b2_0, gamma_0, beta_0)
    h1 = _gin_block(h0, src, dst, W1_1, b1_1, W2_1, b2_1, gamma_1, beta_1)
    pooled0 = jax.ops.segment_sum(h0, batch, num_segments=G)
    pooled1 = jax.ops.segment_sum(h1, batch, num_segments=G)
    return (jnp.concatenate([pooled0, pooled1], axis=1), h1)

if __name__ == "__main__":
    import jax
    _d = setup_inputs()
    print(jax.jit(kernel)(*tuple(_d.values())))

</pallas_src>

<mosaic_0001>
#map = affine_map<(d0, d1) -> (0, 0)>
#map1 = affine_map<(d0, d1) -> (0, 0, 0)>
module attributes {stable_mosaic.version = 14 : i64} {
  func.func @_seg_sum_body(%arg0: i32, %arg1: i32, %arg2: memref<10000x128xf32, #tpu.memory_space<hbm>>, %arg3: memref<2560x128xi32, #tpu.memory_space<hbm>>, %arg4: memref<2560x128xi32, #tpu.memory_space<hbm>>, %arg5: memref<2x10000x128xf32, #tpu.memory_space<hbm>>, %arg6: memref<40x128xi32, #tpu.memory_space<vmem>>, %arg7: memref<40x128xi32, #tpu.memory_space<vmem>>, %arg8: memref<2x128x128xf32, #tpu.memory_space<vmem>>, %arg9: memref<10240x128xf32, #tpu.memory_space<vmem_shared>>, %arg10: memref<!tpu.dma_semaphore, #tpu.memory_space<semaphore_mem>>, %arg11: memref<!tpu.dma_semaphore, #tpu.memory_space<semaphore_mem>>) attributes {dimension_semantics = [#tpu.dimension_semantics<core_parallel>, #tpu.dimension_semantics<subcore_parallel>], iteration_bounds = array<i64: 2, 16>, scalar_prefetch = 0 : i64, scratch_operands = 6 : i64, tpu.core_type = #tpu.core_type<sc_vector_subcore>, window_params = [{transform_indices = #map}, {transform_indices = #map}, {transform_indices = #map}, {transform_indices = #map1}]} {
    %mul3A = arith.constant 2 : i32
    %mul3A_0 = arith.muli %arg1, %mul3A : i32
    %add3A = arith.addi %mul3A_0, %arg0 : i32
    %mul3A_1 = arith.constant 80 : i32
    %mul3A_2 = arith.muli %add3A, %mul3A_1 : i32
    %scan3A = arith.constant 0 : i32
    %scan3A_3 = arith.constant 0 : i32
    %scan3A_4 = arith.constant 128 : i32
    %scan3A_5 = arith.addi %scan3A_3, %scan3A_4 : i32
    %scan3A_6 = arith.constant 1 : i32
    scf.for %scan3A_102 = %scan3A_3 to %scan3A_5 step %scan3A_6  : i32 {
      %broadcast_in_dim3A = arith.constant 0.000000e+00 : f32
      %broadcast_in_dim3A_103 = vector.broadcast %broadcast_in_dim3A : f32 to vector<16xf32>
      %swap3A = arith.constant 0 : i32
      %swap3A_104 = arith.index_cast %swap3A : i32 to index
      %swap3A_105 = arith.index_cast %scan3A_102 : i32 to index
      %swap3A_106 = arith.constant 0 : index
      %swap3A_107 = tpu.vector_load %arg8[%swap3A_104, %swap3A_105, %swap3A_106] {strides = array<i32>} : memref<2x128x128xf32, #tpu.memory_space<vmem>>, vector<1x1x16xf32>,
      %swap3A_108 = vector.shape_cast %swap3A_107 : vector<1x1x16xf32> to vector<16xf32>
      %swap3A_109 = vector.shape_cast %broadcast_in_dim3A_103 : vector<16xf32> to vector<1x1x16xf32>
      tpu.vector_store %arg8[%swap3A_104, %swap3A_105, %swap3A_106], %swap3A_109 {strides = array<i32>} : memref<2x128x128xf32, #tpu.memory_space<vmem>>, vector<1x1x16xf32>,
      %broadcast_in_dim3A_110 = arith.constant 0.000000e+00 : f32
      %broadcast_in_dim3A_111 = vector.broadcast %broadcast_in_dim3A_110 : f32 to vector<16xf32>
      %swap3A_112 = arith.constant 0 : i32
      %swap3A_113 = arith.index_cast %swap3A_112 : i32 to index
      %swap3A_114 = arith.index_cast %scan3A_102 : i32 to index
      %swap3A_115 = arith.constant 16 : index
      %swap3A_116 = tpu.vector_load %arg8[%swap3A_113, %swap3A_114, %swap3A_115] {strides = array<i32>} : memref<2x128x128xf32, #tpu.memory_space<vmem>>, vector<1x1x16xf32>,
      %swap3A_117 = vector.shape_cast %swap3A_116 : vector<1x1x16xf32> to vector<16xf32>
      %swap3A_118 = vector.shape_cast %broadcast_in_dim3A_111 : vector<16xf32> to vector<1x1x16xf32>
      tpu.vector_store %arg8[%swap3A_113, %swap3A_114, %swap3A_115], %swap3A_118 {strides = array<i32>} : memref<2x128x128xf32, #tpu.memory_space<vmem>>, vector<1x1x16xf32>,
      %broadcast_in_dim3A_119 = arith.constant 0.000000e+00 : f32
      %broadcast_in_dim3A_120 = vector.broadcast %broadcast_in_dim3A_119 : f32 to vector<16xf32>
      %swap3A_121 = arith.constant 0 : i32
      %swap3A_122 = arith.index_cast %swap3A_121 : i32 to index
      %swap3A_123 = arith.index_cast %scan3A_102 : i32 to index
      %swap3A_124 = arith.constant 32 : index
      %swap3A_125 = tpu.vector_load %arg8[%swap3A_122, %swap3A_123, %swap3A_124] {strides = array<i32>} : memref<2x128x128xf32, #tpu.memory_space<vmem>>, vector<1x1x16xf32>,
      %swap3A_126 = vector.shape_cast %swap3A_125 : vector<1x1x16xf32> to vector<16xf32>
      %swap3A_127 = vector.shape_cast %broadcast_in_dim3A_120 : vector<16xf32> to vector<1x1x16xf32>
      tpu.vector_store %arg8[%swap3A_122, %swap3A_123, %swap3A_124], %swap3A_127 {strides = array<i32>} : memref<2x128x128xf32, #tpu.memory_space<vmem>>, vector<1x1x16xf32>,
      %broadcast_in_dim3A_128 = arith.constant 0.000000e+00 : f32
      %broadcast_in_dim3A_129 = vector.broadcast %broadcast_in_dim3A_128 : f32 to vector<16xf32>
      %swap3A_130 = arith.constant 0 : i32
      %swap3A_131 = arith.index_cast %swap3A_130 : i32 to index
      %swap3A_132 = arith.index_cast %scan3A_102 : i32 to index
      %swap3A_133 = arith.constant 48 : index
      %swap3A_134 = tpu.vector_load %arg8[%swap3A_131, %swap3A_132, %swap3A_133] {strides = array<i32>} : memref<2x128x128xf32, #tpu.memory_space<vmem>>, vector<1x1x16xf32>,
      %swap3A_135 = vector.shape_cast %swap3A_134 : vector<1x1x16xf32> to vector<16xf32>
      %swap3A_136 = vector.shape_cast %broadcast_in_dim3A_129 : vector<16xf32> to vector<1x1x16xf32>
      tpu.vector_store %arg8[%swap3A_131, %swap3A_132, %swap3A_133], %swap3A_136 {strides = array<i32>} : memref<2x128x128xf32, #tpu.memory_space<vmem>>, vector<1x1x16xf32>,
      %broadcast_in_dim3A_137 = arith.constant 0.000000e+00 : f32
      %broadcast_in_dim3A_138 = vector.broadcast %broadcast_in_dim3A_137 : f32 to vector<16xf32>
      %swap3A_139 = arith.constant 0 : i32
      %swap3A_140 = arith.index_cast %swap3A_139 : i32 to index
      %swap3A_141 = arith.index_cast %scan3A_102 : i32 to index
      %swap3A_142 = arith.constant 64 : index
      %swap3A_143 = tpu.vector_load %arg8[%swap3A_140, %swap3A_141, %swap3A_142] {strides = array<i32>} : memref<2x128x128xf32, #tpu.memory_space<vmem>>, vector<1x1x16xf32>,
      %swap3A_144 = vector.shape_cast %swap3A_143 : vector<1x1x16xf32> to vector<16xf32>
      %swap3A_145 = vector.shape_cast %broadcast_in_dim3A_138 : vector<16xf32> to vector<1x1x16xf32>
      tpu.vector_store %arg8[%swap3A_140, %swap3A_141, %swap3A_142], %swap3A_145 {strides = array<i32>} : memref<2x128x128xf32, #tpu.memory_space<vmem>>, vector<1x1x16xf32>,
      %broadcast_in_dim3A_146 = arith.constant 0.000000e+00 : f32
      %broadcast_in_dim3A_147 = vector.broadcast %broadcast_in_dim3A_146 : f32 to vector<16xf32>
      %swap3A_148 = arith.constant 0 : i32
      %swap3A_149 = arith.index_cast %swap3A_148 : i32 to index
      %swap3A_150 = arith.index_cast %scan3A_102 : i32 to index
      %swap3A_151 = arith.constant 80 : index
      %swap3A_152 = tpu.vector_load %arg8[%swap3A_149, %swap3A_150, %swap3A_151] {strides = array<i32>} : memref<2x128x128xf32, #tpu.memory_space<vmem>>, vector<1x1x16xf32>,
      %swap3A_153 = vector.shape_cast %swap3A_152 : vector<1x1x16xf32> to vector<16xf32>
      %swap3A_154 = vector.shape_cast %broadcast_in_dim3A_147 : vector<16xf32> to vector<1x1x16xf32>
      tpu.vector_store %arg8[%swap3A_149, %swap3A_150, %swap3A_151], %swap3A_154 {strides = array<i32>} : memref<2x128x128xf32, #tpu.memory_space<vmem>>, vector<1x1x16xf32>,
      %broadcast_in_dim3A_155 = arith.constant 0.000000e+00 : f32
      %broadcast_in_dim3A_156 = vector.broadcast %broadcast_in_dim3A_155 : f32 to vector<16xf32>
      %swap3A_157 = arith.constant 0 : i32
      %swap3A_158 = arith.index_cast %swap3A_157 : i32 to index
      %swap3A_159 = arith.index_cast %scan3A_102 : i32 to index
      %swap3A_160 = arith.constant 96 : index
      %swap3A_161 = tpu.vector_load %arg8[%swap3A_158, %swap3A_159, %swap3A_160] {strides = array<i32>} : memref<2x128x128xf32, #tpu.memory_space<vmem>>, vector<1x1x16xf32>,
      %swap3A_162 = vector.shape_cast %swap3A_161 : vector<1x1x16xf32> to vector<16xf32>
      %swap3A_163 = vector.shape_cast %broadcast_in_dim3A_156 : vector<16xf32> to vector<1x1x16xf32>
      tpu.vector_store %arg8[%swap3A_158, %swap3A_159, %swap3A_160], %swap3A_163 {strides = array<i32>} : memref<2x128x128xf32, #tpu.memory_space<vmem>>, vector<1x1x16xf32>,
      %broadcast_in_dim3A_164 = arith.constant 0.000000e+00 : f32
      %broadcast_in_dim3A_165 = vector.broadcast %broadcast_in_dim3A_164 : f32 to vector<16xf32>
      %swap3A_166 = arith.constant 0 : i32
      %swap3A_167 = arith.index_cast %swap3A_166 : i32 to index
      %swap3A_168 = arith.index_cast %scan3A_102 : i32 to index
      %swap3A_169 = arith.constant 112 : index
      %swap3A_170 = tpu.vector_load %arg8[%swap3A_167, %swap3A_168, %swap3A_169] {strides = array<i32>} : memref<2x128x128xf32, #tpu.memory_space<vmem>>, vector<1x1x16xf32>,
      %swap3A_171 = vector.shape_cast %swap3A_170 : vector<1x1x16xf32> to vector<16xf32>
      %swap3A_172 = vector.shape_cast %broadcast_in_dim3A_165 : vector<16xf32> to vector<1x1x16xf32>
      tpu.vector_store %arg8[%swap3A_167, %swap3A_168, %swap3A_169], %swap3A_172 {strides = array<i32>} : memref<2x128x128xf32, #tpu.memory_space<vmem>>, vector<1x1x16xf32>,
    }
    %scan3A_7 = arith.constant 128 : i32
    %mul3A_8 = arith.constant 640 : i32
    %mul3A_9 = arith.muli %arg1, %mul3A_8 : i32
    %add3A_10 = arith.constant 0 : i32
    %add3A_11 = arith.addi %mul3A_9, %add3A_10 : i32
    %run_scoped3A = arith.constant 0 : i32
    "tpu.region"() ({
      %run_scoped3A_102 = tpu.sem_alloc : memref<!tpu.dma_semaphore, #tpu.memory_space<semaphore_mem>>
      %dma_start3A_103 = arith.constant 0 : i32
      %dma_start3A_104 = arith.constant 0 : i32
      %dma_start3A_105 = tpu.memref_slice %arg8[%run_scoped3A, %dma_start3A_103, %dma_start3A_104] : memref<2x128x128xf32, #tpu.memory_space<vmem>> -> memref<1x128x128xf32, #tpu.memory_space<vmem>>
      %dma_start3A_106 = tpu.memref_squeeze %dma_start3A_105 : memref<1x128x128xf32, #tpu.memory_space<vmem>> -> memref<128x128xf32, #tpu.memory_space<vmem>>
      %dma_start3A_107 = arith.constant 0 : i32
      %dma_start3A_108 = tpu.memref_slice %arg9[%add3A_11, %dma_start3A_107] : memref<10240x128xf32, #tpu.memory_space<vmem_shared>> -> memref<128x128xf32, #tpu.memory_space<vmem_shared>>
      %dma_start3A_109 = arith.constant 0 : i32
      %dma_start3A_110 = tpu.memref_slice %arg9[%add3A_11, %dma_start3A_109] : memref<10240x128xf32, #tpu.memory_space<vmem_shared>> -> memref<128x128xf32, #tpu.memory_space<vmem_shared>>
      %dma_start3A_111 = arith.constant 0 : i32
      %dma_start3A_112 = arith.constant 0 : i32
      %dma_start3A_113 = tpu.memref_slice %arg8[%run_scoped3A, %dma_start3A_111, %dma_start3A_112] : memref<2x128x128xf32, #tpu.memory_space<vmem>> -> memref<1x128x128xf32, #tpu.memory_space<vmem>>
      %dma_start3A_114 = tpu.memref_squeeze %dma_start3A_113 : memref<1x128x128xf32, #tpu.memory_space<vmem>> -> memref<128x128xf32, #tpu.memory_space<vmem>>
      tpu.enqueue_dma source(%dma_start3A_114 : memref<128x128xf32, #tpu.memory_space<vmem>>) target(%dma_start3A_110 : memref<128x128xf32, #tpu.memory_space<vmem_shared>>) target_semaphore(%run_scoped3A_102 : memref<!tpu.dma_semaphore, #tpu.memory_space<semaphore_mem>>)
      %dma_wait3A = arith.constant 0 : i32
      %dma_wait3A_115 = arith.constant 0 : i32
      %dma_wait3A_116 = tpu.memref_slice %arg8[%run_scoped3A, %dma_wait3A, %dma_wait3A_115] : memref<2x128x128xf32, #tpu.memory_space<vmem>> -> memref<1x128x128xf32, #tpu.memory_space<vmem>>
      %dma_wait3A_117 = tpu.memref_squeeze %dma_wait3A_116 : memref<1x128x128xf32, #tpu.memory_space<vmem>> -> memref<128x128xf32, #tpu.memory_space<vmem>>
      %dma_wait3A_118 = arith.constant 0 : i32
      %dma_wait3A_119 = tpu.memref_slice %arg9[%add3A_11, %dma_wait3A_118] : memref<10240x128xf32, #tpu.memory_space<vmem_shared>> -> memref<128x128xf32, #tpu.memory_space<vmem_shared>>
      %dma_wait3A_120 = arith.constant 0 : i32
      %dma_wait3A_121 = tpu.memref_slice %arg9[%add3A_11, %dma_wait3A_120] : memref<10240x128xf32, #tpu.memory_space<vmem_shared>> -> memref<128x128xf32, #tpu.memory_space<vmem_shared>>
      %dma_wait3A_122 = arith.constant 0 : i32
      %dma_wait3A_123 = arith.constant 0 : i32
      %dma_wait3A_124 = tpu.memref_slice %arg8[%run_scoped3A, %dma_wait3A_122, %dma_wait3A_123] : memref<2x128x128xf32, #tpu.memory_space<vmem>> -> memref<1x128x128xf32, #tpu.memory_space<vmem>>
      %dma_wait3A_125 = tpu.memref_squeeze %dma_wait3A_124 : memref<1x128x128xf32, #tpu.memory_space<vmem>> -> memref<128x128xf32, #tpu.memory_space<vmem>>
      tpu.wait_dma2 semaphore(%run_scoped3A_102 : memref<!tpu.dma_semaphore, #tpu.memory_space<semaphore_mem>>) src(%dma_wait3A_125 : memref<128x128xf32, #tpu.memory_space<vmem>>) dst(%dma_wait3A_121 : memref<128x128xf32, #tpu.memory_space<vmem_shared>>)
      tpu.yield
    }) : () -> ()
    %mul3A_12 = arith.constant 640 : i32
    %mul3A_13 = arith.muli %arg1, %mul3A_12 : i32
    %add3A_14 = arith.constant 128 : i32
    %add3A_15 = arith.addi %mul3A_13, %add3A_14 : i32
    %run_scoped3A_16 = arith.constant 0 : i32
    "tpu.region"() ({
      %run_scoped3A_102 = tpu.sem_alloc : memref<!tpu.dma_semaphore, #tpu.memory_space<semaphore_mem>>
      %dma_start3A_103 = arith.constant 0 : i32
      %dma_start3A_104 = arith.constant 0 : i32
      %dma_start3A_105 = tpu.memref_slice %arg8[%run_scoped3A_16, %dma_start3A_103, %dma_start3A_104] : memref<2x128x128xf32, #tpu.memory_space<vmem>> -> memref<1x128x128xf32, #tpu.memory_space<vmem>>
      %dma_start3A_106 = tpu.memref_squeeze %dma_start3A_105 : memref<1x128x128xf32, #tpu.memory_space<vmem>> -> memref<128x128xf32, #tpu.memory_space<vmem>>
      %dma_start3A_107 = arith.constant 0 : i32
      %dma_start3A_108 = tpu.memref_slice %arg9[%add3A_15, %dma_start3A_107] : memref<10240x128xf32, #tpu.memory_space<vmem_shared>> -> memref<128x128xf32, #tpu.memory_space<vmem_shared>>
      %dma_start3A_109 = arith.constant 0 : i32
      %dma_start3A_110 = tpu.memref_slice %arg9[%add3A_15, %dma_start3A_109] : memref<10240x128xf32, #tpu.memory_space<vmem_shared>> -> memref<128x128xf32, #tpu.memory_space<vmem_shared>>
      %dma_start3A_111 = arith.constant 0 : i32
      %dma_start3A_112 = arith.constant 0 : i32
      %dma_start3A_113 = tpu.memref_slice %arg8[%run_scoped3A_16, %dma_start3A_111, %dma_start3A_112] : memref<2x128x128xf32, #tpu.memory_space<vmem>> -> memref<1x128x128xf32, #tpu.memory_space<vmem>>
      %dma_start3A_114 = tpu.memref_squeeze %dma_start3A_113 : memref<1x128x128xf32, #tpu.memory_space<vmem>> -> memref<128x128xf32, #tpu.memory_space<vmem>>
      tpu.enqueue_dma source(%dma_start3A_114 : memref<128x128xf32, #tpu.memory_space<vmem>>) target(%dma_start3A_110 : memref<128x128xf32, #tpu.memory_space<vmem_shared>>) target_semaphore(%run_scoped3A_102 : memref<!tpu.dma_semaphore, #tpu.memory_space<semaphore_mem>>)
      %dma_wait3A = arith.constant 0 : i32
      %dma_wait3A_115 = arith.constant 0 : i32
      %dma_wait3A_116 = tpu.memref_slice %arg8[%run_scoped3A_16, %dma_wait3A, %dma_wait3A_115] : memref<2x128x128xf32, #tpu.memory_space<vmem>> -> memref<1x128x128xf32, #tpu.memory_space<vmem>>
      %dma_wait3A_117 = tpu.memref_squeeze %dma_wait3A_116 : memref<1x128x128xf32, #tpu.memory_space<vmem>> -> memref<128x128xf32, #tpu.memory_space<vmem>>
      %dma_wait3A_118 = arith.constant 0 : i32
      %dma_wait3A_119 = tpu.memref_slice %arg9[%add3A_15, %dma_wait3A_118] : memref<10240x128xf32, #tpu.memory_space<vmem_shared>> -> memref<128x128xf32, #tpu.memory_space<vmem_shared>>
      %dma_wait3A_120 = arith.constant 0 : i32
      %dma_wait3A_121 = tpu.memref_slice %arg9[%add3A_15, %dma_wait3A_120] : memref<10240x128xf32, #tpu.memory_space<vmem_shared>> -> memref<128x128xf32, #tpu.memory_space<vmem_shared>>
      %dma_wait3A_122 = arith.constant 0 : i32
      %dma_wait3A_123 = arith.constant 0 : i32
      %dma_wait3A_124 = tpu.memref_slice %arg8[%run_scoped3A_16, %dma_wait3A_122, %dma_wait3A_123] : memref<2x128x128xf32, #tpu.memory_space<vmem>> -> memref<1x128x128xf32, #tpu.memory_space<vmem>>
      %dma_wait3A_125 = tpu.memref_squeeze %dma_wait3A_124 : memref<1x128x128xf32, #tpu.memory_space<vmem>> -> memref<128x128xf32, #tpu.memory_space<vmem>>
      tpu.wait_dma2 semaphore(%run_scoped3A_102 : memref<!tpu.dma_semaphore, #tpu.memory_space<semaphore_mem>>) src(%dma_wait3A_125 : memref<128x128xf32, #tpu.memory_space<vmem>>) dst(%dma_wait3A_121 : memref<128x128xf32, #tpu.memory_space<vmem_shared>>)
      tpu.yield
    }) : () -> ()
    %mul3A_17 = arith.constant 640 : i32
    %mul3A_18 = arith.muli %arg1, %mul3A_17 : i32
    %add3A_19 = arith.constant 256 : i32
    %add3A_20 = arith.addi %mul3A_18, %add3A_19 : i32
    %run_scoped3A_21 = arith.constant 0 : i32
    "tpu.region"() ({
      %run_scoped3A_102 = tpu.sem_alloc : memref<!tpu.dma_semaphore, #tpu.memory_space<semaphore_mem>>
      %dma_start3A_103 = arith.constant 0 : i32
      %dma_start3A_104 = arith.constant 0 : i32
      %dma_start3A_105 = tpu.memref_slice %arg8[%run_scoped3A_21, %dma_start3A_103, %dma_start3A_104] : memref<2x128x128xf32, #tpu.memory_space<vmem>> -> memref<1x128x128xf32, #tpu.memory_space<vmem>>
      %dma_start3A_106 = tpu.memref_squeeze %dma_start3A_105 : memref<1x128x128xf32, #tpu.memory_space<vmem>> -> memref<128x128xf32, #tpu.memory_space<vmem>>
      %dma_start3A_107 = arith.constant 0 : i32
      %dma_start3A_108 = tpu.memref_slice %arg9[%add3A_20, %dma_start3A_107] : memref<10240x128xf32, #tpu.memory_space<vmem_shared>> -> memref<128x128xf32, #tpu.memory_space<vmem_shared>>
      %dma_start3A_109 = arith.constant 0 : i32
      %dma_start3A_110 = tpu.memref_slice %arg9[%add3A_20, %dma_start3A_109] : memref<10240x128xf32, #tpu.memory_space<vmem_shared>> -> memref<128x128xf32, #tpu.memory_space<vmem_shared>>
      %dma_start3A_111 = arith.constant 0 : i32
      %dma_start3A_112 = arith.constant 0 : i32
      %dma_start3A_113 = tpu.memref_slice %arg8[%run_scoped3A_21, %dma_start3A_111, %dma_start3A_112] : memref<2x128x128xf32, #tpu.memory_space<vmem>> -> memref<1x128x128xf32, #tpu.memory_space<vmem>>
      %dma_start3A_114 = tpu.memref_squeeze %dma_start3A_113 : memref<1x128x128xf32, #tpu.memory_space<vmem>> -> memref<128x128xf32, #tpu.memory_space<vmem>>
      tpu.enqueue_dma source(%dma_start3A_114 : memref<128x128xf32, #tpu.memory_space<vmem>>) target(%dma_start3A_110 : memref<128x128xf32, #tpu.memory_space<vmem_shared>>) target_semaphore(%run_scoped3A_102 : memref<!tpu.dma_semaphore, #tpu.memory_space<semaphore_mem>>)
      %dma_wait3A = arith.constant 0 : i32
      %dma_wait3A_115 = arith.constant 0 : i32
      %dma_wait3A_116 = tpu.memref_slice %arg8[%run_scoped3A_21, %dma_wait3A, %dma_wait3A_115] : memref<2x128x128xf32, #tpu.memory_space<vmem>> -> memref<1x128x128xf32, #tpu.memory_space<vmem>>
      %dma_wait3A_117 = tpu.memref_squeeze %dma_wait3A_116 : memref<1x128x128xf32, #tpu.memory_space<vmem>> -> memref<128x128xf32, #tpu.memory_space<vmem>>
      %dma_wait3A_118 = arith.constant 0 : i32
      %dma_wait3A_119 = tpu.memref_slice %arg9[%add3A_20, %dma_wait3A_118] : memref<10240x128xf32, #tpu.memory_space<vmem_shared>> -> memref<128x128xf32, #tpu.memory_space<vmem_shared>>
      %dma_wait3A_120 = arith.constant 0 : i32
      %dma_wait3A_121 = tpu.memref_slice %arg9[%add3A_20, %dma_wait3A_120] : memref<10240x128xf32, #tpu.memory_space<vmem_shared>> -> memref<128x128xf32, #tpu.memory_space<vmem_shared>>
      %dma_wait3A_122 = arith.constant 0 : i32
      %dma_wait3A_123 = arith.constant 0 : i32
      %dma_wait3A_124 = tpu.memref_slice %arg8[%run_scoped3A_21, %dma_wait3A_122, %dma_wait3A_123] : memref<2x128x128xf32, #tpu.memory_space<vmem>> -> memref<1x128x128xf32, #tpu.memory_space<vmem>>
      %dma_wait3A_125 = tpu.memref_squeeze %dma_wait3A_124 : memref<1x128x128xf32, #tpu.memory_space<vmem>> -> memref<128x128xf32, #tpu.memory_space<vmem>>
      tpu.wait_dma2 semaphore(%run_scoped3A_102 : memref<!tpu.dma_semaphore, #tpu.memory_space<semaphore_mem>>) src(%dma_wait3A_125 : memref<128x128xf32, #tpu.memory_space<vmem>>) dst(%dma_wait3A_121 : memref<128x128xf32, #tpu.memory_space<vmem_shared>>)
      tpu.yield
    }) : () -> ()
    %mul3A_22 = arith.constant 640 : i32
    %mul3A_23 = arith.muli %arg1, %mul3A_22 : i32
    %add3A_24 = arith.constant 384 : i32
    %add3A_25 = arith.addi %mul3A_23, %add3A_24 : i32
    %run_scoped3A_26 = arith.constant 0 : i32
    "tpu.region"() ({
      %run_scoped3A_102 = tpu.sem_alloc : memref<!tpu.dma_semaphore, #tpu.memory_space<semaphore_mem>>
      %dma_start3A_103 = arith.constant 0 : i32
      %dma_start3A_104 = arith.constant 0 : i32
      %dma_start3A_105 = tpu.memref_slice %arg8[%run_scoped3A_26, %dma_start3A_103, %dma_start3A_104] : memref<2x128x128xf32, #tpu.memory_space<vmem>> -> memref<1x128x128xf32, #tpu.memory_space<vmem>>
      %dma_start3A_106 = tpu.memref_squeeze %dma_start3A_105 : memref<1x128x128xf32, #tpu.memory_space<vmem>> -> memref<128x128xf32, #tpu.memory_space<vmem>>
      %dma_start3A_107 = arith.constant 0 : i32
      %dma_start3A_108 = tpu.memref_slice %arg9[%add3A_25, %dma_start3A_107] : memref<10240x128xf32, #tpu.memory_space<vmem_shared>> -> memref<128x128xf32, #tpu.memory_space<vmem_shared>>
      %dma_start3A_109 = arith.constant 0 : i32
      %dma_start3A_110 = tpu.memref_slice %arg9[%add3A_25, %dma_start3A_109] : memref<10240x128xf32, #tpu.memory_space<vmem_shared>> -> memref<128x128xf32, #tpu.memory_space<vmem_shared>>
      %dma_start3A_111 = arith.constant 0 : i32
      %dma_start3A_112 = arith.constant 0 : i32
      %dma_start3A_113 = tpu.memref_slice %arg8[%run_scoped3A_26, %dma_start3A_111, %dma_start3A_112] : memref<2x128x128xf32, #tpu.memory_space<vmem>> -> memref<1x128x128xf32, #tpu.memory_space<vmem>>
      %dma_start3A_114 = tpu.memref_squeeze %dma_start3A_113 : memref<1x128x128xf32, #tpu.memory_space<vmem>> -> memref<128x128xf32, #tpu.memory_space<vmem>>
      tpu.enqueue_dma source(%dma_start3A_114 : memref<128x128xf32, #tpu.memory_space<vmem>>) target(%dma_start3A_110 : memref<128x128xf32, #tpu.memory_space<vmem_shared>>) target_semaphore(%run_scoped3A_102 : memref<!tpu.dma_semaphore, #tpu.memory_space<semaphore_mem>>)
      %dma_wait3A = arith.constant 0 : i32
      %dma_wait3A_115 = arith.constant 0 : i32
      %dma_wait3A_116 = tpu.memref_slice %arg8[%run_scoped3A_26, %dma_wait3A, %dma_wait3A_115] : memref<2x128x128xf32, #tpu.memory_space<vmem>> -> memref<1x128x128xf32, #tpu.memory_space<vmem>>
      %dma_wait3A_117 = tpu.memref_squeeze %dma_wait3A_116 : memref<1x128x128xf32, #tpu.memory_space<vmem>> -> memref<128x128xf32, #tpu.memory_space<vmem>>
      %dma_wait3A_118 = arith.constant 0 : i32
      %dma_wait3A_119 = tpu.memref_slice %arg9[%add3A_25, %dma_wait3A_118] : memref<10240x128xf32, #tpu.memory_space<vmem_shared>> -> memref<128x128xf32, #tpu.memory_space<vmem_shared>>
      %dma_wait3A_120 = arith.constant 0 : i32
      %dma_wait3A_121 = tpu.memref_slice %arg9[%add3A_25, %dma_wait3A_120] : memref<10240x128xf32, #tpu.memory_space<vmem_shared>> -> memref<128x128xf32, #tpu.memory_space<vmem_shared>>
      %dma_wait3A_122 = arith.constant 0 : i32
      %dma_wait3A_123 = arith.constant 0 : i32
      %dma_wait3A_124 = tpu.memref_slice %arg8[%run_scoped3A_26, %dma_wait3A_122, %dma_wait3A_123] : memref<2x128x128xf32, #tpu.memory_space<vmem>> -> memref<1x128x128xf32, #tpu.memory_space<vmem>>
      %dma_wait3A_125 = tpu.memref_squeeze %dma_wait3A_124 : memref<1x128x128xf32, #tpu.memory_space<vmem>> -> memref<128x128xf32, #tpu.memory_space<vmem>>
      tpu.wait_dma2 semaphore(%run_scoped3A_102 : memref<!tpu.dma_semaphore, #tpu.memory_space<semaphore_mem>>) src(%dma_wait3A_125 : memref<128x128xf32, #tpu.memory_space<vmem>>) dst(%dma_wait3A_121 : memref<128x128xf32, #tpu.memory_space<vmem_shared>>)
      tpu.yield
    }) : () -> ()
    %mul3A_27 = arith.constant 640 : i32
    %mul3A_28 = arith.muli %arg1, %mul3A_27 : i32
    %add3A_29 = arith.constant 512 : i32
    %add3A_30 = arith.addi %mul3A_28, %add3A_29 : i32
    %run_scoped3A_31 = arith.constant 0 : i32
    "tpu.region"() ({
      %run_scoped3A_102 = tpu.sem_alloc : memref<!tpu.dma_semaphore, #tpu.memory_space<semaphore_mem>>
      %dma_start3A_103 = arith.constant 0 : i32
      %dma_start3A_104 = arith.constant 0 : i32
      %dma_start3A_105 = tpu.memref_slice %arg8[%run_scoped3A_31, %dma_start3A_103, %dma_start3A_104] : memref<2x128x128xf32, #tpu.memory_space<vmem>> -> memref<1x128x128xf32, #tpu.memory_space<vmem>>
      %dma_start3A_106 = tpu.memref_squeeze %dma_start3A_105 : memref<1x128x128xf32, #tpu.memory_space<vmem>> -> memref<128x128xf32, #tpu.memory_space<vmem>>
      %dma_start3A_107 = arith.constant 0 : i32
      %dma_start3A_108 = tpu.memref_slice %arg9[%add3A_30, %dma_start3A_107] : memref<10240x128xf32, #tpu.memory_space<vmem_shared>> -> memref<128x128xf32, #tpu.memory_space<vmem_shared>>
      %dma_start3A_109 = arith.constant 0 : i32
      %dma_start3A_110 = tpu.memref_slice %arg9[%add3A_30, %dma_start3A_109] : memref<10240x128xf32, #tpu.memory_space<vmem_shared>> -> memref<128x128xf32, #tpu.memory_space<vmem_shared>>
      %dma_start3A_111 = arith.constant 0 : i32
      %dma_start3A_112 = arith.constant 0 : i32
      %dma_start3A_113 = tpu.memref_slice %arg8[%run_scoped3A_31, %dma_start3A_111, %dma_start3A_112] : memref<2x128x128xf32, #tpu.memory_space<vmem>> -> memref<1x128x128xf32, #tpu.memory_space<vmem>>
      %dma_start3A_114 = tpu.memref_squeeze %dma_start3A_113 : memref<1x128x128xf32, #tpu.memory_space<vmem>> -> memref<128x128xf32, #tpu.memory_space<vmem>>
      tpu.enqueue_dma source(%dma_start3A_114 : memref<128x128xf32, #tpu.memory_space<vmem>>) target(%dma_start3A_110 : memref<128x128xf32, #tpu.memory_space<vmem_shared>>) target_semaphore(%run_scoped3A_102 : memref<!tpu.dma_semaphore, #tpu.memory_space<semaphore_mem>>)
      %dma_wait3A = arith.constant 0 : i32
      %dma_wait3A_115 = arith.constant 0 : i32
      %dma_wait3A_116 = tpu.memref_slice %arg8[%run_scoped3A_31, %dma_wait3A, %dma_wait3A_115] : memref<2x128x128xf32, #tpu.memory_space<vmem>> -> memref<1x128x128xf32, #tpu.memory_space<vmem>>
      %dma_wait3A_117 = tpu.memref_squeeze %dma_wait3A_116 : memref<1x128x128xf32, #tpu.memory_space<vmem>> -> memref<128x128xf32, #tpu.memory_space<vmem>>
      %dma_wait3A_118 = arith.constant 0 : i32
      %dma_wait3A_119 = tpu.memref_slice %arg9[%add3A_30, %dma_wait3A_118] : memref<10240x128xf32, #tpu.memory_space<vmem_shared>> -> memref<128x128xf32, #tpu.memory_space<vmem_shared>>
      %dma_wait3A_120 = arith.constant 0 : i32
      %dma_wait3A_121 = tpu.memref_slice %arg9[%add3A_30, %dma_wait3A_120] : memref<10240x128xf32, #tpu.memory_space<vmem_shared>> -> memref<128x128xf32, #tpu.memory_space<vmem_shared>>
      %dma_wait3A_122 = arith.constant 0 : i32
      %dma_wait3A_123 = arith.constant 0 : i32
      %dma_wait3A_124 = tpu.memref_slice %arg8[%run_scoped3A_31, %dma_wait3A_122, %dma_wait3A_123] : memref<2x128x128xf32, #tpu.memory_space<vmem>> -> memref<1x128x128xf32, #tpu.memory_space<vmem>>
      %dma_wait3A_125 = tpu.memref_squeeze %dma_wait3A_124 : memref<1x128x128xf32, #tpu.memory_space<vmem>> -> memref<128x128xf32, #tpu.memory_space<vmem>>
      tpu.wait_dma2 semaphore(%run_scoped3A_102 : memref<!tpu.dma_semaphore, #tpu.memory_space<semaphore_mem>>) src(%dma_wait3A_125 : memref<128x128xf32, #tpu.memory_space<vmem>>) dst(%dma_wait3A_121 : memref<128x128xf32, #tpu.memory_space<vmem_shared>>)
      tpu.yield
    }) : () -> ()
    %barrier3A = arith.constant 0 : index
    tpu.barrier barrier_id(%barrier3A)
    %add3A_32 = arith.constant 0 : i32
    %add3A_33 = arith.addi %mul3A_2, %add3A_32 : i32
    "tpu.region"() ({
      %run_scoped3A_102 = tpu.sem_alloc : memref<!tpu.dma_semaphore, #tpu.memory_space<semaphore_mem>>
      %dma_start3A_103 = arith.constant 0 : i32
      %dma_start3A_104 = tpu.memref_slice %arg3[%add3A_33, %dma_start3A_103] : memref<2560x128xi32, #tpu.memory_space<hbm>> -> memref<40x128xi32, #tpu.memory_space<hbm>>
      %dma_start3A_105 = arith.constant 0 : i32
      %dma_start3A_106 = tpu.memref_slice %arg3[%add3A_33, %dma_start3A_105] : memref<2560x128xi32, #tpu.memory_space<hbm>> -> memref<40x128xi32, #tpu.memory_space<hbm>>
      tpu.enqueue_dma source(%dma_start3A_106 : memref<40x128xi32, #tpu.memory_space<hbm>>) target(%arg6 : memref<40x128xi32, #tpu.memory_space<vmem>>) target_semaphore(%run_scoped3A_102 : memref<!tpu.dma_semaphore, #tpu.memory_space<semaphore_mem>>)
      %dma_wait3A = arith.constant 0 : i32
      %dma_wait3A_107 = tpu.memref_slice %arg3[%add3A_33, %dma_wait3A] : memref<2560x128xi32, #tpu.memory_space<hbm>> -> memref<40x128xi32, #tpu.memory_space<hbm>>
      %dma_wait3A_108 = arith.constant 0 : i32
      %dma_wait3A_109 = tpu.memref_slice %arg3[%add3A_33, %dma_wait3A_108] : memref<2560x128xi32, #tpu.memory_space<hbm>> -> memref<40x128xi32, #tpu.memory_space<hbm>>
      tpu.wait_dma2 semaphore(%run_scoped3A_102 : memref<!tpu.dma_semaphore, #tpu.memory_space<semaphore_mem>>) src(%dma_wait3A_109 : memref<40x128xi32, #tpu.memory_space<hbm>>) dst(%arg6 : memref<40x128xi32, #tpu.memory_space<vmem>>)
      tpu.yield
    }) : () -> ()
    "tpu.region"() ({
      %run_scoped3A_102 = tpu.sem_alloc : memref<!tpu.dma_semaphore, #tpu.memory_space<semaphore_mem>>
      %dma_start3A_103 = arith.constant 0 : i32
      %dma_start3A_104 = tpu.memref_slice %arg4[%add3A_33, %dma_start3A_103] : memref<2560x128xi32, #tpu.memory_space<hbm>> -> memref<40x128xi32, #tpu.memory_space<hbm>>
      %dma_start3A_105 = arith.constant 0 : i32
      %dma_start3A_106 = tpu.memref_slice %arg4[%add3A_33, %dma_start3A_105] : memref<2560x128xi32, #tpu.memory_space<hbm>> -> memref<40x128xi32, #tpu.memory_space<hbm>>
      tpu.enqueue_dma source(%dma_start3A_106 : memref<40x128xi32, #tpu.memory_space<hbm>>) target(%arg7 : memref<40x128xi32, #tpu.memory_space<vmem>>) target_semaphore(%run_scoped3A_102 : memref<!tpu.dma_semaphore, #tpu.memory_space<semaphore_mem>>)
      %dma_wait3A = arith.constant 0 : i32
      %dma_wait3A_107 = tpu.memref_slice %arg4[%add3A_33, %dma_wait3A] : memref<2560x128xi32, #tpu.memory_space<hbm>> -> memref<40x128xi32, #tpu.memory_space<hbm>>
      %dma_wait3A_108 = arith.constant 0 : i32
      %dma_wait3A_109 = tpu.memref_slice %arg4[%add3A_33, %dma_wait3A_108] : memref<2560x128xi32, #tpu.memory_space<hbm>> -> memref<40x128xi32, #tpu.memory_space<hbm>>
      tpu.wait_dma2 semaphore(%run_scoped3A_102 : memref<!tpu.dma_semaphore, #tpu.memory_space<semaphore_mem>>) src(%dma_wait3A_109 : memref<40x128xi32, #tpu.memory_space<hbm>>) dst(%arg7 : memref<40x128xi32, #tpu.memory_space<vmem>>)
      tpu.yield
    }) : () -> ()
    %dma_start3A = arith.constant 0 : i32
    %dma_start3A_34 = arith.constant 0 : i32
    %dma_start3A_35 = arith.constant 0 : i32
    %dma_start3A_36 = arith.constant 0 : i32
    %dma_start3A_37 = tpu.memref_slice %arg8[%dma_start3A_34, %dma_start3A_35, %dma_start3A_36] : memref<2x128x128xf32, #tpu.memory_space<vmem>> -> memref<1x128x128xf32, #tpu.memory_space<vmem>>
    %dma_start3A_38 = tpu.memref_squeeze %dma_start3A_37 : memref<1x128x128xf32, #tpu.memory_space<vmem>> -> memref<128x128xf32, #tpu.memory_space<vmem>>
    %dma_start3A_39 = arith.constant 0 : i32
    %dma_start3A_40 = tpu.memref_slice %arg6[%dma_start3A, %dma_start3A_39] : memref<40x128xi32, #tpu.memory_space<vmem>> -> memref<1x128xi32, #tpu.memory_space<vmem>>
    %dma_start3A_41 = tpu.memref_squeeze %dma_start3A_40 : memref<1x128xi32, #tpu.memory_space<vmem>> -> memref<128xi32, #tpu.memory_space<vmem>>
    %dma_start3A_42 = arith.constant 0 : i32
    %dma_start3A_43 = arith.constant 0 : i32
    %dma_start3A_44 = tpu.memref_slice %arg2[%dma_start3A_42, %dma_start3A_43] : memref<10000x128xf32, #tpu.memory_space<hbm>> -> memref<10000x128xf32, #tpu.memory_space<hbm>>
    tpu.enqueue_indirect_dma source(%dma_start3A_44 : memref<10000x128xf32, #tpu.memory_space<hbm>>) target(%dma_start3A_38 : memref<128x128xf32, #tpu.memory_space<vmem>>) offsets(%dma_start3A_41 : memref<128xi32, #tpu.memory_space<vmem>>) semaphore(%arg10 : memref<!tpu.dma_semaphore, #tpu.memory_space<semaphore_mem>>)
    %dma_start3A_45 = arith.constant 1 : i32
    %dma_start3A_46 = arith.constant 1 : i32
    %dma_start3A_47 = arith.constant 0 : i32
    %dma_start3A_48 = arith.constant 0 : i32
    %dma_start3A_49 = tpu.memref_slice %arg8[%dma_start3A_46, %dma_start3A_47, %dma_start3A_48] : memref<2x128x128xf32, #tpu.memory_space<vmem>> -> memref<1x128x128xf32, #tpu.memory_space<vmem>>
    %dma_start3A_50 = tpu.memref_squeeze %dma_start3A_49 : memref<1x128x128xf32, #tpu.memory_space<vmem>> -> memref<128x128xf32, #tpu.memory_space<vmem>>
    %dma_start3A_51 = arith.constant 0 : i32
    %dma_start3A_52 = tpu.memref_slice %arg6[%dma_start3A_45, %dma_start3A_51] : memref<40x128xi32, #tpu.memory_space<vmem>> -> memref<1x128xi32, #tpu.memory_space<vmem>>
    %dma_start3A_53 = tpu.memref_squeeze %dma_start3A_52 : memref<1x128xi32, #tpu.memory_space<vmem>> -> memref<128xi32, #tpu.memory_space<vmem>>
    %dma_start3A_54 = arith.constant 0 : i32
    %dma_start3A_55 = arith.constant 0 : i32
    %dma_start3A_56 = tpu.memref_slice %arg2[%dma_start3A_54, %dma_start3A_55] : memref<10000x128xf32, #tpu.memory_space<hbm>> -> memref<10000x128xf32, #tpu.memory_space<hbm>>
    tpu.enqueue_indirect_dma source(%dma_start3A_56 : memref<10000x128xf32, #tpu.memory_space<hbm>>) target(%dma_start3A_50 : memref<128x128xf32, #tpu.memory_space<vmem>>) offsets(%dma_start3A_53 : memref<128xi32, #tpu.memory_space<vmem>>) semaphore(%arg11 : memref<!tpu.dma_semaphore, #tpu.memory_space<semaphore_mem>>)
    %scan3A_57 = arith.constant 0 : i32
    %scan3A_58 = arith.constant 0 : i32
    %scan3A_59 = arith.constant 20 : i32
    %scan3A_60 = arith.addi %scan3A_58, %scan3A_59 : i32
    %scan3A_61 = arith.constant 1 : i32
    scf.for %scan3A_102 = %scan3A_58 to %scan3A_60 step %scan3A_61  : i32 {
      %mul3A_103 = arith.constant 2 : i32
      %mul3A_104 = arith.muli %scan3A_102, %mul3A_103 : i32
      %add3A_105 = arith.constant 0 : i32
      %add3A_106 = arith.addi %mul3A_104, %add3A_105 : i32
      %dma_wait3A = arith.constant 0 : i32
      %dma_wait3A_107 = arith.constant 0 : i32
      %dma_wait3A_108 = arith.constant 0 : i32
      %dma_wait3A_109 = tpu.memref_slice %arg8[%dma_wait3A, %dma_wait3A_107, %dma_wait3A_108] : memref<2x128x128xf32, #tpu.memory_space<vmem>> -> memref<1x128x128xf32, #tpu.memory_space<vmem>>
      %dma_wait3A_110 = tpu.memref_squeeze %dma_wait3A_109 : memref<1x128x128xf32, #tpu.memory_space<vmem>> -> memref<128x128xf32, #tpu.memory_space<vmem>>
      %dma_wait3A_111 = arith.constant 0 : i32
      %dma_wait3A_112 = tpu.memref_slice %arg6[%add3A_106, %dma_wait3A_111] : memref<40x128xi32, #tpu.memory_space<vmem>> -> memref<1x128xi32, #tpu.memory_space<vmem>>
      %dma_wait3A_113 = tpu.memref_squeeze %dma_wait3A_112 : memref<1x128xi32, #tpu.memory_space<vmem>> -> memref<128xi32, #tpu.memory_space<vmem>>
      %dma_wait3A_114 = arith.constant 0 : i32
      %dma_wait3A_115 = arith.constant 0 : i32
      %dma_wait3A_116 = tpu.memref_slice %arg2[%dma_wait3A_114, %dma_wait3A_115] : memref<10000x128xf32, #tpu.memory_space<hbm>> -> memref<10000x128xf32, #tpu.memory_space<hbm>>
      tpu.wait_indirect_dma semaphore(%arg10 : memref<!tpu.dma_semaphore, #tpu.memory_space<semaphore_mem>>) src(%dma_wait3A_116 : memref<10000x128xf32, #tpu.memory_space<hbm>>) dst(%dma_wait3A_110 : memref<128x128xf32, #tpu.memory_space<vmem>>)
      %run_scoped3A_117 = arith.constant 0 : i32
      "tpu.region"() ({
        %run_scoped3A_146 = tpu.sem_alloc : memref<!tpu.dma_semaphore, #tpu.memory_space<semaphore_mem>>
        %dma_start3A_147 = arith.constant 0 : i32
        %dma_start3A_148 = arith.constant 0 : i32
        %dma_start3A_149 = tpu.memref_slice %arg8[%run_scoped3A_117, %dma_start3A_147, %dma_start3A_148] : memref<2x128x128xf32, #tpu.memory_space<vmem>> -> memref<1x128x128xf32, #tpu.memory_space<vmem>>
        %dma_start3A_150 = tpu.memref_squeeze %dma_start3A_149 : memref<1x128x128xf32, #tpu.memory_space<vmem>> -> memref<128x128xf32, #tpu.memory_space<vmem>>
        %dma_start3A_151 = arith.constant 0 : i32
        %dma_start3A_152 = tpu.memref_slice %arg7[%add3A_106, %dma_start3A_151] : memref<40x128xi32, #tpu.memory_space<vmem>> -> memref<1x128xi32, #tpu.memory_space<vmem>>
        %dma_start3A_153 = tpu.memref_squeeze %dma_start3A_152 : memref<1x128xi32, #tpu.memory_space<vmem>> -> memref<128xi32, #tpu.memory_space<vmem>>
        %dma_start3A_154 = arith.constant 0 : i32
        %dma_start3A_155 = arith.constant 0 : i32
        %dma_start3A_156 = tpu.memref_slice %arg9[%dma_start3A_154, %dma_start3A_155] : memref<10240x128xf32, #tpu.memory_space<vmem_shared>> -> memref<10240x128xf32, #tpu.memory_space<vmem_shared>>
        tpu.enqueue_indirect_dma source(%dma_start3A_150 : memref<128x128xf32, #tpu.memory_space<vmem>>) target(%dma_start3A_156 : memref<10240x128xf32, #tpu.memory_space<vmem_shared>>) offsets(%dma_start3A_153 : memref<128xi32, #tpu.memory_space<vmem>>) semaphore(%run_scoped3A_146 : memref<!tpu.dma_semaphore, #tpu.memory_space<semaphore_mem>>) {add = true}
        %dma_wait3A_157 = arith.constant 0 : i32
        %dma_wait3A_158 = arith.constant 0 : i32
        %dma_wait3A_159 = tpu.memref_slice %arg8[%run_scoped3A_117, %dma_wait3A_157, %dma_wait3A_158] : memref<2x128x128xf32, #tpu.memory_space<vmem>> -> memref<1x128x128xf32, #tpu.memory_space<vmem>>
        %dma_wait3A_160 = tpu.memref_squeeze %dma_wait3A_159 : memref<1x128x128xf32, #tpu.memory_space<vmem>> -> memref<128x128xf32, #tpu.memory_space<vmem>>
        %dma_wait3A_161 = arith.constant 0 : i32
        %dma_wait3A_162 = tpu.memref_slice %arg7[%add3A_106, %dma_wait3A_161] : memref<40x128xi32, #tpu.memory_space<vmem>> -> memref<1x128xi32, #tpu.memory_space<vmem>>
        %dma_wait3A_163 = tpu.memref_squeeze %dma_wait3A_162 : memref<1x128xi32, #tpu.memory_space<vmem>> -> memref<128xi32, #tpu.memory_space<vmem>>
        %dma_wait3A_164 = arith.constant 0 : i32
        %dma_wait3A_165 = arith.constant 0 : i32
        %dma_wait3A_166 = tpu.memref_slice %arg9[%dma_wait3A_164, %dma_wait3A_165] : memref<10240x128xf32, #tpu.memory_space<vmem_shared>> -> memref<10240x128xf32, #tpu.memory_space<vmem_shared>>
        tpu.wait_indirect_dma semaphore(%run_scoped3A_146 : memref<!tpu.dma_semaphore, #tpu.memory_space<semaphore_mem>>) src(%dma_wait3A_160 : memref<128x128xf32, #tpu.memory_space<vmem>>) dst(%dma_wait3A_166 : memref<10240x128xf32, #tpu.memory_space<vmem_shared>>)
        tpu.yield
      }) : () -> ()
      %add3A_118 = arith.constant 2 : i32
      %add3A_119 = arith.addi %add3A_106, %add3A_118 : i32
      %lt3A_120 = arith.constant 40 : i32
      %lt3A_121 = arith.cmpi slt, %add3A_119, %lt3A_120 : i32
      %convert_element_type3A_122 = arith.extui %lt3A_121 : i1 to i32
      %cond3A_123 = arith.constant 0 : i32
      %cond3A_124 = arith.cmpi ne, %convert_element_type3A_122, %cond3A_123 : i32
      scf.if %cond3A_124 {
        %add3A_146 = arith.constant 2 : i32
        %add3A_147 = arith.addi %add3A_106, %add3A_146 : i32
        %dma_start3A_148 = arith.constant 0 : i32
        %dma_start3A_149 = arith.constant 0 : i32
        %dma_start3A_150 = arith.constant 0 : i32
        %dma_start3A_151 = tpu.memref_slice %arg8[%dma_start3A_148, %dma_start3A_149, %dma_start3A_150] : memref<2x128x128xf32, #tpu.memory_space<vmem>> -> memref<1x128x128xf32, #tpu.memory_space<vmem>>
        %dma_start3A_152 = tpu.memref_squeeze %dma_start3A_151 : memref<1x128x128xf32, #tpu.memory_space<vmem>> -> memref<128x128xf32, #tpu.memory_space<vmem>>
        %dma_start3A_153 = arith.constant 0 : i32
        %dma_start3A_154 = tpu.memref_slice %arg6[%add3A_147, %dma_start3A_153] : memref<40x128xi32, #tpu.memory_space<vmem>> -> memref<1x128xi32, #tpu.memory_space<vmem>>
        %dma_start3A_155 = tpu.memref_squeeze %dma_start3A_154 : memref<1x128xi32, #tpu.memory_space<vmem>> -> memref<128xi32, #tpu.memory_space<vmem>>
        %dma_start3A_156 = arith.constant 0 : i32
        %dma_start3A_157 = arith.constant 0 : i32
        %dma_start3A_158 = tpu.memref_slice %arg2[%dma_start3A_156, %dma_start3A_157] : memref<10000x128xf32, #tpu.memory_space<hbm>> -> memref<10000x128xf32, #tpu.memory_space<hbm>>
        tpu.enqueue_indirect_dma source(%dma_start3A_158 : memref<10000x128xf32, #tpu.memory_space<hbm>>) target(%dma_start3A_152 : memref<128x128xf32, #tpu.memory_space<vmem>>) offsets(%dma_start3A_155 : memref<128xi32, #tpu.memory_space<vmem>>) semaphore(%arg10 : memref<!tpu.dma_semaphore, #tpu.memory_space<semaphore_mem>>)
      } else {
      }
      %add3A_125 = arith.constant 1 : i32
      %add3A_126 = arith.addi %mul3A_104, %add3A_125 : i32
      %dma_wait3A_127 = arith.constant 1 : i32
      %dma_wait3A_128 = arith.constant 0 : i32
      %dma_wait3A_129 = arith.constant 0 : i32
      %dma_wait3A_130 = tpu.memref_slice %arg8[%dma_wait3A_127, %dma_wait3A_128, %dma_wait3A_129] : memref<2x128x128xf32, #tpu.memory_space<vmem>> -> memref<1x128x128xf32, #tpu.memory_space<vmem>>
      %dma_wait3A_131 = tpu.memref_squeeze %dma_wait3A_130 : memref<1x128x128xf32, #tpu.memory_space<vmem>> -> memref<128x128xf32, #tpu.memory_space<vmem>>
      %dma_wait3A_132 = arith.constant 0 : i32
      %dma_wait3A_133 = tpu.memref_slice %arg6[%add3A_126, %dma_wait3A_132] : memref<40x128xi32, #tpu.memory_space<vmem>> -> memref<1x128xi32, #tpu.memory_space<vmem>>
      %dma_wait3A_134 = tpu.memref_squeeze %dma_wait3A_133 : memref<1x128xi32, #tpu.memory_space<vmem>> -> memref<128xi32, #tpu.memory_space<vmem>>
      %dma_wait3A_135 = arith.constant 0 : i32
      %dma_wait3A_136 = arith.constant 0 : i32
      %dma_wait3A_137 = tpu.memref_slice %arg2[%dma_wait3A_135, %dma_wait3A_136] : memref<10000x128xf32, #tpu.memory_space<hbm>> -> memref<10000x128xf32, #tpu.memory_space<hbm>>
      tpu.wait_indirect_dma semaphore(%arg11 : memref<!tpu.dma_semaphore, #tpu.memory_space<semaphore_mem>>) src(%dma_wait3A_137 : memref<10000x128xf32, #tpu.memory_space<hbm>>) dst(%dma_wait3A_131 : memref<128x128xf32, #tpu.memory_space<vmem>>)
      %run_scoped3A_138 = arith.constant 1 : i32
      "tpu.region"() ({
        %run_scoped3A_146 = tpu.sem_alloc : memref<!tpu.dma_semaphore, #tpu.memory_space<semaphore_mem>>
        %dma_start3A_147 = arith.constant 0 : i32
        %dma_start3A_148 = arith.constant 0 : i32
        %dma_start3A_149 = tpu.memref_slice %arg8[%run_scoped3A_138, %dma_start3A_147, %dma_start3A_148] : memref<2x128x128xf32, #tpu.memory_space<vmem>> -> memref<1x128x128xf32, #tpu.memory_space<vmem>>
        %dma_start3A_150 = tpu.memref_squeeze %dma_start3A_149 : memref<1x128x128xf32, #tpu.memory_space<vmem>> -> memref<128x128xf32, #tpu.memory_space<vmem>>
        %dma_start3A_151 = arith.constant 0 : i32
        %dma_start3A_152 = tpu.memref_slice %arg7[%add3A_126, %dma_start3A_151] : memref<40x128xi32, #tpu.memory_space<vmem>> -> memref<1x128xi32, #tpu.memory_space<vmem>>
        %dma_start3A_153 = tpu.memref_squeeze %dma_start3A_152 : memref<1x128xi32, #tpu.memory_space<vmem>> -> memref<128xi32, #tpu.memory_space<vmem>>
        %dma_start3A_154 = arith.constant 0 : i32
        %dma_start3A_155 = arith.constant 0 : i32
        %dma_start3A_156 = tpu.memref_slice %arg9[%dma_start3A_154, %dma_start3A_155] : memref<10240x128xf32, #tpu.memory_space<vmem_shared>> -> memref<10240x128xf32, #tpu.memory_space<vmem_shared>>
        tpu.enqueue_indirect_dma source(%dma_start3A_150 : memref<128x128xf32, #tpu.memory_space<vmem>>) target(%dma_start3A_156 : memref<10240x128xf32, #tpu.memory_space<vmem_shared>>) offsets(%dma_start3A_153 : memref<128xi32, #tpu.memory_space<vmem>>) semaphore(%run_scoped3A_146 : memref<!tpu.dma_semaphore, #tpu.memory_space<semaphore_mem>>) {add = true}
        %dma_wait3A_157 = arith.constant 0 : i32
        %dma_wait3A_158 = arith.constant 0 : i32
        %dma_wait3A_159 = tpu.memref_slice %arg8[%run_scoped3A_138, %dma_wait3A_157, %dma_wait3A_158] : memref<2x128x128xf32, #tpu.memory_space<vmem>> -> memref<1x128x128xf32, #tpu.memory_space<vmem>>
        %dma_wait3A_160 = tpu.memref_squeeze %dma_wait3A_159 : memref<1x128x128xf32, #tpu.memory_space<vmem>> -> memref<128x128xf32, #tpu.memory_space<vmem>>
        %dma_wait3A_161 = arith.constant 0 : i32
        %dma_wait3A_162 = tpu.memref_slice %arg7[%add3A_126, %dma_wait3A_161] : memref<40x128xi32, #tpu.memory_space<vmem>> -> memref<1x128xi32, #tpu.memory_space<vmem>>
        %dma_wait3A_163 = tpu.memref_squeeze %dma_wait3A_162 : memref<1x128xi32, #tpu.memory_space<vmem>> -> memref<128xi32, #tpu.memory_space<vmem>>
        %dma_wait3A_164 = arith.constant 0 : i32
        %dma_wait3A_165 = arith.constant 0 : i32
        %dma_wait3A_166 = tpu.memref_slice %arg9[%dma_wait3A_164, %dma_wait3A_165] : memref<10240x128xf32, #tpu.memory_space<vmem_shared>> -> memref<10240x128xf32, #tpu.memory_space<vmem_shared>>
        tpu.wait_indirect_dma semaphore(%run_scoped3A_146 : memref<!tpu.dma_semaphore, #tpu.memory_space<semaphore_mem>>) src(%dma_wait3A_160 : memref<128x128xf32, #tpu.memory_space<vmem>>) dst(%dma_wait3A_166 : memref<10240x128xf32, #tpu.memory_space<vmem_shared>>)
        tpu.yield
      }) : () -> ()
      %add3A_139 = arith.constant 2 : i32
      %add3A_140 = arith.addi %add3A_126, %add3A_139 : i32
      %lt3A_141 = arith.constant 40 : i32
      %lt3A_142 = arith.cmpi slt, %add3A_140, %lt3A_141 : i32
      %convert_element_type3A_143 = arith.extui %lt3A_142 : i1 to i32
      %cond3A_144 = arith.constant 0 : i32
      %cond3A_145 = arith.cmpi ne, %convert_element_type3A_143, %cond3A_144 : i32
      scf.if %cond3A_145 {
        %add3A_146 = arith.constant 2 : i32
        %add3A_147 = arith.addi %add3A_126, %add3A_146 : i32
        %dma_start3A_148 = arith.constant 1 : i32
        %dma_start3A_149 = arith.constant 0 : i32
        %dma_start3A_150 = arith.constant 0 : i32
        %dma_start3A_151 = tpu.memref_slice %arg8[%dma_start3A_148, %dma_start3A_149, %dma_start3A_150] : memref<2x128x128xf32, #tpu.memory_space<vmem>> -> memref<1x128x128xf32, #tpu.memory_space<vmem>>
        %dma_start3A_152 = tpu.memref_squeeze %dma_start3A_151 : memref<1x128x128xf32, #tpu.memory_space<vmem>> -> memref<128x128xf32, #tpu.memory_space<vmem>>
        %dma_start3A_153 = arith.constant 0 : i32
        %dma_start3A_154 = tpu.memref_slice %arg6[%add3A_147, %dma_start3A_153] : memref<40x128xi32, #tpu.memory_space<vmem>> -> memref<1x128xi32, #tpu.memory_space<vmem>>
        %dma_start3A_155 = tpu.memref_squeeze %dma_start3A_154 : memref<1x128xi32, #tpu.memory_space<vmem>> -> memref<128xi32, #tpu.memory_space<vmem>>
        %dma_start3A_156 = arith.constant 0 : i32
        %dma_start3A_157 = arith.constant 0 : i32
        %dma_start3A_158 = tpu.memref_slice %arg2[%dma_start3A_156, %dma_start3A_157] : memref<10000x128xf32, #tpu.memory_space<hbm>> -> memref<10000x128xf32, #tpu.memory_space<hbm>>
        tpu.enqueue_indirect_dma source(%dma_start3A_158 : memref<10000x128xf32, #tpu.memory_space<hbm>>) target(%dma_start3A_152 : memref<128x128xf32, #tpu.memory_space<vmem>>) offsets(%dma_start3A_155 : memref<128xi32, #tpu.memory_space<vmem>>) semaphore(%arg11 : memref<!tpu.dma_semaphore, #tpu.memory_space<semaphore_mem>>)
      } else {
      }
    }
    %scan3A_62 = arith.constant 20 : i32
    %add3A_63 = arith.constant 40 : i32
    %add3A_64 = arith.addi %mul3A_2, %add3A_63 : i32
    "tpu.region"() ({
      %run_scoped3A_102 = tpu.sem_alloc : memref<!tpu.dma_semaphore, #tpu.memory_space<semaphore_mem>>
      %dma_start3A_103 = arith.constant 0 : i32
      %dma_start3A_104 = tpu.memref_slice %arg3[%add3A_64, %dma_start3A_103] : memref<2560x128xi32, #tpu.memory_space<hbm>> -> memref<40x128xi32, #tpu.memory_space<hbm>>
      %dma_start3A_105 = arith.constant 0 : i32
      %dma_start3A_106 = tpu.memref_slice %arg3[%add3A_64, %dma_start3A_105] : memref<2560x128xi32, #tpu.memory_space<hbm>> -> memref<40x128xi32, #tpu.memory_space<hbm>>
      tpu.enqueue_dma source(%dma_start3A_106 : memref<40x128xi32, #tpu.memory_space<hbm>>) target(%arg6 : memref<40x128xi32, #tpu.memory_space<vmem>>) target_semaphore(%run_scoped3A_102 : memref<!tpu.dma_semaphore, #tpu.memory_space<semaphore_mem>>)
      %dma_wait3A = arith.constant 0 : i32
      %dma_wait3A_107 = tpu.memref_slice %arg3[%add3A_64, %dma_wait3A] : memref<2560x128xi32, #tpu.memory_space<hbm>> -> memref<40x128xi32, #tpu.memory_space<hbm>>
      %dma_wait3A_108 = arith.constant 0 : i32
      %dma_wait3A_109 = tpu.memref_slice %arg3[%add3A_64, %dma_wait3A_108] : memref<2560x128xi32, #tpu.memory_space<hbm>> -> memref<40x128xi32, #tpu.memory_space<hbm>>
      tpu.wait_dma2 semaphore(%run_scoped3A_102 : memref<!tpu.dma_semaphore, #tpu.memory_space<semaphore_mem>>) src(%dma_wait3A_109 : memref<40x128xi32, #tpu.memory_space<hbm>>) dst(%arg6 : memref<40x128xi32, #tpu.memory_space<vmem>>)
      tpu.yield
    }) : () -> ()
    "tpu.region"() ({
      %run_scoped3A_102 = tpu.sem_alloc : memref<!tpu.dma_semaphore, #tpu.memory_space<semaphore_mem>>
      %dma_start3A_103 = arith.constant 0 : i32
      %dma_start3A_104 = tpu.memref_slice %arg4[%add3A_64, %dma_start3A_103] : memref<2560x128xi32, #tpu.memory_space<hbm>> -> memref<40x128xi32, #tpu.memory_space<hbm>>
      %dma_start3A_105 = arith.constant 0 : i32
      %dma_start3A_106 = tpu.memref_slice %arg4[%add3A_64, %dma_start3A_105] : memref<2560x128xi32, #tpu.memory_space<hbm>> -> memref<40x128xi32, #tpu.memory_space<hbm>>
      tpu.enqueue_dma source(%dma_start3A_106 : memref<40x128xi32, #tpu.memory_space<hbm>>) target(%arg7 : memref<40x128xi32, #tpu.memory_space<vmem>>) target_semaphore(%run_scoped3A_102 : memref<!tpu.dma_semaphore, #tpu.memory_space<semaphore_mem>>)
      %dma_wait3A = arith.constant 0 : i32
      %dma_wait3A_107 = tpu.memref_slice %arg4[%add3A_64, %dma_wait3A] : memref<2560x128xi32, #tpu.memory_space<hbm>> -> memref<40x128xi32, #tpu.memory_space<hbm>>
      %dma_wait3A_108 = arith.constant 0 : i32
      %dma_wait3A_109 = tpu.memref_slice %arg4[%add3A_64, %dma_wait3A_108] : memref<2560x128xi32, #tpu.memory_space<hbm>> -> memref<40x128xi32, #tpu.memory_space<hbm>>
      tpu.wait_dma2 semaphore(%run_scoped3A_102 : memref<!tpu.dma_semaphore, #tpu.memory_space<semaphore_mem>>) src(%dma_wait3A_109 : memref<40x128xi32, #tpu.memory_space<hbm>>) dst(%arg7 : memref<40x128xi32, #tpu.memory_space<vmem>>)
      tpu.yield
    }) : () -> ()
    %dma_start3A_65 = arith.constant 0 : i32
    %dma_start3A_66 = arith.constant 0 : i32
    %dma_start3A_67 = arith.constant 0 : i32
    %dma_start3A_68 = arith.constant 0 : i32
    %dma_start3A_69 = tpu.memref_slice %arg8[%dma_start3A_66, %dma_start3A_67, %dma_start3A_68] : memref<2x128x128xf32, #tpu.memory_space<vmem>> -> memref<1x128x128xf32, #tpu.memory_space<vmem>>
    %dma_start3A_70 = tpu.memref_squeeze %dma_start3A_69 : memref<1x128x128xf32, #tpu.memory_space<vmem>> -> memref<128x128xf32, #tpu.memory_space<vmem>>
    %dma_start3A_71 = arith.constant 0 : i32
    %dma_start3A_72 = tpu.memref_slice %arg6[%dma_start3A_65, %dma_start3A_71] : memref<40x128xi32, #tpu.memory_space<vmem>> -> memref<1x128xi32, #tpu.memory_space<vmem>>
    %dma_start3A_73 = tpu.memref_squeeze %dma_start3A_72 : memref<1x128xi32, #tpu.memory_space<vmem>> -> memref<128xi32, #tpu.memory_space<vmem>>
    %dma_start3A_74 = arith.constant 0 : i32
    %dma_start3A_75 = arith.constant 0 : i32
    %dma_start3A_76 = tpu.memref_slice %arg2[%dma_start3A_74, %dma_start3A_75] : memref<10000x128xf32, #tpu.memory_space<hbm>> -> memref<10000x128xf32, #tpu.memory_space<hbm>>
    tpu.enqueue_indirect_dma source(%dma_start3A_76 : memref<10000x128xf32, #tpu.memory_space<hbm>>) target(%dma_start3A_70 : memref<128x128xf32, #tpu.memory_space<vmem>>) offsets(%dma_start3A_73 : memref<128xi32, #tpu.memory_space<vmem>>) semaphore(%arg10 : memref<!tpu.dma_semaphore, #tpu.memory_space<semaphore_mem>>)
    %dma_start3A_77 = arith.constant 1 : i32
    %dma_start3A_78 = arith.constant 1 : i32
    %dma_start3A_79 = arith.constant 0 : i32
    %dma_start3A_80 = arith.constant 0 : i32
    %dma_start3A_81 = tpu.memref_slice %arg8[%dma_start3A_78, %dma_start3A_79, %dma_start3A_80] : memref<2x128x128xf32, #tpu.memory_space<vmem>> -> memref<1x128x128xf32, #tpu.memory_space<vmem>>
    %dma_start3A_82 = tpu.memref_squeeze %dma_start3A_81 : memref<1x128x128xf32, #tpu.memory_space<vmem>> -> memref<128x128xf32, #tpu.memory_space<vmem>>
    %dma_start3A_83 = arith.constant 0 : i32
    %dma_start3A_84 = tpu.memref_slice %arg6[%dma_start3A_77, %dma_start3A_83] : memref<40x128xi32, #tpu.memory_space<vmem>> -> memref<1x128xi32, #tpu.memory_space<vmem>>
    %dma_start3A_85 = tpu.memref_squeeze %dma_start3A_84 : memref<1x128xi32, #tpu.memory_space<vmem>> -> memref<128xi32, #tpu.memory_space<vmem>>
    %dma_start3A_86 = arith.constant 0 : i32
    %dma_start3A_87 = arith.constant 0 : i32
    %dma_start3A_88 = tpu.memref_slice %arg2[%dma_start3A_86, %dma_start3A_87] : memref<10000x128xf32, #tpu.memory_space<hbm>> -> memref<10000x128xf32, #tpu.memory_space<hbm>>
    tpu.enqueue_indirect_dma source(%dma_start3A_88 : memref<10000x128xf32, #tpu.memory_space<hbm>>) target(%dma_start3A_82 : memref<128x128xf32, #tpu.memory_space<vmem>>) offsets(%dma_start3A_85 : memref<128xi32, #tpu.memory_space<vmem>>) semaphore(%arg11 : memref<!tpu.dma_semaphore, #tpu.memory_space<semaphore_mem>>)
    %scan3A_89 = arith.constant 0 : i32
    %scan3A_90 = arith.constant 0 : i32
    %scan3A_91 = arith.constant 20 : i32
    %scan3A_92 = arith.addi %scan3A_90, %scan3A_91 : i32
    %scan3A_93 = arith.constant 1 : i32
    scf.for %scan3A_102 = %scan3A_90 to %scan3A_92 step %scan3A_93  : i32 {
      %mul3A_103 = arith.constant 2 : i32
      %mul3A_104 = arith.muli %scan3A_102, %mul3A_103 : i32
      %add3A_105 = arith.constant 0 : i32
      %add3A_106 = arith.addi %mul3A_104, %add3A_105 : i32
      %dma_wait3A = arith.constant 0 : i32
      %dma_wait3A_107 = arith.constant 0 : i32
      %dma_wait3A_108 = arith.constant 0 : i32
      %dma_wait3A_109 = tpu.memref_slice %arg8[%dma_wait3A, %dma_wait3A_107, %dma_wait3A_108] : memref<2x128x128xf32, #tpu.memory_space<vmem>> -> memref<1x128x128xf32, #tpu.memory_space<vmem>>
      %dma_wait3A_110 = tpu.memref_squeeze %dma_wait3A_109 : memref<1x128x128xf32, #tpu.memory_space<vmem>> -> memref<128x128xf32, #tpu.memory_space<vmem>>
      %dma_wait3A_111 = arith.constant 0 : i32
      %dma_wait3A_112 = tpu.memref_slice %arg6[%add3A_106, %dma_wait3A_111] : memref<40x128xi32, #tpu.memory_space<vmem>> -> memref<1x128xi32, #tpu.memory_space<vmem>>
      %dma_wait3A_113 = tpu.memref_squeeze %dma_wait3A_112 : memref<1x128xi32, #tpu.memory_space<vmem>> -> memref<128xi32, #tpu.memory_space<vmem>>
      %dma_wait3A_114 = arith.constant 0 : i32
      %dma_wait3A_115 = arith.constant 0 : i32
      %dma_wait3A_116 = tpu.memref_slice %arg2[%dma_wait3A_114, %dma_wait3A_115] : memref<10000x128xf32, #tpu.memory_space<hbm>> -> memref<10000x128xf32, #tpu.memory_space<hbm>>
      tpu.wait_indirect_dma semaphore(%arg10 : memref<!tpu.dma_semaphore, #tpu.memory_space<semaphore_mem>>) src(%dma_wait3A_116 : memref<10000x128xf32, #tpu.memory_space<hbm>>) dst(%dma_wait3A_110 : memref<128x128xf32, #tpu.memory_space<vmem>>)
      %run_scoped3A_117 = arith.constant 0 : i32
      "tpu.region"() ({
        %run_scoped3A_146 = tpu.sem_alloc : memref<!tpu.dma_semaphore, #tpu.memory_space<semaphore_mem>>
        %dma_start3A_147 = arith.constant 0 : i32
        %dma_start3A_148 = arith.constant 0 : i32
        %dma_start3A_149 = tpu.memref_slice %arg8[%run_scoped3A_117, %dma_start3A_147, %dma_start3A_148] : memref<2x128x128xf32, #tpu.memory_space<vmem>> -> memref<1x128x128xf32, #tpu.memory_space<vmem>>
        %dma_start3A_150 = tpu.memref_squeeze %dma_start3A_149 : memref<1x128x128xf32, #tpu.memory_space<vmem>> -> memref<128x128xf32, #tpu.memory_space<vmem>>
        %dma_start3A_151 = arith.constant 0 : i32
        %dma_start3A_152 = tpu.memref_slice %arg7[%add3A_106, %dma_start3A_151] : memref<40x128xi32, #tpu.memory_space<vmem>> -> memref<1x128xi32, #tpu.memory_space<vmem>>
        %dma_start3A_153 = tpu.memref_squeeze %dma_start3A_152 : memref<1x128xi32, #tpu.memory_space<vmem>> -> memref<128xi32, #tpu.memory_space<vmem>>
        %dma_start3A_154 = arith.constant 0 : i32
        %dma_start3A_155 = arith.constant 0 : i32
        %dma_start3A_156 = tpu.memref_slice %arg9[%dma_start3A_154, %dma_start3A_155] : memref<10240x128xf32, #tpu.memory_space<vmem_shared>> -> memref<10240x128xf32, #tpu.memory_space<vmem_shared>>
        tpu.enqueue_indirect_dma source(%dma_start3A_150 : memref<128x128xf32, #tpu.memory_space<vmem>>) target(%dma_start3A_156 : memref<10240x128xf32, #tpu.memory_space<vmem_shared>>) offsets(%dma_start3A_153 : memref<128xi32, #tpu.memory_space<vmem>>) semaphore(%run_scoped3A_146 : memref<!tpu.dma_semaphore, #tpu.memory_space<semaphore_mem>>) {add = true}
        %dma_wait3A_157 = arith.constant 0 : i32
        %dma_wait3A_158 = arith.constant 0 : i32
        %dma_wait3A_159 = tpu.memref_slice %arg8[%run_scoped3A_117, %dma_wait3A_157, %dma_wait3A_158] : memref<2x128x128xf32, #tpu.memory_space<vmem>> -> memref<1x128x128xf32, #tpu.memory_space<vmem>>
        %dma_wait3A_160 = tpu.memref_squeeze %dma_wait3A_159 : memref<1x128x128xf32, #tpu.memory_space<vmem>> -> memref<128x128xf32, #tpu.memory_space<vmem>>
        %dma_wait3A_161 = arith.constant 0 : i32
        %dma_wait3A_162 = tpu.memref_slice %arg7[%add3A_106, %dma_wait3A_161] : memref<40x128xi32, #tpu.memory_space<vmem>> -> memref<1x128xi32, #tpu.memory_space<vmem>>
        %dma_wait3A_163 = tpu.memref_squeeze %dma_wait3A_162 : memref<1x128xi32, #tpu.memory_space<vmem>> -> memref<128xi32, #tpu.memory_space<vmem>>
        %dma_wait3A_164 = arith.constant 0 : i32
        %dma_wait3A_165 = arith.constant 0 : i32
        %dma_wait3A_166 = tpu.memref_slice %arg9[%dma_wait3A_164, %dma_wait3A_165] : memref<10240x128xf32, #tpu.memory_space<vmem_shared>> -> memref<10240x128xf32, #tpu.memory_space<vmem_shared>>
        tpu.wait_indirect_dma semaphore(%run_scoped3A_146 : memref<!tpu.dma_semaphore, #tpu.memory_space<semaphore_mem>>) src(%dma_wait3A_160 : memref<128x128xf32, #tpu.memory_space<vmem>>) dst(%dma_wait3A_166 : memref<10240x128xf32, #tpu.memory_space<vmem_shared>>)
        tpu.yield
      }) : () -> ()
      %add3A_118 = arith.constant 2 : i32
      %add3A_119 = arith.addi %add3A_106, %add3A_118 : i32
      %lt3A_120 = arith.constant 40 : i32
      %lt3A_121 = arith.cmpi slt, %add3A_119, %lt3A_120 : i32
      %convert_element_type3A_122 = arith.extui %lt3A_121 : i1 to i32
      %cond3A_123 = arith.constant 0 : i32
      %cond3A_124 = arith.cmpi ne, %convert_element_type3A_122, %cond3A_123 : i32
      scf.if %cond3A_124 {
        %add3A_146 = arith.constant 2 : i32
        %add3A_147 = arith.addi %add3A_106, %add3A_146 : i32
        %dma_start3A_148 = arith.constant 0 : i32
        %dma_start3A_149 = arith.constant 0 : i32
        %dma_start3A_150 = arith.constant 0 : i32
        %dma_start3A_151 = tpu.memref_slice %arg8[%dma_start3A_148, %dma_start3A_149, %dma_start3A_150] : memref<2x128x128xf32, #tpu.memory_space<vmem>> -> memref<1x128x128xf32, #tpu.memory_space<vmem>>
        %dma_start3A_152 = tpu.memref_squeeze %dma_start3A_151 : memref<1x128x128xf32, #tpu.memory_space<vmem>> -> memref<128x128xf32, #tpu.memory_space<vmem>>
        %dma_start3A_153 = arith.constant 0 : i32
        %dma_start3A_154 = tpu.memref_slice %arg6[%add3A_147, %dma_start3A_153] : memref<40x128xi32, #tpu.memory_space<vmem>> -> memref<1x128xi32, #tpu.memory_space<vmem>>
        %dma_start3A_155 = tpu.memref_squeeze %dma_start3A_154 : memref<1x128xi32, #tpu.memory_space<vmem>> -> memref<128xi32, #tpu.memory_space<vmem>>
        %dma_start3A_156 = arith.constant 0 : i32
        %dma_start3A_157 = arith.constant 0 : i32
        %dma_start3A_158 = tpu.memref_slice %arg2[%dma_start3A_156, %dma_start3A_157] : memref<10000x128xf32, #tpu.memory_space<hbm>> -> memref<10000x128xf32, #tpu.memory_space<hbm>>
        tpu.enqueue_indirect_dma source(%dma_start3A_158 : memref<10000x128xf32, #tpu.memory_space<hbm>>) target(%dma_start3A_152 : memref<128x128xf32, #tpu.memory_space<vmem>>) offsets(%dma_start3A_155 : memref<128xi32, #tpu.memory_space<vmem>>) semaphore(%arg10 : memref<!tpu.dma_semaphore, #tpu.memory_space<semaphore_mem>>)
      } else {
      }
      %add3A_125 = arith.constant 1 : i32
      %add3A_126 = arith.addi %mul3A_104, %add3A_125 : i32
      %dma_wait3A_127 = arith.constant 1 : i32
      %dma_wait3A_128 = arith.constant 0 : i32
      %dma_wait3A_129 = arith.constant 0 : i32
      %dma_wait3A_130 = tpu.memref_slice %arg8[%dma_wait3A_127, %dma_wait3A_128, %dma_wait3A_129] : memref<2x128x128xf32, #tpu.memory_space<vmem>> -> memref<1x128x128xf32, #tpu.memory_space<vmem>>
      %dma_wait3A_131 = tpu.memref_squeeze %dma_wait3A_130 : memref<1x128x128xf32, #tpu.memory_space<vmem>> -> memref<128x128xf32, #tpu.memory_space<vmem>>
      %dma_wait3A_132 = arith.constant 0 : i32
      %dma_wait3A_133 = tpu.memref_slice %arg6[%add3A_126, %dma_wait3A_132] : memref<40x128xi32, #tpu.memory_space<vmem>> -> memref<1x128xi32, #tpu.memory_space<vmem>>
      %dma_wait3A_134 = tpu.memref_squeeze %dma_wait3A_133 : memref<1x128xi32, #tpu.memory_space<vmem>> -> memref<128xi32, #tpu.memory_space<vmem>>
      %dma_wait3A_135 = arith.constant 0 : i32
      %dma_wait3A_136 = arith.constant 0 : i32
      %dma_wait3A_137 = tpu.memref_slice %arg2[%dma_wait3A_135, %dma_wait3A_136] : memref<10000x128xf32, #tpu.memory_space<hbm>> -> memref<10000x128xf32, #tpu.memory_space<hbm>>
      tpu.wait_indirect_dma semaphore(%arg11 : memref<!tpu.dma_semaphore, #tpu.memory_space<semaphore_mem>>) src(%dma_wait3A_137 : memref<10000x128xf32, #tpu.memory_space<hbm>>) dst(%dma_wait3A_131 : memref<128x128xf32, #tpu.memory_space<vmem>>)
      %run_scoped3A_138 = arith.constant 1 : i32
      "tpu.region"() ({
        %run_scoped3A_146 = tpu.sem_alloc : memref<!tpu.dma_semaphore, #tpu.memory_space<semaphore_mem>>
        %dma_start3A_147 = arith.constant 0 : i32
        %dma_start3A_148 = arith.constant 0 : i32
        %dma_start3A_149 = tpu.memref_slice %arg8[%run_scoped3A_138, %dma_start3A_147, %dma_start3A_148] : memref<2x128x128xf32, #tpu.memory_space<vmem>> -> memref<1x128x128xf32, #tpu.memory_space<vmem>>
        %dma_start3A_150 = tpu.memref_squeeze %dma_start3A_149 : memref<1x128x128xf32, #tpu.memory_space<vmem>> -> memref<128x128xf32, #tpu.memory_space<vmem>>
        %dma_start3A_151 = arith.constant 0 : i32
        %dma_start3A_152 = tpu.memref_slice %arg7[%add3A_126, %dma_start3A_151] : memref<40x128xi32, #tpu.memory_space<vmem>> -> memref<1x128xi32, #tpu.memory_space<vmem>>
        %dma_start3A_153 = tpu.memref_squeeze %dma_start3A_152 : memref<1x128xi32, #tpu.memory_space<vmem>> -> memref<128xi32, #tpu.memory_space<vmem>>
        %dma_start3A_154 = arith.constant 0 : i32
        %dma_start3A_155 = arith.constant 0 : i32
        %dma_start3A_156 = tpu.memref_slice %arg9[%dma_start3A_154, %dma_start3A_155] : memref<10240x128xf32, #tpu.memory_space<vmem_shared>> -> memref<10240x128xf32, #tpu.memory_space<vmem_shared>>
        tpu.enqueue_indirect_dma source(%dma_start3A_150 : memref<128x128xf32, #tpu.memory_space<vmem>>) target(%dma_start3A_156 : memref<10240x128xf32, #tpu.memory_space<vmem_shared>>) offsets(%dma_start3A_153 : memref<128xi32, #tpu.memory_space<vmem>>) semaphore(%run_scoped3A_146 : memref<!tpu.dma_semaphore, #tpu.memory_space<semaphore_mem>>) {add = true}
        %dma_wait3A_157 = arith.constant 0 : i32
        %dma_wait3A_158 = arith.constant 0 : i32
        %dma_wait3A_159 = tpu.memref_slice %arg8[%run_scoped3A_138, %dma_wait3A_157, %dma_wait3A_158] : memref<2x128x128xf32, #tpu.memory_space<vmem>> -> memref<1x128x128xf32, #tpu.memory_space<vmem>>
        %dma_wait3A_160 = tpu.memref_squeeze %dma_wait3A_159 : memref<1x128x128xf32, #tpu.memory_space<vmem>> -> memref<128x128xf32, #tpu.memory_space<vmem>>
        %dma_wait3A_161 = arith.constant 0 : i32
        %dma_wait3A_162 = tpu.memref_slice %arg7[%add3A_126, %dma_wait3A_161] : memref<40x128xi32, #tpu.memory_space<vmem>> -> memref<1x128xi32, #tpu.memory_space<vmem>>
        %dma_wait3A_163 = tpu.memref_squeeze %dma_wait3A_162 : memref<1x128xi32, #tpu.memory_space<vmem>> -> memref<128xi32, #tpu.memory_space<vmem>>
        %dma_wait3A_164 = arith.constant 0 : i32
        %dma_wait3A_165 = arith.constant 0 : i32
        %dma_wait3A_166 = tpu.memref_slice %arg9[%dma_wait3A_164, %dma_wait3A_165] : memref<10240x128xf32, #tpu.memory_space<vmem_shared>> -> memref<10240x128xf32, #tpu.memory_space<vmem_shared>>
        tpu.wait_indirect_dma semaphore(%run_scoped3A_146 : memref<!tpu.dma_semaphore, #tpu.memory_space<semaphore_mem>>) src(%dma_wait3A_160 : memref<128x128xf32, #tpu.memory_space<vmem>>) dst(%dma_wait3A_166 : memref<10240x128xf32, #tpu.memory_space<vmem_shared>>)
        tpu.yield
      }) : () -> ()
      %add3A_139 = arith.constant 2 : i32
      %add3A_140 = arith.addi %add3A_126, %add3A_139 : i32
      %lt3A_141 = arith.constant 40 : i32
      %lt3A_142 = arith.cmpi slt, %add3A_140, %lt3A_141 : i32
      %convert_element_type3A_143 = arith.extui %lt3A_142 : i1 to i32
      %cond3A_144 = arith.constant 0 : i32
      %cond3A_145 = arith.cmpi ne, %convert_element_type3A_143, %cond3A_144 : i32
      scf.if %cond3A_145 {
        %add3A_146 = arith.constant 2 : i32
        %add3A_147 = arith.addi %add3A_126, %add3A_146 : i32
        %dma_start3A_148 = arith.constant 1 : i32
        %dma_start3A_149 = arith.constant 0 : i32
        %dma_start3A_150 = arith.constant 0 : i32
        %dma_start3A_151 = tpu.memref_slice %arg8[%dma_start3A_148, %dma_start3A_149, %dma_start3A_150] : memref<2x128x128xf32, #tpu.memory_space<vmem>> -> memref<1x128x128xf32, #tpu.memory_space<vmem>>
        %dma_start3A_152 = tpu.memref_squeeze %dma_start3A_151 : memref<1x128x128xf32, #tpu.memory_space<vmem>> -> memref<128x128xf32, #tpu.memory_space<vmem>>
        %dma_start3A_153 = arith.constant 0 : i32
        %dma_start3A_154 = tpu.memref_slice %arg6[%add3A_147, %dma_start3A_153] : memref<40x128xi32, #tpu.memory_space<vmem>> -> memref<1x128xi32, #tpu.memory_space<vmem>>
        %dma_start3A_155 = tpu.memref_squeeze %dma_start3A_154 : memref<1x128xi32, #tpu.memory_space<vmem>> -> memref<128xi32, #tpu.memory_space<vmem>>
        %dma_start3A_156 = arith.constant 0 : i32
        %dma_start3A_157 = arith.constant 0 : i32
        %dma_start3A_158 = tpu.memref_slice %arg2[%dma_start3A_156, %dma_start3A_157] : memref<10000x128xf32, #tpu.memory_space<hbm>> -> memref<10000x128xf32, #tpu.memory_space<hbm>>
        tpu.enqueue_indirect_dma source(%dma_start3A_158 : memref<10000x128xf32, #tpu.memory_space<hbm>>) target(%dma_start3A_152 : memref<128x128xf32, #tpu.memory_space<vmem>>) offsets(%dma_start3A_155 : memref<128xi32, #tpu.memory_space<vmem>>) semaphore(%arg11 : memref<!tpu.dma_semaphore, #tpu.memory_space<semaphore_mem>>)
      } else {
      }
    }
    %scan3A_94 = arith.constant 20 : i32
    %barrier3A_95 = arith.constant 0 : index
    tpu.barrier barrier_id(%barrier3A_95)
    %lt3A = arith.constant 15 : i32
    %lt3A_96 = arith.cmpi slt, %arg1, %lt3A : i32
    %convert_element_type3A = arith.extui %lt3A_96 : i1 to i32
    %cond3A = arith.constant 0 : i32
    %cond3A_97 = arith.cmpi ne, %convert_element_type3A, %cond3A : i32
    scf.if %cond3A_97 {
      %mul3A_102 = arith.constant 640 : i32
      %mul3A_103 = arith.muli %arg1, %mul3A_102 : i32
      %mul3A_104 = arith.constant 640 : i32
      %mul3A_105 = arith.muli %arg1, %mul3A_104 : i32
      "tpu.region"() ({
        %run_scoped3A_106 = tpu.sem_alloc : memref<!tpu.dma_semaphore, #tpu.memory_space<semaphore_mem>>
        %dma_start3A_107 = arith.constant 0 : i32
        %dma_start3A_108 = arith.constant 0 : i32
        %dma_start3A_109 = tpu.memref_slice %arg5[%arg0, %dma_start3A_107, %dma_start3A_108] : memref<2x10000x128xf32, #tpu.memory_space<hbm>> -> memref<1x10000x128xf32, #tpu.memory_space<hbm>>
        %dma_start3A_110 = tpu.memref_squeeze %dma_start3A_109 : memref<1x10000x128xf32, #tpu.memory_space<hbm>> -> memref<10000x128xf32, #tpu.memory_space<hbm>>
        %dma_start3A_111 = arith.constant 0 : i32
        %dma_start3A_112 = tpu.memref_slice %dma_start3A_110[%mul3A_105, %dma_start3A_111] : memref<10000x128xf32, #tpu.memory_space<hbm>> -> memref<640x128xf32, #tpu.memory_space<hbm>>
        %dma_start3A_113 = arith.constant 0 : i32
        %dma_start3A_114 = tpu.memref_slice %arg9[%mul3A_103, %dma_start3A_113] : memref<10240x128xf32, #tpu.memory_space<vmem_shared>> -> memref<640x128xf32, #tpu.memory_space<vmem_shared>>
        tpu.enqueue_dma source(%dma_start3A_114 : memref<640x128xf32, #tpu.memory_space<vmem_shared>>) target(%dma_start3A_112 : memref<640x128xf32, #tpu.memory_space<hbm>>) target_semaphore(%run_scoped3A_106 : memref<!tpu.dma_semaphore, #tpu.memory_space<semaphore_mem>>)
        %dma_wait3A = arith.constant 0 : i32
        %dma_wait3A_115 = arith.constant 0 : i32
        %dma_wait3A_116 = tpu.memref_slice %arg5[%arg0, %dma_wait3A, %dma_wait3A_115] : memref<2x10000x128xf32, #tpu.memory_space<hbm>> -> memref<1x10000x128xf32, #tpu.memory_space<hbm>>
        %dma_wait3A_117 = tpu.memref_squeeze %dma_wait3A_116 : memref<1x10000x128xf32, #tpu.memory_space<hbm>> -> memref<10000x128xf32, #tpu.memory_space<hbm>>
        %dma_wait3A_118 = arith.constant 0 : i32
        %dma_wait3A_119 = tpu.memref_slice %dma_wait3A_117[%mul3A_105, %dma_wait3A_118] : memref<10000x128xf32, #tpu.memory_space<hbm>> -> memref<640x128xf32, #tpu.memory_space<hbm>>
        %dma_wait3A_120 = arith.constant 0 : i32
        %dma_wait3A_121 = tpu.memref_slice %arg9[%mul3A_103, %dma_wait3A_120] : memref<10240x128xf32, #tpu.memory_space<vmem_shared>> -> memref<640x128xf32, #tpu.memory_space<vmem_shared>>
        tpu.wait_dma2 semaphore(%run_scoped3A_106 : memref<!tpu.dma_semaphore, #tpu.memory_space<semaphore_mem>>) src(%dma_wait3A_121 : memref<640x128xf32, #tpu.memory_space<vmem_shared>>) dst(%dma_wait3A_119 : memref<640x128xf32, #tpu.memory_space<hbm>>)
        tpu.yield
      }) : () -> ()
    } else {
    }
    %eq3A = arith.constant 15 : i32
    %eq3A_98 = arith.cmpi eq, %arg1, %eq3A : i32
    %convert_element_type3A_99 = arith.extui %eq3A_98 : i1 to i32
    %cond3A_100 = arith.constant 0 : i32
    %cond3A_101 = arith.cmpi ne, %convert_element_type3A_99, %cond3A_100 : i32
    scf.if %cond3A_101 {
      "tpu.region"() ({
        %run_scoped3A_102 = tpu.sem_alloc : memref<!tpu.dma_semaphore, #tpu.memory_space<semaphore_mem>>
        %dma_start3A_103 = arith.constant 0 : i32
        %dma_start3A_104 = arith.constant 0 : i32
        %dma_start3A_105 = tpu.memref_slice %arg5[%arg0, %dma_start3A_103, %dma_start3A_104] : memref<2x10000x128xf32, #tpu.memory_space<hbm>> -> memref<1x10000x128xf32, #tpu.memory_space<hbm>>
        %dma_start3A_106 = tpu.memref_squeeze %dma_start3A_105 : memref<1x10000x128xf32, #tpu.memory_space<hbm>> -> memref<10000x128xf32, #tpu.memory_space<hbm>>
        %dma_start3A_107 = arith.constant 9600 : i32
        %dma_start3A_108 = arith.constant 0 : i32
        %dma_start3A_109 = tpu.memref_slice %dma_start3A_106[%dma_start3A_107, %dma_start3A_108] : memref<10000x128xf32, #tpu.memory_space<hbm>> -> memref<400x128xf32, #tpu.memory_space<hbm>>
        %dma_start3A_110 = arith.constant 9600 : i32
        %dma_start3A_111 = arith.constant 0 : i32
        %dma_start3A_112 = tpu.memref_slice %arg9[%dma_start3A_110, %dma_start3A_111] : memref<10240x128xf32, #tpu.memory_space<vmem_shared>> -> memref<400x128xf32, #tpu.memory_space<vmem_shared>>
        tpu.enqueue_dma source(%dma_start3A_112 : memref<400x128xf32, #tpu.memory_space<vmem_shared>>) target(%dma_start3A_109 : memref<400x128xf32, #tpu.memory_space<hbm>>) target_semaphore(%run_scoped3A_102 : memref<!tpu.dma_semaphore, #tpu.memory_space<semaphore_mem>>)
        %dma_wait3A = arith.constant 0 : i32
        %dma_wait3A_113 = arith.constant 0 : i32
        %dma_wait3A_114 = tpu.memref_slice %arg5[%arg0, %dma_wait3A, %dma_wait3A_113] : memref<2x10000x128xf32, #tpu.memory_space<hbm>> -> memref<1x10000x128xf32, #tpu.memory_space<hbm>>
        %dma_wait3A_115 = tpu.memref_squeeze %dma_wait3A_114 : memref<1x10000x128xf32, #tpu.memory_space<hbm>> -> memref<10000x128xf32, #tpu.memory_space<hbm>>
        %dma_wait3A_116 = arith.constant 9600 : i32
        %dma_wait3A_117 = arith.constant 0 : i32
        %dma_wait3A_118 = tpu.memref_slice %dma_wait3A_115[%dma_wait3A_116, %dma_wait3A_117] : memref<10000x128xf32, #tpu.memory_space<hbm>> -> memref<400x128xf32, #tpu.memory_space<hbm>>
        %dma_wait3A_119 = arith.constant 9600 : i32
        %dma_wait3A_120 = arith.constant 0 : i32
        %dma_wait3A_121 = tpu.memref_slice %arg9[%dma_wait3A_119, %dma_wait3A_120] : memref<10240x128xf32, #tpu.memory_space<vmem_shared>> -> memref<400x128xf32, #tpu.memory_space<vmem_shared>>
        tpu.wait_dma2 semaphore(%run_scoped3A_102 : memref<!tpu.dma_semaphore, #tpu.memory_space<semaphore_mem>>) src(%dma_wait3A_121 : memref<400x128xf32, #tpu.memory_space<vmem_shared>>) dst(%dma_wait3A_118 : memref<400x128xf32, #tpu.memory_space<hbm>>)
        tpu.yield
      }) : () -> ()
    } else {
    }
    return
  }
}

#map = affine_map<(d0, d1) -> (0, 0)>
#map1 = affine_map<(d0, d1) -> (0, 0, 0)>
module attributes {stable_mosaic.version = 14 : i64} {
  func.func @_seg_sum_body(%arg0: i32, %arg1: i32, %arg2: memref<10000x128xf32, #tpu.memory_space<hbm>>, %arg3: memref<2560x128xi32, #tpu.memory_space<hbm>>, %arg4: memref<2560x128xi32, #tpu.memory_space<hbm>>, %arg5: memref<2x10000x128xf32, #tpu.memory_space<hbm>>, %arg6: memref<40x128xi32, #tpu.memory_space<vmem>>, %arg7: memref<40x128xi32, #tpu.memory_space<vmem>>, %arg8: memref<2x128x128xf32, #tpu.memory_space<vmem>>, %arg9: memref<10240x128xf32, #tpu.memory_space<vmem_shared>>, %arg10: memref<!tpu.dma_semaphore, #tpu.memory_space<semaphore_mem>>, %arg11: memref<!tpu.dma_semaphore, #tpu.memory_space<semaphore_mem>>) attributes {dimension_semantics = [#tpu.dimension_semantics<core_parallel>, #tpu.dimension_semantics<subcore_parallel>], iteration_bounds = array<i64: 2, 16>, scalar_prefetch = 0 : i64, scratch_operands = 6 : i64, tpu.core_type = #tpu.core_type<sc_vector_subcore>, window_params = [{transform_indices = #map}, {transform_indices = #map}, {transform_indices = #map}, {transform_indices = #map1}]} {
    %mul3A = arith.constant 2 : i32
    %mul3A_0 = arith.muli %arg1, %mul3A : i32
    %add3A = arith.addi %mul3A_0, %arg0 : i32
    %mul3A_1 = arith.constant 80 : i32
    %mul3A_2 = arith.muli %add3A, %mul3A_1 : i32
    %scan3A = arith.constant 0 : i32
    %scan3A_3 = arith.constant 0 : i32
    %scan3A_4 = arith.constant 128 : i32
    %scan3A_5 = arith.addi %scan3A_3, %scan3A_4 : i32
    %scan3A_6 = arith.constant 1 : i32
    scf.for %scan3A_102 = %scan3A_3 to %scan3A_5 step %scan3A_6  : i32 {
      %broadcast_in_dim3A = arith.constant 0.000000e+00 : f32
      %broadcast_in_dim3A_103 = vector.broadcast %broadcast_in_dim3A : f32 to vector<16xf32>
      %swap3A = arith.constant 0 : i32
      %swap3A_104 = arith.index_cast %swap3A : i32 to index
      %swap3A_105 = arith.index_cast %scan3A_102 : i32 to index
      %swap3A_106 = arith.constant 0 : index
      %swap3A_107 = tpu.vector_load %arg8[%swap3A_104, %swap3A_105, %swap3A_106] {strides = array<i32>} : memref<2x128x128xf32, #tpu.memory_space<vmem>>, vector<1x1x16xf32>,
      %swap3A_108 = vector.shape_cast %swap3A_107 : vector<1x1x16xf32> to vector<16xf32>
      %swap3A_109 = vector.shape_cast %broadcast_in_dim3A_103 : vector<16xf32> to vector<1x1x16xf32>
      tpu.vector_store %arg8[%swap3A_104, %swap3A_105, %swap3A_106], %swap3A_109 {strides = array<i32>} : memref<2x128x128xf32, #tpu.memory_space<vmem>>, vector<1x1x16xf32>,
      %broadcast_in_dim3A_110 = arith.constant 0.000000e+00 : f32
      %broadcast_in_dim3A_111 = vector.broadcast %broadcast_in_dim3A_110 : f32 to vector<16xf32>
      %swap3A_112 = arith.constant 0 : i32
      %swap3A_113 = arith.index_cast %swap3A_112 : i32 to index
      %swap3A_114 = arith.index_cast %scan3A_102 : i32 to index
      %swap3A_115 = arith.constant 16 : index
      %swap3A_116 = tpu.vector_load %arg8[%swap3A_113, %swap3A_114, %swap3A_115] {strides = array<i32>} : memref<2x128x128xf32, #tpu.memory_space<vmem>>, vector<1x1x16xf32>,
      %swap3A_117 = vector.shape_cast %swap3A_116 : vector<1x1x16xf32> to vector<16xf32>
      %swap3A_118 = vector.shape_cast %broadcast_in_dim3A_111 : vector<16xf32> to vector<1x1x16xf32>
      tpu.vector_store %arg8[%swap3A_113, %swap3A_114, %swap3A_115], %swap3A_118 {strides = array<i32>} : memref<2x128x128xf32, #tpu.memory_space<vmem>>, vector<1x1x16xf32>,
      %broadcast_in_dim3A_119 = arith.constant 0.000000e+00 : f32
      %broadcast_in_dim3A_120 = vector.broadcast %broadcast_in_dim3A_119 : f32 to vector<16xf32>
      %swap3A_121 = arith.constant 0 : i32
      %swap3A_122 = arith.index_cast %swap3A_121 : i32 to index
      %swap3A_123 = arith.index_cast %scan3A_102 : i32 to index
      %swap3A_124 = arith.constant 32 : index
      %swap3A_125 = tpu.vector_load %arg8[%swap3A_122, %swap3A_123, %swap3A_124] {strides = array<i32>} : memref<2x128x128xf32, #tpu.memory_space<vmem>>, vector<1x1x16xf32>,
      %swap3A_126 = vector.shape_cast %swap3A_125 : vector<1x1x16xf32> to vector<16xf32>
      %swap3A_127 = vector.shape_cast %broadcast_in_dim3A_120 : vector<16xf32> to vector<1x1x16xf32>
      tpu.vector_store %arg8[%swap3A_122, %swap3A_123, %swap3A_124], %swap3A_127 {strides = array<i32>} : memref<2x128x128xf32, #tpu.memory_space<vmem>>, vector<1x1x16xf32>,
      %broadcast_in_dim3A_128 = arith.constant 0.000000e+00 : f32
      %broadcast_in_dim3A_129 = vector.broadcast %broadcast_in_dim3A_128 : f32 to vector<16xf32>
      %swap3A_130 = arith.constant 0 : i32
      %swap3A_131 = arith.index_cast %swap3A_130 : i32 to index
      %swap3A_132 = arith.index_cast %scan3A_102 : i32 to index
      %swap3A_133 = arith.constant 48 : index
      %swap3A_134 = tpu.vector_load %arg8[%swap3A_131, %swap3A_132, %swap3A_133] {strides = array<i32>} : memref<2x128x128xf32, #tpu.memory_space<vmem>>, vector<1x1x16xf32>,
      %swap3A_135 = vector.shape_cast %swap3A_134 : vector<1x1x16xf32> to vector<16xf32>
      %swap3A_136 = vector.shape_cast %broadcast_in_dim3A_129 : vector<16xf32> to vector<1x1x16xf32>
      tpu.vector_store %arg8[%swap3A_131, %swap3A_132, %swap3A_133], %swap3A_136 {strides = array<i32>} : memref<2x128x128xf32, #tpu.memory_space<vmem>>, vector<1x1x16xf32>,
      %broadcast_in_dim3A_137 = arith.constant 0.000000e+00 : f32
      %broadcast_in_dim3A_138 = vector.broadcast %broadcast_in_dim3A_137 : f32 to vector<16xf32>
      %swap3A_139 = arith.constant 0 : i32
      %swap3A_140 = arith.index_cast %swap3A_139 : i32 to index
      %swap3A_141 = arith.index_cast %scan3A_102 : i32 to index
      %swap3A_142 = arith.constant 64 : index
      %swap3A_143 = tpu.vector_load %arg8[%swap3A_140, %swap3A_141, %swap3A_142] {strides = array<i32>} : memref<2x128x128xf32, #tpu.memory_space<vmem>>, vector<1x1x16xf32>,
      %swap3A_144 = vector.shape_cast %swap3A_143 : vector<1x1x16xf32> to vector<16xf32>
      %swap3A_145 = vector.shape_cast %broadcast_in_dim3A_138 : vector<16xf32> to vector<1x1x16xf32>
      tpu.vector_store %arg8[%swap3A_140, %swap3A_141, %swap3A_142], %swap3A_145 {strides = array<i32>} : memref<2x128x128xf32, #tpu.memory_space<vmem>>, vector<1x1x16xf32>,
      %broadcast_in_dim3A_146 = arith.constant 0.000000e+00 : f32
      %broadcast_in_dim3A_147 = vector.broadcast %broadcast_in_dim3A_146 : f32 to vector<16xf32>
      %swap3A_148 = arith.constant 0 : i32
      %swap3A_149 = arith.index_cast %swap3A_148 : i32 to index
      %swap3A_150 = arith.index_cast %scan3A_102 : i32 to index
      %swap3A_151 = arith.constant 80 : index
      %swap3A_152 = tpu.vector_load %arg8[%swap3A_149, %swap3A_150, %swap3A_151] {strides = array<i32>} : memref<2x128x128xf32, #tpu.memory_space<vmem>>, vector<1x1x16xf32>,
      %swap3A_153 = vector.shape_cast %swap3A_152 : vector<1x1x16xf32> to vector<16xf32>
      %swap3A_154 = vector.shape_cast %broadcast_in_dim3A_147 : vector<16xf32> to vector<1x1x16xf32>
      tpu.vector_store %arg8[%swap3A_149, %swap3A_150, %swap3A_151], %swap3A_154 {strides = array<i32>} : memref<2x128x128xf32, #tpu.memory_space<vmem>>, vector<1x1x16xf32>,
      %broadcast_in_dim3A_155 = arith.constant 0.000000e+00 : f32
      %broadcast_in_dim3A_156 = vector.broadcast %broadcast_in_dim3A_155 : f32 to vector<16xf32>
      %swap3A_157 = arith.constant 0 : i32
      %swap3A_158 = arith.index_cast %swap3A_157 : i32 to index
      %swap3A_159 = arith.index_cast %scan3A_102 : i32 to index
      %swap3A_160 = arith.constant 96 : index
      %swap3A_161 = tpu.vector_load %arg8[%swap3A_158, %swap3A_159, %swap3A_160] {strides = array<i32>} : memref<2x128x128xf32, #tpu.memory_space<vmem>>, vector<1x1x16xf32>,
      %swap3A_162 = vector.shape_cast %swap3A_161 : vector<1x1x16xf32> to vector<16xf32>
      %swap3A_163 = vector.shape_cast %broadcast_in_dim3A_156 : vector<16xf32> to vector<1x1x16xf32>
      tpu.vector_store %arg8[%swap3A_158, %swap3A_159, %swap3A_160], %swap3A_163 {strides = array<i32>} : memref<2x128x128xf32, #tpu.memory_space<vmem>>, vector<1x1x16xf32>,
      %broadcast_in_dim3A_164 = arith.constant 0.000000e+00 : f32
      %broadcast_in_dim3A_165 = vector.broadcast %broadcast_in_dim3A_164 : f32 to vector<16xf32>
      %swap3A_166 = arith.constant 0 : i32
      %swap3A_167 = arith.index_cast %swap3A_166 : i32 to index
      %swap3A_168 = arith.index_cast %scan3A_102 : i32 to index
      %swap3A_169 = arith.constant 112 : index
      %swap3A_170 = tpu.vector_load %arg8[%swap3A_167, %swap3A_168, %swap3A_169] {strides = array<i32>} : memref<2x128x128xf32, #tpu.memory_space<vmem>>, vector<1x1x16xf32>,
      %swap3A_171 = vector.shape_cast %swap3A_170 : vector<1x1x16xf32> to vector<16xf32>
      %swap3A_172 = vector.shape_cast %broadcast_in_dim3A_165 : vector<16xf32> to vector<1x1x16xf32>
      tpu.vector_store %arg8[%swap3A_167, %swap3A_168, %swap3A_169], %swap3A_172 {strides = array<i32>} : memref<2x128x128xf32, #tpu.memory_space<vmem>>, vector<1x1x16xf32>,
    }
    %scan3A_7 = arith.constant 128 : i32
    %mul3A_8 = arith.constant 640 : i32
    %mul3A_9 = arith.muli %arg1, %mul3A_8 : i32
    %add3A_10 = arith.constant 0 : i32
    %add3A_11 = arith.addi %mul3A_9, %add3A_10 : i32
    %run_scoped3A = arith.constant 0 : i32
    "tpu.region"() ({
      %run_scoped3A_102 = tpu.sem_alloc : memref<!tpu.dma_semaphore, #tpu.memory_space<semaphore_mem>>
      %dma_start3A_103 = arith.constant 0 : i32
      %dma_start3A_104 = arith.constant 0 : i32
      %dma_start3A_105 = tpu.memref_slice %arg8[%run_scoped3A, %dma_start3A_103, %dma_start3A_104] : memref<2x128x128xf32, #tpu.memory_space<vmem>> -> memref<1x128x128xf32, #tpu.memory_space<vmem>>
      %dma_start3A_106 = tpu.memref_squeeze %dma_start3A_105 : memref<1x128x128xf32, #tpu.memory_space<vmem>> -> memref<128x128xf32, #tpu.memory_space<vmem>>
      %dma_start3A_107 = arith.constant 0 : i32
      %dma_start3A_108 = tpu.memref_slice %arg9[%add3A_11, %dma_start3A_107] : memref<10240x128xf32, #tpu.memory_space<vmem_shared>> -> memref<128x128xf32, #tpu.memory_space<vmem_shared>>
      %dma_start3A_109 = arith.constant 0 : i32
      %dma_start3A_110 = tpu.memref_slice %arg9[%add3A_11, %dma_start3A_109] : memref<10240x128xf32, #tpu.memory_space<vmem_shared>> -> memref<128x128xf32, #tpu.memory_space<vmem_shared>>
      %dma_start3A_111 = arith.constant 0 : i32
      %dma_start3A_112 = arith.constant 0 : i32
      %dma_start3A_113 = tpu.memref_slice %arg8[%run_scoped3A, %dma_start3A_111, %dma_start3A_112] : memref<2x128x128xf32, #tpu.memory_space<vmem>> -> memref<1x128x128xf32, #tpu.memory_space<vmem>>
      %dma_start3A_114 = tpu.memref_squeeze %dma_start3A_113 : memref<1x128x128xf32, #tpu.memory_space<vmem>> -> memref<128x128xf32, #tpu.memory_space<vmem>>
      tpu.enqueue_dma source(%dma_start3A_114 : memref<128x128xf32, #tpu.memory_space<vmem>>) target(%dma_start3A_110 : memref<128x128xf32, #tpu.memory_space<vmem_shared>>) target_semaphore(%run_scoped3A_102 : memref<!tpu.dma_semaphore, #tpu.memory_space<semaphore_mem>>)
      %dma_wait3A = arith.constant 0 : i32
      %dma_wait3A_115 = arith.constant 0 : i32
      %dma_wait3A_116 = tpu.memref_slice %arg8[%run_scoped3A, %dma_wait3A, %dma_wait3A_115] : memref<2x128x128xf32, #tpu.memory_space<vmem>> -> memref<1x128x128xf32, #tpu.memory_space<vmem>>
      %dma_wait3A_117 = tpu.memref_squeeze %dma_wait3A_116 : memref<1x128x128xf32, #tpu.memory_space<vmem>> -> memref<128x128xf32, #tpu.memory_space<vmem>>
      %dma_wait3A_118 = arith.constant 0 : i32
      %dma_wait3A_119 = tpu.memref_slice %arg9[%add3A_11, %dma_wait3A_118] : memref<10240x128xf32, #tpu.memory_space<vmem_shared>> -> memref<128x128xf32, #tpu.memory_space<vmem_shared>>
      %dma_wait3A_120 = arith.constant 0 : i32
      %dma_wait3A_121 = tpu.memref_slice %arg9[%add3A_11, %dma_wait3A_120] : memref<10240x128xf32, #tpu.memory_space<vmem_shared>> -> memref<128x128xf32, #tpu.memory_space<vmem_shared>>
      %dma_wait3A_122 = arith.constant 0 : i32
      %dma_wait3A_123 = arith.constant 0 : i32
      %dma_wait3A_124 = tpu.memref_slice %arg8[%run_scoped3A, %dma_wait3A_122, %dma_wait3A_123] : memref<2x128x128xf32, #tpu.memory_space<vmem>> -> memref<1x128x128xf32, #tpu.memory_space<vmem>>
      %dma_wait3A_125 = tpu.memref_squeeze %dma_wait3A_124 : memref<1x128x128xf32, #tpu.memory_space<vmem>> -> memref<128x128xf32, #tpu.memory_space<vmem>>
      tpu.wait_dma2 semaphore(%run_scoped3A_102 : memref<!tpu.dma_semaphore, #tpu.memory_space<semaphore_mem>>) src(%dma_wait3A_125 : memref<128x128xf32, #tpu.memory_space<vmem>>) dst(%dma_wait3A_121 : memref<128x128xf32, #tpu.memory_space<vmem_shared>>)
      tpu.yield
    }) : () -> ()
    %mul3A_12 = arith.constant 640 : i32
    %mul3A_13 = arith.muli %arg1, %mul3A_12 : i32
    %add3A_14 = arith.constant 128 : i32
    %add3A_15 = arith.addi %mul3A_13, %add3A_14 : i32
    %run_scoped3A_16 = arith.constant 0 : i32
    "tpu.region"() ({
      %run_scoped3A_102 = tpu.sem_alloc : memref<!tpu.dma_semaphore, #tpu.memory_space<semaphore_mem>>
      %dma_start3A_103 = arith.constant 0 : i32
      %dma_start3A_104 = arith.constant 0 : i32
      %dma_start3A_105 = tpu.memref_slice %arg8[%run_scoped3A_16, %dma_start3A_103, %dma_start3A_104] : memref<2x128x128xf32, #tpu.memory_space<vmem>> -> memref<1x128x128xf32, #tpu.memory_space<vmem>>
      %dma_start3A_106 = tpu.memref_squeeze %dma_start3A_105 : memref<1x128x128xf32, #tpu.memory_space<vmem>> -> memref<128x128xf32, #tpu.memory_space<vmem>>
      %dma_start3A_107 = arith.constant 0 : i32
      %dma_start3A_108 = tpu.memref_slice %arg9[%add3A_15, %dma_start3A_107] : memref<10240x128xf32, #tpu.memory_space<vmem_shared>> -> memref<128x128xf32, #tpu.memory_space<vmem_shared>>
      %dma_start3A_109 = arith.constant 0 : i32
      %dma_start3A_110 = tpu.memref_slice %arg9[%add3A_15, %dma_start3A_109] : memref<10240x128xf32, #tpu.memory_space<vmem_shared>> -> memref<128x128xf32, #tpu.memory_space<vmem_shared>>
      %dma_start3A_111 = arith.constant 0 : i32
      %dma_start3A_112 = arith.constant 0 : i32
      %dma_start3A_113 = tpu.memref_slice %arg8[%run_scoped3A_16, %dma_start3A_111, %dma_start3A_112] : memref<2x128x128xf32, #tpu.memory_space<vmem>> -> memref<1x128x128xf32, #tpu.memory_space<vmem>>
      %dma_start3A_114 = tpu.memref_squeeze %dma_start3A_113 : memref<1x128x128xf32, #tpu.memory_space<vmem>> -> memref<128x128xf32, #tpu.memory_space<vmem>>
      tpu.enqueue_dma source(%dma_start3A_114 : memref<128x128xf32, #tpu.memory_space<vmem>>) target(%dma_start3A_110 : memref<128x128xf32, #tpu.memory_space<vmem_shared>>) target_semaphore(%run_scoped3A_102 : memref<!tpu.dma_semaphore, #tpu.memory_space<semaphore_mem>>)
      %dma_wait3A = arith.constant 0 : i32
      %dma_wait3A_115 = arith.constant 0 : i32
      %dma_wait3A_116 = tpu.memref_slice %arg8[%run_scoped3A_16, %dma_wait3A, %dma_wait3A_115] : memref<2x128x128xf32, #tpu.memory_space<vmem>> -> memref<1x128x128xf32, #tpu.memory_space<vmem>>
      %dma_wait3A_117 = tpu.memref_squeeze %dma_wait3A_116 : memref<1x128x128xf32, #tpu.memory_space<vmem>> -> memref<128x128xf32, #tpu.memory_space<vmem>>
      %dma_wait3A_118 = arith.constant 0 : i32
      %dma_wait3A_119 = tpu.memref_slice %arg9[%add3A_15, %dma_wait3A_118] : memref<10240x128xf32, #tpu.memory_space<vmem_shared>> -> memref<128x128xf32, #tpu.memory_space<vmem_shared>>
      %dma_wait3A_120 = arith.constant 0 : i32
      %dma_wait3A_121 = tpu.memref_slice %arg9[%add3A_15, %dma_wait3A_120] : memref<10240x128xf32, #tpu.memory_space<vmem_shared>> -> memref<128x128xf32, #tpu.memory_space<vmem_shared>>
      %dma_wait3A_122 = arith.constant 0 : i32
      %dma_wait3A_123 = arith.constant 0 : i32
      %dma_wait3A_124 = tpu.memref_slice %arg8[%run_scoped3A_16, %dma_wait3A_122, %dma_wait3A_123] : memref<2x128x128xf32, #tpu.memory_space<vmem>> -> memref<1x128x128xf32, #tpu.memory_space<vmem>>
      %dma_wait3A_125 = tpu.memref_squeeze %dma_wait3A_124 : memref<1x128x128xf32, #tpu.memory_space<vmem>> -> memref<128x128xf32, #tpu.memory_space<vmem>>
      tpu.wait_dma2 semaphore(%run_scoped3A_102 : memref<!tpu.dma_semaphore, #tpu.memory_space<semaphore_mem>>) src(%dma_wait3A_125 : memref<128x128xf32, #tpu.memory_space<vmem>>) dst(%dma_wait3A_121 : memref<128x128xf32, #tpu.memory_space<vmem_shared>>)
      tpu.yield
    }) : () -> ()
    %mul3A_17 = arith.constant 640 : i32
    %mul3A_18 = arith.muli %arg1, %mul3A_17 : i32
    %add3A_19 = arith.constant 256 : i32
    %add3A_20 = arith.addi %mul3A_18, %add3A_19 : i32
    %run_scoped3A_21 = arith.constant 0 : i32
    "tpu.region"() ({
      %run_scoped3A_102 = tpu.sem_alloc : memref<!tpu.dma_semaphore, #tpu.memory_space<semaphore_mem>>
      %dma_start3A_103 = arith.constant 0 : i32
      %dma_start3A_104 = arith.constant 0 : i32
      %dma_start3A_105 = tpu.memref_slice %arg8[%run_scoped3A_21, %dma_start3A_103, %dma_start3A_104] : memref<2x128x128xf32, #tpu.memory_space<vmem>> -> memref<1x128x128xf32, #tpu.memory_space<vmem>>
      %dma_start3A_106 = tpu.memref_squeeze %dma_start3A_105 : memref<1x128x128xf32, #tpu.memory_space<vmem>> -> memref<128x128xf32, #tpu.memory_space<vmem>>
      %dma_start3A_107 = arith.constant 0 : i32
      %dma_start3A_108 = tpu.memref_slice %arg9[%add3A_20, %dma_start3A_107] : memref<10240x128xf32, #tpu.memory_space<vmem_shared>> -> memref<128x128xf32, #tpu.memory_space<vmem_shared>>
      %dma_start3A_109 = arith.constant 0 : i32
      %dma_start3A_110 = tpu.memref_slice %arg9[%add3A_20, %dma_start3A_109] : memref<10240x128xf32, #tpu.memory_space<vmem_shared>> -> memref<128x128xf32, #tpu.memory_space<vmem_shared>>
      %dma_start3A_111 = arith.constant 0 : i32
      %dma_start3A_112 = arith.constant 0 : i32
      %dma_start3A_113 = tpu.memref_slice %arg8[%run_scoped3A_21, %dma_start3A_111, %dma_start3A_112] : memref<2x128x128xf32, #tpu.memory_space<vmem>> -> memref<1x128x128xf32, #tpu.memory_space<vmem>>
      %dma_start3A_114 = tpu.memref_squeeze %dma_start3A_113 : memref<1x128x128xf32, #tpu.memory_space<vmem>> -> memref<128x128xf32, #tpu.memory_space<vmem>>
      tpu.enqueue_dma source(%dma_start3A_114 : memref<128x128xf32, #tpu.memory_space<vmem>>) target(%dma_start3A_110 : memref<128x128xf32, #tpu.memory_space<vmem_shared>>) target_semaphore(%run_scoped3A_102 : memref<!tpu.dma_semaphore, #tpu.memory_space<semaphore_mem>>)
      %dma_wait3A = arith.constant 0 : i32
      %dma_wait3A_115 = arith.constant 0 : i32
      %dma_wait3A_116 = tpu.memref_slice %arg8[%run_scoped3A_21, %dma_wait3A, %dma_wait3A_115] : memref<2x128x128xf32, #tpu.memory_space<vmem>> -> memref<1x128x128xf32, #tpu.memory_space<vmem>>
      %dma_wait3A_117 = tpu.memref_squeeze %dma_wait3A_116 : memref<1x128x128xf32, #tpu.memory_space<vmem>> -> memref<128x128xf32, #tpu.memory_space<vmem>>
      %dma_wait3A_118 = arith.constant 0 : i32
      %dma_wait3A_119 = tpu.memref_slice %arg9[%add3A_20, %dma_wait3A_118] : memref<10240x128xf32, #tpu.memory_space<vmem_shared>> -> memref<128x128xf32, #tpu.memory_space<vmem_shared>>
      %dma_wait3A_120 = arith.constant 0 : i32
      %dma_wait3A_121 = tpu.memref_slice %arg9[%add3A_20, %dma_wait3A_120] : memref<10240x128xf32, #tpu.memory_space<vmem_shared>> -> memref<128x128xf32, #tpu.memory_space<vmem_shared>>
      %dma_wait3A_122 = arith.constant 0 : i32
      %dma_wait3A_123 = arith.constant 0 : i32
      %dma_wait3A_124 = tpu.memref_slice %arg8[%run_scoped3A_21, %dma_wait3A_122, %dma_wait3A_123] : memref<2x128x128xf32, #tpu.memory_space<vmem>> -> memref<1x128x128xf32, #tpu.memory_space<vmem>>
      %dma_wait3A_125 = tpu.memref_squeeze %dma_wait3A_124 : memref<1x128x128xf32, #tpu.memory_space<vmem>> -> memref<128x128xf32, #tpu.memory_space<vmem>>
      tpu.wait_dma2 semaphore(%run_scoped3A_102 : memref<!tpu.dma_semaphore, #tpu.memory_space<semaphore_mem>>) src(%dma_wait3A_125 : memref<128x128xf32, #tpu.memory_space<vmem>>) dst(%dma_wait3A_121 : memref<128x128xf32, #tpu.memory_space<vmem_shared>>)
      tpu.yield
    }) : () -> ()
    %mul3A_22 = arith.constant 640 : i32
    %mul3A_23 = arith.muli %arg1, %mul3A_22 : i32
    %add3A_24 = arith.constant 384 : i32
    %add3A_25 = arith.addi %mul3A_23, %add3A_24 : i32
    %run_scoped3A_26 = arith.constant 0 : i32
    "tpu.region"() ({
      %run_scoped3A_102 = tpu.sem_alloc : memref<!tpu.dma_semaphore, #tpu.memory_space<semaphore_mem>>
      %dma_start3A_103 = arith.constant 0 : i32
      %dma_start3A_104 = arith.constant 0 : i32
      %dma_start3A_105 = tpu.memref_slice %arg8[%run_scoped3A_26, %dma_start3A_103, %dma_start3A_104] : memref<2x128x128xf32, #tpu.memory_space<vmem>> -> memref<1x128x128xf32, #tpu.memory_space<vmem>>
      %dma_start3A_106 = tpu.memref_squeeze %dma_start3A_105 : memref<1x128x128xf32, #tpu.memory_space<vmem>> -> memref<128x128xf32, #tpu.memory_space<vmem>>
      %dma_start3A_107 = arith.constant 0 : i32
      %dma_start3A_108 = tpu.memref_slice %arg9[%add3A_25, %dma_start3A_107] : memref<10240x128xf32, #tpu.memory_space<vmem_shared>> -> memref<128x128xf32, #tpu.memory_space<vmem_shared>>
      %dma_start3A_109 = arith.constant 0 : i32
      %dma_start3A_110 = tpu.memref_slice %arg9[%add3A_25, %dma_start3A_109] : memref<10240x128xf32, #tpu.memory_space<vmem_shared>> -> memref<128x128xf32, #tpu.memory_space<vmem_shared>>
      %dma_start3A_111 = arith.constant 0 : i32
      %dma_start3A_112 = arith.constant 0 : i32
      %dma_start3A_113 = tpu.memref_slice %arg8[%run_scoped3A_26, %dma_start3A_111, %dma_start3A_112] : memref<2x128x128xf32, #tpu.memory_space<vmem>> -> memref<1x128x128xf32, #tpu.memory_space<vmem>>
      %dma_start3A_114 = tpu.memref_squeeze %dma_start3A_113 : memref<1x128x128xf32, #tpu.memory_space<vmem>> -> memref<128x128xf32, #tpu.memory_space<vmem>>
      tpu.enqueue_dma source(%dma_start3A_114 : memref<128x128xf32, #tpu.memory_space<vmem>>) target(%dma_start3A_110 : memref<128x128xf32, #tpu.memory_space<vmem_shared>>) target_semaphore(%run_scoped3A_102 : memref<!tpu.dma_semaphore, #tpu.memory_space<semaphore_mem>>)
      %dma_wait3A = arith.constant 0 : i32
      %dma_wait3A_115 = arith.constant 0 : i32
      %dma_wait3A_116 = tpu.memref_slice %arg8[%run_scoped3A_26, %dma_wait3A, %dma_wait3A_115] : memref<2x128x128xf32, #tpu.memory_space<vmem>> -> memref<1x128x128xf32, #tpu.memory_space<vmem>>
      %dma_wait3A_117 = tpu.memref_squeeze %dma_wait3A_116 : memref<1x128x128xf32, #tpu.memory_space<vmem>> -> memref<128x128xf32, #tpu.memory_space<vmem>>
      %dma_wait3A_118 = arith.constant 0 : i32
      %dma_wait3A_119 = tpu.memref_slice %arg9[%add3A_25, %dma_wait3A_118] : memref<10240x128xf32, #tpu.memory_space<vmem_shared>> -> memref<128x128xf32, #tpu.memory_space<vmem_shared>>
      %dma_wait3A_120 = arith.constant 0 : i32
      %dma_wait3A_121 = tpu.memref_slice %arg9[%add3A_25, %dma_wait3A_120] : memref<10240x128xf32, #tpu.memory_space<vmem_shared>> -> memref<128x128xf32, #tpu.memory_space<vmem_shared>>
      %dma_wait3A_122 = arith.constant 0 : i32
      %dma_wait3A_123 = arith.constant 0 : i32
      %dma_wait3A_124 = tpu.memref_slice %arg8[%run_scoped3A_26, %dma_wait3A_122, %dma_wait3A_123] : memref<2x128x128xf32, #tpu.memory_space<vmem>> -> memref<1x128x128xf32, #tpu.memory_space<vmem>>
      %dma_wait3A_125 = tpu.memref_squeeze %dma_wait3A_124 : memref<1x128x128xf32, #tpu.memory_space<vmem>> -> memref<128x128xf32, #tpu.memory_space<vmem>>
      tpu.wait_dma2 semaphore(%run_scoped3A_102 : memref<!tpu.dma_semaphore, #tpu.memory_space<semaphore_mem>>) src(%dma_wait3A_125 : memref<128x128xf32, #tpu.memory_space<vmem>>) dst(%dma_wait3A_121 : memref<128x128xf32, #tpu.memory_space<vmem_shared>>)
      tpu.yield
    }) : () -> ()
    %mul3A_27 = arith.constant 640 : i32
    %mul3A_28 = arith.muli %arg1, %mul3A_27 : i32
    %add3A_29 = arith.constant 512 : i32
    %add3A_30 = arith.addi %mul3A_28, %add3A_29 : i32
    %run_scoped3A_31 = arith.constant 0 : i32
    "tpu.region"() ({
      %run_scoped3A_102 = tpu.sem_alloc : memref<!tpu.dma_semaphore, #tpu.memory_space<semaphore_mem>>
      %dma_start3A_103 = arith.constant 0 : i32
      %dma_start3A_104 = arith.constant 0 : i32
      %dma_start3A_105 = tpu.memref_slice %arg8[%run_scoped3A_31, %dma_start3A_103, %dma_start3A_104] : memref<2x128x128xf32, #tpu.memory_space<vmem>> -> memref<1x128x128xf32, #tpu.memory_space<vmem>>
      %dma_start3A_106 = tpu.memref_squeeze %dma_start3A_105 : memref<1x128x128xf32, #tpu.memory_space<vmem>> -> memref<128x128xf32, #tpu.memory_space<vmem>>
      %dma_start3A_107 = arith.constant 0 : i32
      %dma_start3A_108 = tpu.memref_slice %arg9[%add3A_30, %dma_start3A_107] : memref<10240x128xf32, #tpu.memory_space<vmem_shared>> -> memref<128x128xf32, #tpu.memory_space<vmem_shared>>
      %dma_start3A_109 = arith.constant 0 : i32
      %dma_start3A_110 = tpu.memref_slice %arg9[%add3A_30, %dma_start3A_109] : memref<10240x128xf32, #tpu.memory_space<vmem_shared>> -> memref<128x128xf32, #tpu.memory_space<vmem_shared>>
      %dma_start3A_111 = arith.constant 0 : i32
      %dma_start3A_112 = arith.constant 0 : i32
      %dma_start3A_113 = tpu.memref_slice %arg8[%run_scoped3A_31, %dma_start3A_111, %dma_start3A_112] : memref<2x128x128xf32, #tpu.memory_space<vmem>> -> memref<1x128x128xf32, #tpu.memory_space<vmem>>
      %dma_start3A_114 = tpu.memref_squeeze %dma_start3A_113 : memref<1x128x128xf32, #tpu.memory_space<vmem>> -> memref<128x128xf32, #tpu.memory_space<vmem>>
      tpu.enqueue_dma source(%dma_start3A_114 : memref<128x128xf32, #tpu.memory_space<vmem>>) target(%dma_start3A_110 : memref<128x128xf32, #tpu.memory_space<vmem_shared>>) target_semaphore(%run_scoped3A_102 : memref<!tpu.dma_semaphore, #tpu.memory_space<semaphore_mem>>)
      %dma_wait3A = arith.constant 0 : i32
      %dma_wait3A_115 = arith.constant 0 : i32
      %dma_wait3A_116 = tpu.memref_slice %arg8[%run_scoped3A_31, %dma_wait3A, %dma_wait3A_115] : memref<2x128x128xf32, #tpu.memory_space<vmem>> -> memref<1x128x128xf32, #tpu.memory_space<vmem>>
      %dma_wait3A_117 = tpu.memref_squeeze %dma_wait3A_116 : memref<1x128x128xf32, #tpu.memory_space<vmem>> -> memref<128x128xf32, #tpu.memory_space<vmem>>
      %dma_wait3A_118 = arith.constant 0 : i32
      %dma_wait3A_119 = tpu.memref_slice %arg9[%add3A_30, %dma_wait3A_118] : memref<10240x128xf32, #tpu.memory_space<vmem_shared>> -> memref<128x128xf32, #tpu.memory_space<vmem_shared>>
      %dma_wait3A_120 = arith.constant 0 : i32
      %dma_wait3A_121 = tpu.memref_slice %arg9[%add3A_30, %dma_wait3A_120] : memref<10240x128xf32, #tpu.memory_space<vmem_shared>> -> memref<128x128xf32, #tpu.memory_space<vmem_shared>>
      %dma_wait3A_122 = arith.constant 0 : i32
      %dma_wait3A_123 = arith.constant 0 : i32
      %dma_wait3A_124 = tpu.memref_slice %arg8[%run_scoped3A_31, %dma_wait3A_122, %dma_wait3A_123] : memref<2x128x128xf32, #tpu.memory_space<vmem>> -> memref<1x128x128xf32, #tpu.memory_space<vmem>>
      %dma_wait3A_125 = tpu.memref_squeeze %dma_wait3A_124 : memref<1x128x128xf32, #tpu.memory_space<vmem>> -> memref<128x128xf32, #tpu.memory_space<vmem>>
      tpu.wait_dma2 semaphore(%run_scoped3A_102 : memref<!tpu.dma_semaphore, #tpu.memory_space<semaphore_mem>>) src(%dma_wait3A_125 : memref<128x128xf32, #tpu.memory_space<vmem>>) dst(%dma_wait3A_121 : memref<128x128xf32, #tpu.memory_space<vmem_shared>>)
      tpu.yield
    }) : () -> ()
    %barrier3A = arith.constant 0 : index
    tpu.barrier barrier_id(%barrier3A)
    %add3A_32 = arith.constant 0 : i32
    %add3A_33 = arith.addi %mul3A_2, %add3A_32 : i32
    "tpu.region"() ({
      %run_scoped3A_102 = tpu.sem_alloc : memref<!tpu.dma_semaphore, #tpu.memory_space<semaphore_mem>>
      %dma_start3A_103 = arith.constant 0 : i32
      %dma_start3A_104 = tpu.memref_slice %arg3[%add3A_33, %dma_start3A_103] : memref<2560x128xi32, #tpu.memory_space<hbm>> -> memref<40x128xi32, #tpu.memory_space<hbm>>
      %dma_start3A_105 = arith.constant 0 : i32
      %dma_start3A_106 = tpu.memref_slice %arg3[%add3A_33, %dma_start3A_105] : memref<2560x128xi32, #tpu.memory_space<hbm>> -> memref<40x128xi32, #tpu.memory_space<hbm>>
      tpu.enqueue_dma source(%dma_start3A_106 : memref<40x128xi32, #tpu.memory_space<hbm>>) target(%arg6 : memref<40x128xi32, #tpu.memory_space<vmem>>) target_semaphore(%run_scoped3A_102 : memref<!tpu.dma_semaphore, #tpu.memory_space<semaphore_mem>>)
      %dma_wait3A = arith.constant 0 : i32
      %dma_wait3A_107 = tpu.memref_slice %arg3[%add3A_33, %dma_wait3A] : memref<2560x128xi32, #tpu.memory_space<hbm>> -> memref<40x128xi32, #tpu.memory_space<hbm>>
      %dma_wait3A_108 = arith.constant 0 : i32
      %dma_wait3A_109 = tpu.memref_slice %arg3[%add3A_33, %dma_wait3A_108] : memref<2560x128xi32, #tpu.memory_space<hbm>> -> memref<40x128xi32, #tpu.memory_space<hbm>>
      tpu.wait_dma2 semaphore(%run_scoped3A_102 : memref<!tpu.dma_semaphore, #tpu.memory_space<semaphore_mem>>) src(%dma_wait3A_109 : memref<40x128xi32, #tpu.memory_space<hbm>>) dst(%arg6 : memref<40x128xi32, #tpu.memory_space<vmem>>)
      tpu.yield
    }) : () -> ()
    "tpu.region"() ({
      %run_scoped3A_102 = tpu.sem_alloc : memref<!tpu.dma_semaphore, #tpu.memory_space<semaphore_mem>>
      %dma_start3A_103 = arith.constant 0 : i32
      %dma_start3A_104 = tpu.memref_slice %arg4[%add3A_33, %dma_start3A_103] : memref<2560x128xi32, #tpu.memory_space<hbm>> -> memref<40x128xi32, #tpu.memory_space<hbm>>
      %dma_start3A_105 = arith.constant 0 : i32
      %dma_start3A_106 = tpu.memref_slice %arg4[%add3A_33, %dma_start3A_105] : memref<2560x128xi32, #tpu.memory_space<hbm>> -> memref<40x128xi32, #tpu.memory_space<hbm>>
      tpu.enqueue_dma source(%dma_start3A_106 : memref<40x128xi32, #tpu.memory_space<hbm>>) target(%arg7 : memref<40x128xi32, #tpu.memory_space<vmem>>) target_semaphore(%run_scoped3A_102 : memref<!tpu.dma_semaphore, #tpu.memory_space<semaphore_mem>>)
      %dma_wait3A = arith.constant 0 : i32
      %dma_wait3A_107 = tpu.memref_slice %arg4[%add3A_33, %dma_wait3A] : memref<2560x128xi32, #tpu.memory_space<hbm>> -> memref<40x128xi32, #tpu.memory_space<hbm>>
      %dma_wait3A_108 = arith.constant 0 : i32
      %dma_wait3A_109 = tpu.memref_slice %arg4[%add3A_33, %dma_wait3A_108] : memref<2560x128xi32, #tpu.memory_space<hbm>> -> memref<40x128xi32, #tpu.memory_space<hbm>>
      tpu.wait_dma2 semaphore(%run_scoped3A_102 : memref<!tpu.dma_semaphore, #tpu.memory_space<semaphore_mem>>) src(%dma_wait3A_109 : memref<40x128xi32, #tpu.memory_space<hbm>>) dst(%arg7 : memref<40x128xi32, #tpu.memory_space<vmem>>)
      tpu.yield
    }) : () -> ()
    %dma_start3A = arith.constant 0 : i32
    %dma_start3A_34 = arith.constant 0 : i32
    %dma_start3A_35 = arith.constant 0 : i32
    %dma_start3A_36 = arith.constant 0 : i32
    %dma_start3A_37 = tpu.memref_slice %arg8[%dma_start3A_34, %dma_start3A_35, %dma_start3A_36] : memref<2x128x128xf32, #tpu.memory_space<vmem>> -> memref<1x128x128xf32, #tpu.memory_space<vmem>>
    %dma_start3A_38 = tpu.memref_squeeze %dma_start3A_37 : memref<1x128x128xf32, #tpu.memory_space<vmem>> -> memref<128x128xf32, #tpu.memory_space<vmem>>
    %dma_start3A_39 = arith.constant 0 : i32
    %dma_start3A_40 = tpu.memref_slice %arg6[%dma_start3A, %dma_start3A_39] : memref<40x128xi32, #tpu.memory_space<vmem>> -> memref<1x128xi32, #tpu.memory_space<vmem>>
    %dma_start3A_41 = tpu.memref_squeeze %dma_start3A_40 : memref<1x128xi32, #tpu.memory_space<vmem>> -> memref<128xi32, #tpu.memory_space<vmem>>
    %dma_start3A_42 = arith.constant 0 : i32
    %dma_start3A_43 = arith.constant 0 : i32
    %dma_start3A_44 = tpu.memref_slice %arg2[%dma_start3A_42, %dma_start3A_43] : memref<10000x128xf32, #tpu.memory_space<hbm>> -> memref<10000x128xf32, #tpu.memory_space<hbm>>
    tpu.enqueue_indirect_dma source(%dma_start3A_44 : memref<10000x128xf32, #tpu.memory_space<hbm>>) target(%dma_start3A_38 : memref<128x128xf32, #tpu.memory_space<vmem>>) offsets(%dma_start3A_41 : memref<128xi32, #tpu.memory_space<vmem>>) semaphore(%arg10 : memref<!tpu.dma_semaphore, #tpu.memory_space<semaphore_mem>>)
    %dma_start3A_45 = arith.constant 1 : i32
    %dma_start3A_46 = arith.constant 1 : i32
    %dma_start3A_47 = arith.constant 0 : i32
    %dma_start3A_48 = arith.constant 0 : i32
    %dma_start3A_49 = tpu.memref_slice %arg8[%dma_start3A_46, %dma_start3A_47, %dma_start3A_48] : memref<2x128x128xf32, #tpu.memory_space<vmem>> -> memref<1x128x128xf32, #tpu.memory_space<vmem>>
    %dma_start3A_50 = tpu.memref_squeeze %dma_start3A_49 : memref<1x128x128xf32, #tpu.memory_space<vmem>> -> memref<128x128xf32, #tpu.memory_space<vmem>>
    %dma_start3A_51 = arith.constant 0 : i32
    %dma_start3A_52 = tpu.memref_slice %arg6[%dma_start3A_45, %dma_start3A_51] : memref<40x128xi32, #tpu.memory_space<vmem>> -> memref<1x128xi32, #tpu.memory_space<vmem>>
    %dma_start3A_53 = tpu.memref_squeeze %dma_start3A_52 : memref<1x128xi32, #tpu.memory_space<vmem>> -> memref<128xi32, #tpu.memory_space<vmem>>
    %dma_start3A_54 = arith.constant 0 : i32
    %dma_start3A_55 = arith.constant 0 : i32
    %dma_start3A_56 = tpu.memref_slice %arg2[%dma_start3A_54, %dma_start3A_55] : memref<10000x128xf32, #tpu.memory_space<hbm>> -> memref<10000x128xf32, #tpu.memory_space<hbm>>
    tpu.enqueue_indirect_dma source(%dma_start3A_56 : memref<10000x128xf32, #tpu.memory_space<hbm>>) target(%dma_start3A_50 : memref<128x128xf32, #tpu.memory_space<vmem>>) offsets(%dma_start3A_53 : memref<128xi32, #tpu.memory_space<vmem>>) semaphore(%arg11 : memref<!tpu.dma_semaphore, #tpu.memory_space<semaphore_mem>>)
    %scan3A_57 = arith.constant 0 : i32
    %scan3A_58 = arith.constant 0 : i32
    %scan3A_59 = arith.constant 20 : i32
    %scan3A_60 = arith.addi %scan3A_58, %scan3A_59 : i32
    %scan3A_61 = arith.constant 1 : i32
    scf.for %scan3A_102 = %scan3A_58 to %scan3A_60 step %scan3A_61  : i32 {
      %mul3A_103 = arith.constant 2 : i32
      %mul3A_104 = arith.muli %scan3A_102, %mul3A_103 : i32
      %add3A_105 = arith.constant 0 : i32
      %add3A_106 = arith.addi %mul3A_104, %add3A_105 : i32
      %dma_wait3A = arith.constant 0 : i32
      %dma_wait3A_107 = arith.constant 0 : i32
      %dma_wait3A_108 = arith.constant 0 : i32
      %dma_wait3A_109 = tpu.memref_slice %arg8[%dma_wait3A, %dma_wait3A_107, %dma_wait3A_108] : memref<2x128x128xf32, #tpu.memory_space<vmem>> -> memref<1x128x128xf32, #tpu.memory_space<vmem>>
      %dma_wait3A_110 = tpu.memref_squeeze %dma_wait3A_109 : memref<1x128x128xf32, #tpu.memory_space<vmem>> -> memref<128x128xf32, #tpu.memory_space<vmem>>
      %dma_wait3A_111 = arith.constant 0 : i32
      %dma_wait3A_112 = tpu.memref_slice %arg6[%add3A_106, %dma_wait3A_111] : memref<40x128xi32, #tpu.memory_space<vmem>> -> memref<1x128xi32, #tpu.memory_space<vmem>>
      %dma_wait3A_113 = tpu.memref_squeeze %dma_wait3A_112 : memref<1x128xi32, #tpu.memory_space<vmem>> -> memref<128xi32, #tpu.memory_space<vmem>>
      %dma_wait3A_114 = arith.constant 0 : i32
      %dma_wait3A_115 = arith.constant 0 : i32
      %dma_wait3A_116 = tpu.memref_slice %arg2[%dma_wait3A_114, %dma_wait3A_115] : memref<10000x128xf32, #tpu.memory_space<hbm>> -> memref<10000x128xf32, #tpu.memory_space<hbm>>
      tpu.wait_indirect_dma semaphore(%arg10 : memref<!tpu.dma_semaphore, #tpu.memory_space<semaphore_mem>>) src(%dma_wait3A_116 : memref<10000x128xf32, #tpu.memory_space<hbm>>) dst(%dma_wait3A_110 : memref<128x128xf32, #tpu.memory_space<vmem>>)
      %run_scoped3A_117 = arith.constant 0 : i32
      "tpu.region"() ({
        %run_scoped3A_146 = tpu.sem_alloc : memref<!tpu.dma_semaphore, #tpu.memory_space<semaphore_mem>>
        %dma_start3A_147 = arith.constant 0 : i32
        %dma_start3A_148 = arith.constant 0 : i32
        %dma_start3A_149 = tpu.memref_slice %arg8[%run_scoped3A_117, %dma_start3A_147, %dma_start3A_148] : memref<2x128x128xf32, #tpu.memory_space<vmem>> -> memref<1x128x128xf32, #tpu.memory_space<vmem>>
        %dma_start3A_150 = tpu.memref_squeeze %dma_start3A_149 : memref<1x128x128xf32, #tpu.memory_space<vmem>> -> memref<128x128xf32, #tpu.memory_space<vmem>>
        %dma_start3A_151 = arith.constant 0 : i32
        %dma_start3A_152 = tpu.memref_slice %arg7[%add3A_106, %dma_start3A_151] : memref<40x128xi32, #tpu.memory_space<vmem>> -> memref<1x128xi32, #tpu.memory_space<vmem>>
        %dma_start3A_153 = tpu.memref_squeeze %dma_start3A_152 : memref<1x128xi32, #tpu.memory_space<vmem>> -> memref<128xi32, #tpu.memory_space<vmem>>
        %dma_start3A_154 = arith.constant 0 : i32
        %dma_start3A_155 = arith.constant 0 : i32
        %dma_start3A_156 = tpu.memref_slice %arg9[%dma_start3A_154, %dma_start3A_155] : memref<10240x128xf32, #tpu.memory_space<vmem_shared>> -> memref<10240x128xf32, #tpu.memory_space<vmem_shared>>
        tpu.enqueue_indirect_dma source(%dma_start3A_150 : memref<128x128xf32, #tpu.memory_space<vmem>>) target(%dma_start3A_156 : memref<10240x128xf32, #tpu.memory_space<vmem_shared>>) offsets(%dma_start3A_153 : memref<128xi32, #tpu.memory_space<vmem>>) semaphore(%run_scoped3A_146 : memref<!tpu.dma_semaphore, #tpu.memory_space<semaphore_mem>>) {add = true}
        %dma_wait3A_157 = arith.constant 0 : i32
        %dma_wait3A_158 = arith.constant 0 : i32
        %dma_wait3A_159 = tpu.memref_slice %arg8[%run_scoped3A_117, %dma_wait3A_157, %dma_wait3A_158] : memref<2x128x128xf32, #tpu.memory_space<vmem>> -> memref<1x128x128xf32, #tpu.memory_space<vmem>>
        %dma_wait3A_160 = tpu.memref_squeeze %dma_wait3A_159 : memref<1x128x128xf32, #tpu.memory_space<vmem>> -> memref<128x128xf32, #tpu.memory_space<vmem>>
        %dma_wait3A_161 = arith.constant 0 : i32
        %dma_wait3A_162 = tpu.memref_slice %arg7[%add3A_106, %dma_wait3A_161] : memref<40x128xi32, #tpu.memory_space<vmem>> -> memref<1x128xi32, #tpu.memory_space<vmem>>
        %dma_wait3A_163 = tpu.memref_squeeze %dma_wait3A_162 : memref<1x128xi32, #tpu.memory_space<vmem>> -> memref<128xi32, #tpu.memory_space<vmem>>
        %dma_wait3A_164 = arith.constant 0 : i32
        %dma_wait3A_165 = arith.constant 0 : i32
        %dma_wait3A_166 = tpu.memref_slice %arg9[%dma_wait3A_164, %dma_wait3A_165] : memref<10240x128xf32, #tpu.memory_space<vmem_shared>> -> memref<10240x128xf32, #tpu.memory_space<vmem_shared>>
        tpu.wait_indirect_dma semaphore(%run_scoped3A_146 : memref<!tpu.dma_semaphore, #tpu.memory_space<semaphore_mem>>) src(%dma_wait3A_160 : memref<128x128xf32, #tpu.memory_space<vmem>>) dst(%dma_wait3A_166 : memref<10240x128xf32, #tpu.memory_space<vmem_shared>>)
        tpu.yield
      }) : () -> ()
      %add3A_118 = arith.constant 2 : i32
      %add3A_119 = arith.addi %add3A_106, %add3A_118 : i32
      %lt3A_120 = arith.constant 40 : i32
      %lt3A_121 = arith.cmpi slt, %add3A_119, %lt3A_120 : i32
      %convert_element_type3A_122 = arith.extui %lt3A_121 : i1 to i32
      %cond3A_123 = arith.constant 0 : i32
      %cond3A_124 = arith.cmpi ne, %convert_element_type3A_122, %cond3A_123 : i32
      scf.if %cond3A_124 {
        %add3A_146 = arith.constant 2 : i32
        %add3A_147 = arith.addi %add3A_106, %add3A_146 : i32
        %dma_start3A_148 = arith.constant 0 : i32
        %dma_start3A_149 = arith.constant 0 : i32
        %dma_start3A_150 = arith.constant 0 : i32
        %dma_start3A_151 = tpu.memref_slice %arg8[%dma_start3A_148, %dma_start3A_149, %dma_start3A_150] : memref<2x128x128xf32, #tpu.memory_space<vmem>> -> memref<1x128x128xf32, #tpu.memory_space<vmem>>
        %dma_start3A_152 = tpu.memref_squeeze %dma_start3A_151 : memref<1x128x128xf32, #tpu.memory_space<vmem>> -> memref<128x128xf32, #tpu.memory_space<vmem>>
        %dma_start3A_153 = arith.constant 0 : i32
        %dma_start3A_154 = tpu.memref_slice %arg6[%add3A_147, %dma_start3A_153] : memref<40x128xi32, #tpu.memory_space<vmem>> -> memref<1x128xi32, #tpu.memory_space<vmem>>
        %dma_start3A_155 = tpu.memref_squeeze %dma_start3A_154 : memref<1x128xi32, #tpu.memory_space<vmem>> -> memref<128xi32, #tpu.memory_space<vmem>>
        %dma_start3A_156 = arith.constant 0 : i32
        %dma_start3A_157 = arith.constant 0 : i32
        %dma_start3A_158 = tpu.memref_slice %arg2[%dma_start3A_156, %dma_start3A_157] : memref<10000x128xf32, #tpu.memory_space<hbm>> -> memref<10000x128xf32, #tpu.memory_space<hbm>>
        tpu.enqueue_indirect_dma source(%dma_start3A_158 : memref<10000x128xf32, #tpu.memory_space<hbm>>) target(%dma_start3A_152 : memref<128x128xf32, #tpu.memory_space<vmem>>) offsets(%dma_start3A_155 : memref<128xi32, #tpu.memory_space<vmem>>) semaphore(%arg10 : memref<!tpu.dma_semaphore, #tpu.memory_space<semaphore_mem>>)
      } else {
      }
      %add3A_125 = arith.constant 1 : i32
      %add3A_126 = arith.addi %mul3A_104, %add3A_125 : i32
      %dma_wait3A_127 = arith.constant 1 : i32
      %dma_wait3A_128 = arith.constant 0 : i32
      %dma_wait3A_129 = arith.constant 0 : i32
      %dma_wait3A_130 = tpu.memref_slice %arg8[%dma_wait3A_127, %dma_wait3A_128, %dma_wait3A_129] : memref<2x128x128xf32, #tpu.memory_space<vmem>> -> memref<1x128x128xf32, #tpu.memory_space<vmem>>
      %dma_wait3A_131 = tpu.memref_squeeze %dma_wait3A_130 : memref<1x128x128xf32, #tpu.memory_space<vmem>> -> memref<128x128xf32, #tpu.memory_space<vmem>>
      %dma_wait3A_132 = arith.constant 0 : i32
      %dma_wait3A_133 = tpu.memref_slice %arg6[%add3A_126, %dma_wait3A_132] : memref<40x128xi32, #tpu.memory_space<vmem>> -> memref<1x128xi32, #tpu.memory_space<vmem>>
      %dma_wait3A_134 = tpu.memref_squeeze %dma_wait3A_133 : memref<1x128xi32, #tpu.memory_space<vmem>> -> memref<128xi32, #tpu.memory_space<vmem>>
      %dma_wait3A_135 = arith.constant 0 : i32
      %dma_wait3A_136 = arith.constant 0 : i32
      %dma_wait3A_137 = tpu.memref_slice %arg2[%dma_wait3A_135, %dma_wait3A_136] : memref<10000x128xf32, #tpu.memory_space<hbm>> -> memref<10000x128xf32, #tpu.memory_space<hbm>>
      tpu.wait_indirect_dma semaphore(%arg11 : memref<!tpu.dma_semaphore, #tpu.memory_space<semaphore_mem>>) src(%dma_wait3A_137 : memref<10000x128xf32, #tpu.memory_space<hbm>>) dst(%dma_wait3A_131 : memref<128x128xf32, #tpu.memory_space<vmem>>)
      %run_scoped3A_138 = arith.constant 1 : i32
      "tpu.region"() ({
        %run_scoped3A_146 = tpu.sem_alloc : memref<!tpu.dma_semaphore, #tpu.memory_space<semaphore_mem>>
        %dma_start3A_147 = arith.constant 0 : i32
        %dma_start3A_148 = arith.constant 0 : i32
        %dma_start3A_149 = tpu.memref_slice %arg8[%run_scoped3A_138, %dma_start3A_147, %dma_start3A_148] : memref<2x128x128xf32, #tpu.memory_space<vmem>> -> memref<1x128x128xf32, #tpu.memory_space<vmem>>
        %dma_start3A_150 = tpu.memref_squeeze %dma_start3A_149 : memref<1x128x128xf32, #tpu.memory_space<vmem>> -> memref<128x128xf32, #tpu.memory_space<vmem>>
        %dma_start3A_151 = arith.constant 0 : i32
        %dma_start3A_152 = tpu.memref_slice %arg7[%add3A_126, %dma_start3A_151] : memref<40x128xi32, #tpu.memory_space<vmem>> -> memref<1x128xi32, #tpu.memory_space<vmem>>
        %dma_start3A_153 = tpu.memref_squeeze %dma_start3A_152 : memref<1x128xi32, #tpu.memory_space<vmem>> -> memref<128xi32, #tpu.memory_space<vmem>>
        %dma_start3A_154 = arith.constant 0 : i32
        %dma_start3A_155 = arith.constant 0 : i32
        %dma_start3A_156 = tpu.memref_slice %arg9[%dma_start3A_154, %dma_start3A_155] : memref<10240x128xf32, #tpu.memory_space<vmem_shared>> -> memref<10240x128xf32, #tpu.memory_space<vmem_shared>>
        tpu.enqueue_indirect_dma source(%dma_start3A_150 : memref<128x128xf32, #tpu.memory_space<vmem>>) target(%dma_start3A_156 : memref<10240x128xf32, #tpu.memory_space<vmem_shared>>) offsets(%dma_start3A_153 : memref<128xi32, #tpu.memory_space<vmem>>) semaphore(%run_scoped3A_146 : memref<!tpu.dma_semaphore, #tpu.memory_space<semaphore_mem>>) {add = true}
        %dma_wait3A_157 = arith.constant 0 : i32
        %dma_wait3A_158 = arith.constant 0 : i32
        %dma_wait3A_159 = tpu.memref_slice %arg8[%run_scoped3A_138, %dma_wait3A_157, %dma_wait3A_158] : memref<2x128x128xf32, #tpu.memory_space<vmem>> -> memref<1x128x128xf32, #tpu.memory_space<vmem>>
        %dma_wait3A_160 = tpu.memref_squeeze %dma_wait3A_159 : memref<1x128x128xf32, #tpu.memory_space<vmem>> -> memref<128x128xf32, #tpu.memory_space<vmem>>
        %dma_wait3A_161 = arith.constant 0 : i32
        %dma_wait3A_162 = tpu.memref_slice %arg7[%add3A_126, %dma_wait3A_161] : memref<40x128xi32, #tpu.memory_space<vmem>> -> memref<1x128xi32, #tpu.memory_space<vmem>>
        %dma_wait3A_163 = tpu.memref_squeeze %dma_wait3A_162 : memref<1x128xi32, #tpu.memory_space<vmem>> -> memref<128xi32, #tpu.memory_space<vmem>>
        %dma_wait3A_164 = arith.constant 0 : i32
        %dma_wait3A_165 = arith.constant 0 : i32
        %dma_wait3A_166 = tpu.memref_slice %arg9[%dma_wait3A_164, %dma_wait3A_165] : memref<10240x128xf32, #tpu.memory_space<vmem_shared>> -> memref<10240x128xf32, #tpu.memory_space<vmem_shared>>
        tpu.wait_indirect_dma semaphore(%run_scoped3A_146 : memref<!tpu.dma_semaphore, #tpu.memory_space<semaphore_mem>>) src(%dma_wait3A_160 : memref<128x128xf32, #tpu.memory_space<vmem>>) dst(%dma_wait3A_166 : memref<10240x128xf32, #tpu.memory_space<vmem_shared>>)
        tpu.yield
      }) : () -> ()
      %add3A_139 = arith.constant 2 : i32
      %add3A_140 = arith.addi %add3A_126, %add3A_139 : i32
      %lt3A_141 = arith.constant 40 : i32
      %lt3A_142 = arith.cmpi slt, %add3A_140, %lt3A_141 : i32
      %convert_element_type3A_143 = arith.extui %lt3A_142 : i1 to i32
      %cond3A_144 = arith.constant 0 : i32
      %cond3A_145 = arith.cmpi ne, %convert_element_type3A_143, %cond3A_144 : i32
      scf.if %cond3A_145 {
        %add3A_146 = arith.constant 2 : i32
        %add3A_147 = arith.addi %add3A_126, %add3A_146 : i32
        %dma_start3A_148 = arith.constant 1 : i32
        %dma_start3A_149 = arith.constant 0 : i32
        %dma_start3A_150 = arith.constant 0 : i32
        %dma_start3A_151 = tpu.memref_slice %arg8[%dma_start3A_148, %dma_start3A_149, %dma_start3A_150] : memref<2x128x128xf32, #tpu.memory_space<vmem>> -> memref<1x128x128xf32, #tpu.memory_space<vmem>>
        %dma_start3A_152 = tpu.memref_squeeze %dma_start3A_151 : memref<1x128x128xf32, #tpu.memory_space<vmem>> -> memref<128x128xf32, #tpu.memory_space<vmem>>
        %dma_start3A_153 = arith.constant 0 : i32
        %dma_start3A_154 = tpu.memref_slice %arg6[%add3A_147, %dma_start3A_153] : memref<40x128xi32, #tpu.memory_space<vmem>> -> memref<1x128xi32, #tpu.memory_space<vmem>>
        %dma_start3A_155 = tpu.memref_squeeze %dma_start3A_154 : memref<1x128xi32, #tpu.memory_space<vmem>> -> memref<128xi32, #tpu.memory_space<vmem>>
        %dma_start3A_156 = arith.constant 0 : i32
        %dma_start3A_157 = arith.constant 0 : i32
        %dma_start3A_158 = tpu.memref_slice %arg2[%dma_start3A_156, %dma_start3A_157] : memref<10000x128xf32, #tpu.memory_space<hbm>> -> memref<10000x128xf32, #tpu.memory_space<hbm>>
        tpu.enqueue_indirect_dma source(%dma_start3A_158 : memref<10000x128xf32, #tpu.memory_space<hbm>>) target(%dma_start3A_152 : memref<128x128xf32, #tpu.memory_space<vmem>>) offsets(%dma_start3A_155 : memref<128xi32, #tpu.memory_space<vmem>>) semaphore(%arg11 : memref<!tpu.dma_semaphore, #tpu.memory_space<semaphore_mem>>)
      } else {
      }
    }
    %scan3A_62 = arith.constant 20 : i32
    %add3A_63 = arith.constant 40 : i32
    %add3A_64 = arith.addi %mul3A_2, %add3A_63 : i32
    "tpu.region"() ({
      %run_scoped3A_102 = tpu.sem_alloc : memref<!tpu.dma_semaphore, #tpu.memory_space<semaphore_mem>>
      %dma_start3A_103 = arith.constant 0 : i32
      %dma_start3A_104 = tpu.memref_slice %arg3[%add3A_64, %dma_start3A_103] : memref<2560x128xi32, #tpu.memory_space<hbm>> -> memref<40x128xi32, #tpu.memory_space<hbm>>
      %dma_start3A_105 = arith.constant 0 : i32
      %dma_start3A_106 = tpu.memref_slice %arg3[%add3A_64, %dma_start3A_105] : memref<2560x128xi32, #tpu.memory_space<hbm>> -> memref<40x128xi32, #tpu.memory_space<hbm>>
      tpu.enqueue_dma source(%dma_start3A_106 : memref<40x128xi32, #tpu.memory_space<hbm>>) target(%arg6 : memref<40x128xi32, #tpu.memory_space<vmem>>) target_semaphore(%run_scoped3A_102 : memref<!tpu.dma_semaphore, #tpu.memory_space<semaphore_mem>>)
      %dma_wait3A = arith.constant 0 : i32
      %dma_wait3A_107 = tpu.memref_slice %arg3[%add3A_64, %dma_wait3A] : memref<2560x128xi32, #tpu.memory_space<hbm>> -> memref<40x128xi32, #tpu.memory_space<hbm>>
      %dma_wait3A_108 = arith.constant 0 : i32
      %dma_wait3A_109 = tpu.memref_slice %arg3[%add3A_64, %dma_wait3A_108] : memref<2560x128xi32, #tpu.memory_space<hbm>> -> memref<40x128xi32, #tpu.memory_space<hbm>>
      tpu.wait_dma2 semaphore(%run_scoped3A_102 : memref<!tpu.dma_semaphore, #tpu.memory_space<semaphore_mem>>) src(%dma_wait3A_109 : memref<40x128xi32, #tpu.memory_space<hbm>>) dst(%arg6 : memref<40x128xi32, #tpu.memory_space<vmem>>)
      tpu.yield
    }) : () -> ()
    "tpu.region"() ({
      %run_scoped3A_102 = tpu.sem_alloc : memref<!tpu.dma_semaphore, #tpu.memory_space<semaphore_mem>>
      %dma_start3A_103 = arith.constant 0 : i32
      %dma_start3A_104 = tpu.memref_slice %arg4[%add3A_64, %dma_start3A_103] : memref<2560x128xi32, #tpu.memory_space<hbm>> -> memref<40x128xi32, #tpu.memory_space<hbm>>
      %dma_start3A_105 = arith.constant 0 : i32
      %dma_start3A_106 = tpu.memref_slice %arg4[%add3A_64, %dma_start3A_105] : memref<2560x128xi32, #tpu.memory_space<hbm>> -> memref<40x128xi32, #tpu.memory_space<hbm>>
      tpu.enqueue_dma source(%dma_start3A_106 : memref<40x128xi32, #tpu.memory_space<hbm>>) target(%arg7 : memref<40x128xi32, #tpu.memory_space<vmem>>) target_semaphore(%run_scoped3A_102 : memref<!tpu.dma_semaphore, #tpu.memory_space<semaphore_mem>>)
      %dma_wait3A = arith.constant 0 : i32
      %dma_wait3A_107 = tpu.memref_slice %arg4[%add3A_64, %dma_wait3A] : memref<2560x128xi32, #tpu.memory_space<hbm>> -> memref<40x128xi32, #tpu.memory_space<hbm>>
      %dma_wait3A_108 = arith.constant 0 : i32
      %dma_wait3A_109 = tpu.memref_slice %arg4[%add3A_64, %dma_wait3A_108] : memref<2560x128xi32, #tpu.memory_space<hbm>> -> memref<40x128xi32, #tpu.memory_space<hbm>>
      tpu.wait_dma2 semaphore(%run_scoped3A_102 : memref<!tpu.dma_semaphore, #tpu.memory_space<semaphore_mem>>) src(%dma_wait3A_109 : memref<40x128xi32, #tpu.memory_space<hbm>>) dst(%arg7 : memref<40x128xi32, #tpu.memory_space<vmem>>)
      tpu.yield
    }) : () -> ()
    %dma_start3A_65 = arith.constant 0 : i32
    %dma_start3A_66 = arith.constant 0 : i32
    %dma_start3A_67 = arith.constant 0 : i32
    %dma_start3A_68 = arith.constant 0 : i32
    %dma_start3A_69 = tpu.memref_slice %arg8[%dma_start3A_66, %dma_start3A_67, %dma_start3A_68] : memref<2x128x128xf32, #tpu.memory_space<vmem>> -> memref<1x128x128xf32, #tpu.memory_space<vmem>>
    %dma_start3A_70 = tpu.memref_squeeze %dma_start3A_69 : memref<1x128x128xf32, #tpu.memory_space<vmem>> -> memref<128x128xf32, #tpu.memory_space<vmem>>
    %dma_start3A_71 = arith.constant 0 : i32
    %dma_start3A_72 = tpu.memref_slice %arg6[%dma_start3A_65, %dma_start3A_71] : memref<40x128xi32, #tpu.memory_space<vmem>> -> memref<1x128xi32, #tpu.memory_space<vmem>>
    %dma_start3A_73 = tpu.memref_squeeze %dma_start3A_72 : memref<1x128xi32, #tpu.memory_space<vmem>> -> memref<128xi32, #tpu.memory_space<vmem>>
    %dma_start3A_74 = arith.constant 0 : i32
    %dma_start3A_75 = arith.constant 0 : i32
    %dma_start3A_76 = tpu.memref_slice %arg2[%dma_start3A_74, %dma_start3A_75] : memref<10000x128xf32, #tpu.memory_space<hbm>> -> memref<10000x128xf32, #tpu.memory_space<hbm>>
    tpu.enqueue_indirect_dma source(%dma_start3A_76 : memref<10000x128xf32, #tpu.memory_space<hbm>>) target(%dma_start3A_70 : memref<128x128xf32, #tpu.memory_space<vmem>>) offsets(%dma_start3A_73 : memref<128xi32, #tpu.memory_space<vmem>>) semaphore(%arg10 : memref<!tpu.dma_semaphore, #tpu.memory_space<semaphore_mem>>)
    %dma_start3A_77 = arith.constant 1 : i32
    %dma_start3A_78 = arith.constant 1 : i32
    %dma_start3A_79 = arith.constant 0 : i32
    %dma_start3A_80 = arith.constant 0 : i32
    %dma_start3A_81 = tpu.memref_slice %arg8[%dma_start3A_78, %dma_start3A_79, %dma_start3A_80] : memref<2x128x128xf32, #tpu.memory_space<vmem>> -> memref<1x128x128xf32, #tpu.memory_space<vmem>>
    %dma_start3A_82 = tpu.memref_squeeze %dma_start3A_81 : memref<1x128x128xf32, #tpu.memory_space<vmem>> -> memref<128x128xf32, #tpu.memory_space<vmem>>
    %dma_start3A_83 = arith.constant 0 : i32
    %dma_start3A_84 = tpu.memref_slice %arg6[%dma_start3A_77, %dma_start3A_83] : memref<40x128xi32, #tpu.memory_space<vmem>> -> memref<1x128xi32, #tpu.memory_space<vmem>>
    %dma_start3A_85 = tpu.memref_squeeze %dma_start3A_84 : memref<1x128xi32, #tpu.memory_space<vmem>> -> memref<128xi32, #tpu.memory_space<vmem>>
    %dma_start3A_86 = arith.constant 0 : i32
    %dma_start3A_87 = arith.constant 0 : i32
    %dma_start3A_88 = tpu.memref_slice %arg2[%dma_start3A_86, %dma_start3A_87] : memref<10000x128xf32, #tpu.memory_space<hbm>> -> memref<10000x128xf32, #tpu.memory_space<hbm>>
    tpu.enqueue_indirect_dma source(%dma_start3A_88 : memref<10000x128xf32, #tpu.memory_space<hbm>>) target(%dma_start3A_82 : memref<128x128xf32, #tpu.memory_space<vmem>>) offsets(%dma_start3A_85 : memref<128xi32, #tpu.memory_space<vmem>>) semaphore(%arg11 : memref<!tpu.dma_semaphore, #tpu.memory_space<semaphore_mem>>)
    %scan3A_89 = arith.constant 0 : i32
    %scan3A_90 = arith.constant 0 : i32
    %scan3A_91 = arith.constant 20 : i32
    %scan3A_92 = arith.addi %scan3A_90, %scan3A_91 : i32
    %scan3A_93 = arith.constant 1 : i32
    scf.for %scan3A_102 = %scan3A_90 to %scan3A_92 step %scan3A_93  : i32 {
      %mul3A_103 = arith.constant 2 : i32
      %mul3A_104 = arith.muli %scan3A_102, %mul3A_103 : i32
      %add3A_105 = arith.constant 0 : i32
      %add3A_106 = arith.addi %mul3A_104, %add3A_105 : i32
      %dma_wait3A = arith.constant 0 : i32
      %dma_wait3A_107 = arith.constant 0 : i32
      %dma_wait3A_108 = arith.constant 0 : i32
      %dma_wait3A_109 = tpu.memref_slice %arg8[%dma_wait3A, %dma_wait3A_107, %dma_wait3A_108] : memref<2x128x128xf32, #tpu.memory_space<vmem>> -> memref<1x128x128xf32, #tpu.memory_space<vmem>>
      %dma_wait3A_110 = tpu.memref_squeeze %dma_wait3A_109 : memref<1x128x128xf32, #tpu.memory_space<vmem>> -> memref<128x128xf32, #tpu.memory_space<vmem>>
      %dma_wait3A_111 = arith.constant 0 : i32
      %dma_wait3A_112 = tpu.memref_slice %arg6[%add3A_106, %dma_wait3A_111] : memref<40x128xi32, #tpu.memory_space<vmem>> -> memref<1x128xi32, #tpu.memory_space<vmem>>
      %dma_wait3A_113 = tpu.memref_squeeze %dma_wait3A_112 : memref<1x128xi32, #tpu.memory_space<vmem>> -> memref<128xi32, #tpu.memory_space<vmem>>
      %dma_wait3A_114 = arith.constant 0 : i32
      %dma_wait3A_115 = arith.constant 0 : i32
      %dma_wait3A_116 = tpu.memref_slice %arg2[%dma_wait3A_114, %dma_wait3A_115] : memref<10000x128xf32, #tpu.memory_space<hbm>> -> memref<10000x128xf32, #tpu.memory_space<hbm>>
      tpu.wait_indirect_dma semaphore(%arg10 : memref<!tpu.dma_semaphore, #tpu.memory_space<semaphore_mem>>) src(%dma_wait3A_116 : memref<10000x128xf32, #tpu.memory_space<hbm>>) dst(%dma_wait3A_110 : memref<128x128xf32, #tpu.memory_space<vmem>>)
      %run_scoped3A_117 = arith.constant 0 : i32
      "tpu.region"() ({
        %run_scoped3A_146 = tpu.sem_alloc : memref<!tpu.dma_semaphore, #tpu.memory_space<semaphore_mem>>
        %dma_start3A_147 = arith.constant 0 : i32
        %dma_start3A_148 = arith.constant 0 : i32
        %dma_start3A_149 = tpu.memref_slice %arg8[%run_scoped3A_117, %dma_start3A_147, %dma_start3A_148] : memref<2x128x128xf32, #tpu.memory_space<vmem>> -> memref<1x128x128xf32, #tpu.memory_space<vmem>>
        %dma_start3A_150 = tpu.memref_squeeze %dma_start3A_149 : memref<1x128x128xf32, #tpu.memory_space<vmem>> -> memref<128x128xf32, #tpu.memory_space<vmem>>
        %dma_start3A_151 = arith.constant 0 : i32
        %dma_start3A_152 = tpu.memref_slice %arg7[%add3A_106, %dma_start3A_151] : memref<40x128xi32, #tpu.memory_space<vmem>> -> memref<1x128xi32, #tpu.memory_space<vmem>>
        %dma_start3A_153 = tpu.memref_squeeze %dma_start3A_152 : memref<1x128xi32, #tpu.memory_space<vmem>> -> memref<128xi32, #tpu.memory_space<vmem>>
        %dma_start3A_154 = arith.constant 0 : i32
        %dma_start3A_155 = arith.constant 0 : i32
        %dma_start3A_156 = tpu.memref_slice %arg9[%dma_start3A_154, %dma_start3A_155] : memref<10240x128xf32, #tpu.memory_space<vmem_shared>> -> memref<10240x128xf32, #tpu.memory_space<vmem_shared>>
        tpu.enqueue_indirect_dma source(%dma_start3A_150 : memref<128x128xf32, #tpu.memory_space<vmem>>) target(%dma_start3A_156 : memref<10240x128xf32, #tpu.memory_space<vmem_shared>>) offsets(%dma_start3A_153 : memref<128xi32, #tpu.memory_space<vmem>>) semaphore(%run_scoped3A_146 : memref<!tpu.dma_semaphore, #tpu.memory_space<semaphore_mem>>) {add = true}
        %dma_wait3A_157 = arith.constant 0 : i32
        %dma_wait3A_158 = arith.constant 0 : i32
        %dma_wait3A_159 = tpu.memref_slice %arg8[%run_scoped3A_117, %dma_wait3A_157, %dma_wait3A_158] : memref<2x128x128xf32, #tpu.memory_space<vmem>> -> memref<1x128x128xf32, #tpu.memory_space<vmem>>
        %dma_wait3A_160 = tpu.memref_squeeze %dma_wait3A_159 : memref<1x128x128xf32, #tpu.memory_space<vmem>> -> memref<128x128xf32, #tpu.memory_space<vmem>>
        %dma_wait3A_161 = arith.constant 0 : i32
        %dma_wait3A_162 = tpu.memref_slice %arg7[%add3A_106, %dma_wait3A_161] : memref<40x128xi32, #tpu.memory_space<vmem>> -> memref<1x128xi32, #tpu.memory_space<vmem>>
        %dma_wait3A_163 = tpu.memref_squeeze %dma_wait3A_162 : memref<1x128xi32, #tpu.memory_space<vmem>> -> memref<128xi32, #tpu.memory_space<vmem>>
        %dma_wait3A_164 = arith.constant 0 : i32
        %dma_wait3A_165 = arith.constant 0 : i32
        %dma_wait3A_166 = tpu.memref_slice %arg9[%dma_wait3A_164, %dma_wait3A_165] : memref<10240x128xf32, #tpu.memory_space<vmem_shared>> -> memref<10240x128xf32, #tpu.memory_space<vmem_shared>>
        tpu.wait_indirect_dma semaphore(%run_scoped3A_146 : memref<!tpu.dma_semaphore, #tpu.memory_space<semaphore_mem>>) src(%dma_wait3A_160 : memref<128x128xf32, #tpu.memory_space<vmem>>) dst(%dma_wait3A_166 : memref<10240x128xf32, #tpu.memory_space<vmem_shared>>)
        tpu.yield
      }) : () -> ()
      %add3A_118 = arith.constant 2 : i32
      %add3A_119 = arith.addi %add3A_106, %add3A_118 : i32
      %lt3A_120 = arith.constant 40 : i32
      %lt3A_121 = arith.cmpi slt, %add3A_119, %lt3A_120 : i32
      %convert_element_type3A_122 = arith.extui %lt3A_121 : i1 to i32
      %cond3A_123 = arith.constant 0 : i32
      %cond3A_124 = arith.cmpi ne, %convert_element_type3A_122, %cond3A_123 : i32
      scf.if %cond3A_124 {
        %add3A_146 = arith.constant 2 : i32
        %add3A_147 = arith.addi %add3A_106, %add3A_146 : i32
        %dma_start3A_148 = arith.constant 0 : i32
        %dma_start3A_149 = arith.constant 0 : i32
        %dma_start3A_150 = arith.constant 0 : i32
        %dma_start3A_151 = tpu.memref_slice %arg8[%dma_start3A_148, %dma_start3A_149, %dma_start3A_150] : memref<2x128x128xf32, #tpu.memory_space<vmem>> -> memref<1x128x128xf32, #tpu.memory_space<vmem>>
        %dma_start3A_152 = tpu.memref_squeeze %dma_start3A_151 : memref<1x128x128xf32, #tpu.memory_space<vmem>> -> memref<128x128xf32, #tpu.memory_space<vmem>>
        %dma_start3A_153 = arith.constant 0 : i32
        %dma_start3A_154 = tpu.memref_slice %arg6[%add3A_147, %dma_start3A_153] : memref<40x128xi32, #tpu.memory_space<vmem>> -> memref<1x128xi32, #tpu.memory_space<vmem>>
        %dma_start3A_155 = tpu.memref_squeeze %dma_start3A_154 : memref<1x128xi32, #tpu.memory_space<vmem>> -> memref<128xi32, #tpu.memory_space<vmem>>
        %dma_start3A_156 = arith.constant 0 : i32
        %dma_start3A_157 = arith.constant 0 : i32
        %dma_start3A_158 = tpu.memref_slice %arg2[%dma_start3A_156, %dma_start3A_157] : memref<10000x128xf32, #tpu.memory_space<hbm>> -> memref<10000x128xf32, #tpu.memory_space<hbm>>
        tpu.enqueue_indirect_dma source(%dma_start3A_158 : memref<10000x128xf32, #tpu.memory_space<hbm>>) target(%dma_start3A_152 : memref<128x128xf32, #tpu.memory_space<vmem>>) offsets(%dma_start3A_155 : memref<128xi32, #tpu.memory_space<vmem>>) semaphore(%arg10 : memref<!tpu.dma_semaphore, #tpu.memory_space<semaphore_mem>>)
      } else {
      }
      %add3A_125 = arith.constant 1 : i32
      %add3A_126 = arith.addi %mul3A_104, %add3A_125 : i32
      %dma_wait3A_127 = arith.constant 1 : i32
      %dma_wait3A_128 = arith.constant 0 : i32
      %dma_wait3A_129 = arith.constant 0 : i32
      %dma_wait3A_130 = tpu.memref_slice %arg8[%dma_wait3A_127, %dma_wait3A_128, %dma_wait3A_129] : memref<2x128x128xf32, #tpu.memory_space<vmem>> -> memref<1x128x128xf32, #tpu.memory_space<vmem>>
      %dma_wait3A_131 = tpu.memref_squeeze %dma_wait3A_130 : memref<1x128x128xf32, #tpu.memory_space<vmem>> -> memref<128x128xf32, #tpu.memory_space<vmem>>
      %dma_wait3A_132 = arith.constant 0 : i32
      %dma_wait3A_133 = tpu.memref_slice %arg6[%add3A_126, %dma_wait3A_132] : memref<40x128xi32, #tpu.memory_space<vmem>> -> memref<1x128xi32, #tpu.memory_space<vmem>>
      %dma_wait3A_134 = tpu.memref_squeeze %dma_wait3A_133 : memref<1x128xi32, #tpu.memory_space<vmem>> -> memref<128xi32, #tpu.memory_space<vmem>>
      %dma_wait3A_135 = arith.constant 0 : i32
      %dma_wait3A_136 = arith.constant 0 : i32
      %dma_wait3A_137 = tpu.memref_slice %arg2[%dma_wait3A_135, %dma_wait3A_136] : memref<10000x128xf32, #tpu.memory_space<hbm>> -> memref<10000x128xf32, #tpu.memory_space<hbm>>
      tpu.wait_indirect_dma semaphore(%arg11 : memref<!tpu.dma_semaphore, #tpu.memory_space<semaphore_mem>>) src(%dma_wait3A_137 : memref<10000x128xf32, #tpu.memory_space<hbm>>) dst(%dma_wait3A_131 : memref<128x128xf32, #tpu.memory_space<vmem>>)
      %run_scoped3A_138 = arith.constant 1 : i32
      "tpu.region"() ({
        %run_scoped3A_146 = tpu.sem_alloc : memref<!tpu.dma_semaphore, #tpu.memory_space<semaphore_mem>>
        %dma_start3A_147 = arith.constant 0 : i32
        %dma_start3A_148 = arith.constant 0 : i32
        %dma_start3A_149 = tpu.memref_slice %arg8[%run_scoped3A_138, %dma_start3A_147, %dma_start3A_148] : memref<2x128x128xf32, #tpu.memory_space<vmem>> -> memref<1x128x128xf32, #tpu.memory_space<vmem>>
        %dma_start3A_150 = tpu.memref_squeeze %dma_start3A_149 : memref<1x128x128xf32, #tpu.memory_space<vmem>> -> memref<128x128xf32, #tpu.memory_space<vmem>>
        %dma_start3A_151 = arith.constant 0 : i32
        %dma_start3A_152 = tpu.memref_slice %arg7[%add3A_126, %dma_start3A_151] : memref<40x128xi32, #tpu.memory_space<vmem>> -> memref<1x128xi32, #tpu.memory_space<vmem>>
        %dma_start3A_153 = tpu.memref_squeeze %dma_start3A_152 : memref<1x128xi32, #tpu.memory_space<vmem>> -> memref<128xi32, #tpu.memory_space<vmem>>
        %dma_start3A_154 = arith.constant 0 : i32
        %dma_start3A_155 = arith.constant 0 : i32
        %dma_start3A_156 = tpu.memref_slice %arg9[%dma_start3A_154, %dma_start3A_155] : memref<10240x128xf32, #tpu.memory_space<vmem_shared>> -> memref<10240x128xf32, #tpu.memory_space<vmem_shared>>
        tpu.enqueue_indirect_dma source(%dma_start3A_150 : memref<128x128xf32, #tpu.memory_space<vmem>>) target(%dma_start3A_156 : memref<10240x128xf32, #tpu.memory_space<vmem_shared>>) offsets(%dma_start3A_153 : memref<128xi32, #tpu.memory_space<vmem>>) semaphore(%run_scoped3A_146 : memref<!tpu.dma_semaphore, #tpu.memory_space<semaphore_mem>>) {add = true}
        %dma_wait3A_157 = arith.constant 0 : i32
        %dma_wait3A_158 = arith.constant 0 : i32
        %dma_wait3A_159 = tpu.memref_slice %arg8[%run_scoped3A_138, %dma_wait3A_157, %dma_wait3A_158] : memref<2x128x128xf32, #tpu.memory_space<vmem>> -> memref<1x128x128xf32, #tpu.memory_space<vmem>>
        %dma_wait3A_160 = tpu.memref_squeeze %dma_wait3A_159 : memref<1x128x128xf32, #tpu.memory_space<vmem>> -> memref<128x128xf32, #tpu.memory_space<vmem>>
        %dma_wait3A_161 = arith.constant 0 : i32
        %dma_wait3A_162 = tpu.memref_slice %arg7[%add3A_126, %dma_wait3A_161] : memref<40x128xi32, #tpu.memory_space<vmem>> -> memref<1x128xi32, #tpu.memory_space<vmem>>
        %dma_wait3A_163 = tpu.memref_squeeze %dma_wait3A_162 : memref<1x128xi32, #tpu.memory_space<vmem>> -> memref<128xi32, #tpu.memory_space<vmem>>
        %dma_wait3A_164 = arith.constant 0 : i32
        %dma_wait3A_165 = arith.constant 0 : i32
        %dma_wait3A_166 = tpu.memref_slice %arg9[%dma_wait3A_164, %dma_wait3A_165] : memref<10240x128xf32, #tpu.memory_space<vmem_shared>> -> memref<10240x128xf32, #tpu.memory_space<vmem_shared>>
        tpu.wait_indirect_dma semaphore(%run_scoped3A_146 : memref<!tpu.dma_semaphore, #tpu.memory_space<semaphore_mem>>) src(%dma_wait3A_160 : memref<128x128xf32, #tpu.memory_space<vmem>>) dst(%dma_wait3A_166 : memref<10240x128xf32, #tpu.memory_space<vmem_shared>>)
        tpu.yield
      }) : () -> ()
      %add3A_139 = arith.constant 2 : i32
      %add3A_140 = arith.addi %add3A_126, %add3A_139 : i32
      %lt3A_141 = arith.constant 40 : i32
      %lt3A_142 = arith.cmpi slt, %add3A_140, %lt3A_141 : i32
      %convert_element_type3A_143 = arith.extui %lt3A_142 : i1 to i32
      %cond3A_144 = arith.constant 0 : i32
      %cond3A_145 = arith.cmpi ne, %convert_element_type3A_143, %cond3A_144 : i32
      scf.if %cond3A_145 {
        %add3A_146 = arith.constant 2 : i32
        %add3A_147 = arith.addi %add3A_126, %add3A_146 : i32
        %dma_start3A_148 = arith.constant 1 : i32
        %dma_start3A_149 = arith.constant 0 : i32
        %dma_start3A_150 = arith.constant 0 : i32
        %dma_start3A_151 = tpu.memref_slice %arg8[%dma_start3A_148, %dma_start3A_149, %dma_start3A_150] : memref<2x128x128xf32, #tpu.memory_space<vmem>> -> memref<1x128x128xf32, #tpu.memory_space<vmem>>
        %dma_start3A_152 = tpu.memref_squeeze %dma_start3A_151 : memref<1x128x128xf32, #tpu.memory_space<vmem>> -> memref<128x128xf32, #tpu.memory_space<vmem>>
        %dma_start3A_153 = arith.constant 0 : i32
        %dma_start3A_154 = tpu.memref_slice %arg6[%add3A_147, %dma_start3A_153] : memref<40x128xi32, #tpu.memory_space<vmem>> -> memref<1x128xi32, #tpu.memory_space<vmem>>
        %dma_start3A_155 = tpu.memref_squeeze %dma_start3A_154 : memref<1x128xi32, #tpu.memory_space<vmem>> -> memref<128xi32, #tpu.memory_space<vmem>>
        %dma_start3A_156 = arith.constant 0 : i32
        %dma_start3A_157 = arith.constant 0 : i32
        %dma_start3A_158 = tpu.memref_slice %arg2[%dma_start3A_156, %dma_start3A_157] : memref<10000x128xf32, #tpu.memory_space<hbm>> -> memref<10000x128xf32, #tpu.memory_space<hbm>>
        tpu.enqueue_indirect_dma source(%dma_start3A_158 : memref<10000x128xf32, #tpu.memory_space<hbm>>) target(%dma_start3A_152 : memref<128x128xf32, #tpu.memory_space<vmem>>) offsets(%dma_start3A_155 : memref<128xi32, #tpu.memory_space<vmem>>) semaphore(%arg11 : memref<!tpu.dma_semaphore, #tpu.memory_space<semaphore_mem>>)
      } else {
      }
    }
    %scan3A_94 = arith.constant 20 : i32
    %barrier3A_95 = arith.constant 0 : index
    tpu.barrier barrier_id(%barrier3A_95)
    %lt3A = arith.constant 15 : i32
    %lt3A_96 = arith.cmpi slt, %arg1, %lt3A : i32
    %convert_element_type3A = arith.extui %lt3A_96 : i1 to i32
    %cond3A = arith.constant 0 : i32
    %cond3A_97 = arith.cmpi ne, %convert_element_type3A, %cond3A : i32
    scf.if %cond3A_97 {
      %mul3A_102 = arith.constant 640 : i32
      %mul3A_103 = arith.muli %arg1, %mul3A_102 : i32
      %mul3A_104 = arith.constant 640 : i32
      %mul3A_105 = arith.muli %arg1, %mul3A_104 : i32
      "tpu.region"() ({
        %run_scoped3A_106 = tpu.sem_alloc : memref<!tpu.dma_semaphore, #tpu.memory_space<semaphore_mem>>
        %dma_start3A_107 = arith.constant 0 : i32
        %dma_start3A_108 = arith.constant 0 : i32
        %dma_start3A_109 = tpu.memref_slice %arg5[%arg0, %dma_start3A_107, %dma_start3A_108] : memref<2x10000x128xf32, #tpu.memory_space<hbm>> -> memref<1x10000x128xf32, #tpu.memory_space<hbm>>
        %dma_start3A_110 = tpu.memref_squeeze %dma_start3A_109 : memref<1x10000x128xf32, #tpu.memory_space<hbm>> -> memref<10000x128xf32, #tpu.memory_space<hbm>>
        %dma_start3A_111 = arith.constant 0 : i32
        %dma_start3A_112 = tpu.memref_slice %dma_start3A_110[%mul3A_105, %dma_start3A_111] : memref<10000x128xf32, #tpu.memory_space<hbm>> -> memref<640x128xf32, #tpu.memory_space<hbm>>
        %dma_start3A_113 = arith.constant 0 : i32
        %dma_start3A_114 = tpu.memref_slice %arg9[%mul3A_103, %dma_start3A_113] : memref<10240x128xf32, #tpu.memory_space<vmem_shared>> -> memref<640x128xf32, #tpu.memory_space<vmem_shared>>
        tpu.enqueue_dma source(%dma_start3A_114 : memref<640x128xf32, #tpu.memory_space<vmem_shared>>) target(%dma_start3A_112 : memref<640x128xf32, #tpu.memory_space<hbm>>) target_semaphore(%run_scoped3A_106 : memref<!tpu.dma_semaphore, #tpu.memory_space<semaphore_mem>>)
        %dma_wait3A = arith.constant 0 : i32
        %dma_wait3A_115 = arith.constant 0 : i32
        %dma_wait3A_116 = tpu.memref_slice %arg5[%arg0, %dma_wait3A, %dma_wait3A_115] : memref<2x10000x128xf32, #tpu.memory_space<hbm>> -> memref<1x10000x128xf32, #tpu.memory_space<hbm>>
        %dma_wait3A_117 = tpu.memref_squeeze %dma_wait3A_116 : memref<1x10000x128xf32, #tpu.memory_space<hbm>> -> memref<10000x128xf32, #tpu.memory_space<hbm>>
        %dma_wait3A_118 = arith.constant 0 : i32
        %dma_wait3A_119 = tpu.memref_slice %dma_wait3A_117[%mul3A_105, %dma_wait3A_118] : memref<10000x128xf32, #tpu.memory_space<hbm>> -> memref<640x128xf32, #tpu.memory_space<hbm>>
        %dma_wait3A_120 = arith.constant 0 : i32
        %dma_wait3A_121 = tpu.memref_slice %arg9[%mul3A_103, %dma_wait3A_120] : memref<10240x128xf32, #tpu.memory_space<vmem_shared>> -> memref<640x128xf32, #tpu.memory_space<vmem_shared>>
        tpu.wait_dma2 semaphore(%run_scoped3A_106 : memref<!tpu.dma_semaphore, #tpu.memory_space<semaphore_mem>>) src(%dma_wait3A_121 : memref<640x128xf32, #tpu.memory_space<vmem_shared>>) dst(%dma_wait3A_119 : memref<640x128xf32, #tpu.memory_space<hbm>>)
        tpu.yield
      }) : () -> ()
    } else {
    }
    %eq3A = arith.constant 15 : i32
    %eq3A_98 = arith.cmpi eq, %arg1, %eq3A : i32
    %convert_element_type3A_99 = arith.extui %eq3A_98 : i1 to i32
    %cond3A_100 = arith.constant 0 : i32
    %cond3A_101 = arith.cmpi ne, %convert_element_type3A_99, %cond3A_100 : i32
    scf.if %cond3A_101 {
      "tpu.region"() ({
        %run_scoped3A_102 = tpu.sem_alloc : memref<!tpu.dma_semaphore, #tpu.memory_space<semaphore_mem>>
        %dma_start3A_103 = arith.constant 0 : i32
        %dma_start3A_104 = arith.constant 0 : i32
        %dma_start3A_105 = tpu.memref_slice %arg5[%arg0, %dma_start3A_103, %dma_start3A_104] : memref<2x10000x128xf32, #tpu.memory_space<hbm>> -> memref<1x10000x128xf32, #tpu.memory_space<hbm>>
        %dma_start3A_106 = tpu.memref_squeeze %dma_start3A_105 : memref<1x10000x128xf32, #tpu.memory_space<hbm>> -> memref<10000x128xf32, #tpu.memory_space<hbm>>
        %dma_start3A_107 = arith.constant 9600 : i32
        %dma_start3A_108 = arith.constant 0 : i32
        %dma_start3A_109 = tpu.memref_slice %dma_start3A_106[%dma_start3A_107, %dma_start3A_108] : memref<10000x128xf32, #tpu.memory_space<hbm>> -> memref<400x128xf32, #tpu.memory_space<hbm>>
        %dma_start3A_110 = arith.constant 9600 : i32
        %dma_start3A_111 = arith.constant 0 : i32
        %dma_start3A_112 = tpu.memref_slice %arg9[%dma_start3A_110, %dma_start3A_111] : memref<10240x128xf32, #tpu.memory_space<vmem_shared>> -> memref<400x128xf32, #tpu.memory_space<vmem_shared>>
        tpu.enqueue_dma source(%dma_start3A_112 : memref<400x128xf32, #tpu.memory_space<vmem_shared>>) target(%dma_start3A_109 : memref<400x128xf32, #tpu.memory_space<hbm>>) target_semaphore(%run_scoped3A_102 : memref<!tpu.dma_semaphore, #tpu.memory_space<semaphore_mem>>)
        %dma_wait3A = arith.constant 0 : i32
        %dma_wait3A_113 = arith.constant 0 : i32
        %dma_wait3A_114 = tpu.memref_slice %arg5[%arg0, %dma_wait3A, %dma_wait3A_113] : memref<2x10000x128xf32, #tpu.memory_space<hbm>> -> memref<1x10000x128xf32, #tpu.memory_space<hbm>>
        %dma_wait3A_115 = tpu.memref_squeeze %dma_wait3A_114 : memref<1x10000x128xf32, #tpu.memory_space<hbm>> -> memref<10000x128xf32, #tpu.memory_space<hbm>>
        %dma_wait3A_116 = arith.constant 9600 : i32
        %dma_wait3A_117 = arith.constant 0 : i32
        %dma_wait3A_118 = tpu.memref_slice %dma_wait3A_115[%dma_wait3A_116, %dma_wait3A_117] : memref<10000x128xf32, #tpu.memory_space<hbm>> -> memref<400x128xf32, #tpu.memory_space<hbm>>
        %dma_wait3A_119 = arith.constant 9600 : i32
        %dma_wait3A_120 = arith.constant 0 : i32
        %dma_wait3A_121 = tpu.memref_slice %arg9[%dma_wait3A_119, %dma_wait3A_120] : memref<10240x128xf32, #tpu.memory_space<vmem_shared>> -> memref<400x128xf32, #tpu.memory_space<vmem_shared>>
        tpu.wait_dma2 semaphore(%run_scoped3A_102 : memref<!tpu.dma_semaphore, #tpu.memory_space<semaphore_mem>>) src(%dma_wait3A_121 : memref<400x128xf32, #tpu.memory_space<vmem_shared>>) dst(%dma_wait3A_118 : memref<400x128xf32, #tpu.memory_space<hbm>>)
        tpu.yield
      }) : () -> ()
    } else {
    }
    return
  }
}

module attributes {stable_mosaic.version = 14 : i64} {
  func.func @_tc_layer_body(%arg0: memref<10000x128xf32, #tpu.memory_space<vmem>>, %arg1: memref<2x10000x128xf32, #tpu.memory_space<vmem>>, %arg2: memref<128x128xf32, #tpu.memory_space<vmem>>, %arg3: memref<1x128xf32, #tpu.memory_space<vmem>>, %arg4: memref<128x128xf32, #tpu.memory_space<vmem>>, %arg5: memref<1x128xf32, #tpu.memory_space<vmem>>, %arg6: memref<1x128xf32, #tpu.memory_space<vmem>>, %arg7: memref<1x128xf32, #tpu.memory_space<vmem>>, %arg8: memref<1x10000xi32, #tpu.memory_space<vmem>>, %arg9: memref<10000x128xf32, #tpu.memory_space<vmem>>, %arg10: memref<16x128xf32, #tpu.memory_space<vmem>>) attributes {dimension_semantics = [], scalar_prefetch = 0 : i64, scratch_operands = 0 : i64, tpu.core_type = #tpu.core_type<tc>} {
    %get3A = arith.constant 0 : index
    %get3A_0 = arith.constant 0 : index
    %get3A_1 = vector.load %arg0[%get3A, %get3A_0] : memref<10000x128xf32, #tpu.memory_space<vmem>>, vector<10000x128xf32>
    %get3A_2 = arith.constant 0 : index
    %get3A_3 = arith.constant 0 : index
    %get3A_4 = arith.constant 0 : index
    %get3A_5 = vector.load %arg1[%get3A_2, %get3A_3, %get3A_4] : memref<2x10000x128xf32, #tpu.memory_space<vmem>>, vector<1x10000x128xf32>
    %get3A_6 = vector.shape_cast %get3A_5 : vector<1x10000x128xf32> to vector<10000x128xf32>
    %add3A = arith.addf %get3A_1, %get3A_6 : vector<10000x128xf32>
    %get3A_7 = arith.constant 1 : index
    %get3A_8 = arith.constant 0 : index
    %get3A_9 = arith.constant 0 : index
    %get3A_10 = vector.load %arg1[%get3A_7, %get3A_8, %get3A_9] : memref<2x10000x128xf32, #tpu.memory_space<vmem>>, vector<1x10000x128xf32>
    %get3A_11 = vector.shape_cast %get3A_10 : vector<1x10000x128xf32> to vector<10000x128xf32>
    %add3A_12 = arith.addf %add3A, %get3A_11 : vector<10000x128xf32>
    %convert_element_type3A = arith.truncf %add3A_12 : vector<10000x128xf32> to vector<10000x128xbf16>
    %get3A_13 = arith.constant 0 : index
    %get3A_14 = arith.constant 0 : index
    %get3A_15 = vector.load %arg2[%get3A_13, %get3A_14] : memref<128x128xf32, #tpu.memory_space<vmem>>, vector<128x128xf32>
    %convert_element_type3A_16 = arith.truncf %get3A_15 : vector<128x128xf32> to vector<128x128xbf16>
    %dot_general3A = arith.constant dense<0.000000e+00> : vector<10000x128xf32>
    %dot_general3A_17 = tpu.matmul %convert_element_type3A, %convert_element_type3A_16, %dot_general3A {dimension_numbers = #tpu.dot_dimension_numbers<[1], [0], [0], [1], [0, 0, 1, 1], [], []>, transpose_lhs_hint = false} : vector<10000x128xbf16>, vector<128x128xbf16>, vector<10000x128xf32> -> vector<10000x128xf32>
    %get3A_18 = arith.constant 0 : index
    %get3A_19 = arith.constant 0 : index
    %get3A_20 = vector.load %arg3[%get3A_18, %get3A_19] : memref<1x128xf32, #tpu.memory_space<vmem>>, vector<1x128xf32>
    %add3A_21 = vector.broadcast %get3A_20 : vector<1x128xf32> to vector<10000x128xf32>
    %add3A_22 = arith.addf %dot_general3A_17, %add3A_21 : vector<10000x128xf32>
    %max3A = arith.constant 0.000000e+00 : f32
    %max3A_23 = vector.broadcast %max3A : f32 to vector<10000x128xf32>
    %max3A_24 = arith.maximumf %add3A_22, %max3A_23 : vector<10000x128xf32>
    %convert_element_type3A_25 = arith.truncf %max3A_24 : vector<10000x128xf32> to vector<10000x128xbf16>
    %get3A_26 = arith.constant 0 : index
    %get3A_27 = arith.constant 0 : index
    %get3A_28 = vector.load %arg4[%get3A_26, %get3A_27] : memref<128x128xf32, #tpu.memory_space<vmem>>, vector<128x128xf32>
    %convert_element_type3A_29 = arith.truncf %get3A_28 : vector<128x128xf32> to vector<128x128xbf16>
    %dot_general3A_30 = arith.constant dense<0.000000e+00> : vector<10000x128xf32>
    %dot_general3A_31 = tpu.matmul %convert_element_type3A_25, %convert_element_type3A_29, %dot_general3A_30 {dimension_numbers = #tpu.dot_dimension_numbers<[1], [0], [0], [1], [0, 0, 1, 1], [], []>, transpose_lhs_hint = false} : vector<10000x128xbf16>, vector<128x128xbf16>, vector<10000x128xf32> -> vector<10000x128xf32>
    %get3A_32 = arith.constant 0 : index
    %get3A_33 = arith.constant 0 : index
    %get3A_34 = vector.load %arg5[%get3A_32, %get3A_33] : memref<1x128xf32, #tpu.memory_space<vmem>>, vector<1x128xf32>
    %add3A_35 = vector.broadcast %get3A_34 : vector<1x128xf32> to vector<10000x128xf32>
    %add3A_36 = arith.addf %dot_general3A_31, %add3A_35 : vector<10000x128xf32>
    %max3A_37 = arith.constant 0.000000e+00 : f32
    %max3A_38 = vector.broadcast %max3A_37 : f32 to vector<10000x128xf32>
    %max3A_39 = arith.maximumf %add3A_36, %max3A_38 : vector<10000x128xf32>
    %reduce_sum3A = arith.constant dense<0.000000e+00> : vector<128xf32>
    %reduce_sum3A_40 = vector.multi_reduction <add>, %max3A_39, %reduce_sum3A [0] : vector<10000x128xf32> to vector<128xf32>
    %broadcast_in_dim3A = vector.shape_cast %reduce_sum3A_40 : vector<128xf32> to vector<1x128xf32>
    %div3A = arith.constant 1.000000e+04 : f32
    %div3A_41 = vector.broadcast %div3A : f32 to vector<1x128xf32>
    %div3A_42 = arith.divf %broadcast_in_dim3A, %div3A_41 : vector<1x128xf32>
    %sub3A = vector.broadcast %div3A_42 : vector<1x128xf32> to vector<10000x128xf32>
    %sub3A_43 = arith.subf %max3A_39, %sub3A : vector<10000x128xf32>
    %mul3A = arith.mulf %sub3A_43, %sub3A_43 : vector<10000x128xf32>
    %reduce_sum3A_44 = arith.constant dense<0.000000e+00> : vector<128xf32>
    %reduce_sum3A_45 = vector.multi_reduction <add>, %mul3A, %reduce_sum3A_44 [0] : vector<10000x128xf32> to vector<128xf32>
    %broadcast_in_dim3A_46 = vector.shape_cast %reduce_sum3A_45 : vector<128xf32> to vector<1x128xf32>
    %div3A_47 = arith.constant 1.000000e+04 : f32
    %div3A_48 = vector.broadcast %div3A_47 : f32 to vector<1x128xf32>
    %div3A_49 = arith.divf %broadcast_in_dim3A_46, %div3A_48 : vector<1x128xf32>
    %get3A_50 = arith.constant 0 : index
    %get3A_51 = arith.constant 0 : index
    %get3A_52 = vector.load %arg6[%get3A_50, %get3A_51] : memref<1x128xf32, #tpu.memory_space<vmem>>, vector<1x128xf32>
    %mul3A_53 = vector.broadcast %get3A_52 : vector<1x128xf32> to vector<10000x128xf32>
    %mul3A_54 = arith.mulf %mul3A_53, %sub3A_43 : vector<10000x128xf32>
    %add3A_55 = arith.constant 9.99999974E-6 : f32
    %add3A_56 = vector.broadcast %add3A_55 : f32 to vector<1x128xf32>
    %add3A_57 = arith.addf %div3A_49, %add3A_56 : vector<1x128xf32>
    %rsqrt3A = math.rsqrt %add3A_57 : vector<1x128xf32>
    %mul3A_58 = vector.broadcast %rsqrt3A : vector<1x128xf32> to vector<10000x128xf32>
    %mul3A_59 = arith.mulf %mul3A_54, %mul3A_58 : vector<10000x128xf32>
    %get3A_60 = arith.constant 0 : index
    %get3A_61 = arith.constant 0 : index
    %get3A_62 = vector.load %arg7[%get3A_60, %get3A_61] : memref<1x128xf32, #tpu.memory_space<vmem>>, vector<1x128xf32>
    %add3A_63 = vector.broadcast %get3A_62 : vector<1x128xf32> to vector<10000x128xf32>
    %add3A_64 = arith.addf %mul3A_59, %add3A_63 : vector<10000x128xf32>
    %swap3A = arith.constant 0 : index
    %swap3A_65 = arith.constant 0 : index
    %swap3A_66 = vector.load %arg9[%swap3A, %swap3A_65] : memref<10000x128xf32, #tpu.memory_space<vmem>>, vector<10000x128xf32>
    tpu.vector_store %arg9[%swap3A, %swap3A_65], %add3A_64 {strides = array<i32>} : memref<10000x128xf32, #tpu.memory_space<vmem>>, vector<10000x128xf32>,
    %get3A_67 = arith.constant 0 : index
    %get3A_68 = arith.constant 0 : index
    %get3A_69 = vector.load %arg8[%get3A_67, %get3A_68] : memref<1x10000xi32, #tpu.memory_space<vmem>>, vector<1x10000xi32>
    %iota3A = tpu.iota {dimensions = array<i32: 0>} : vector<16x10000xi32>
    %eq3A = vector.broadcast %get3A_69 : vector<1x10000xi32> to vector<16x10000xi32>
    %eq3A_70 = arith.cmpi eq, %eq3A, %iota3A : vector<16x10000xi32>
    %convert_element_type3A_71 = arith.extui %eq3A_70 : vector<16x10000xi1> to vector<16x10000xi32>
    %convert_element_type3A_72 = arith.sitofp %convert_element_type3A_71 : vector<16x10000xi32> to vector<16x10000xf32>
    %dot_general3A_73 = arith.constant dense<0.000000e+00> : vector<16x128xf32>
    %dot_general3A_74 = tpu.matmul %convert_element_type3A_72, %add3A_64, %dot_general3A_73 {dimension_numbers = #tpu.dot_dimension_numbers<[1], [0], [0], [1], [0, 0, 1, 1], [], []>, precision = #tpu.contract_precision<fp32>, transpose_lhs_hint = false} : vector<16x10000xf32>, vector<10000x128xf32>, vector<16x128xf32> -> vector<16x128xf32>
    %swap3A_75 = arith.constant 0 : index
    %swap3A_76 = arith.constant 0 : index
    %swap3A_77 = vector.load %arg10[%swap3A_75, %swap3A_76] : memref<16x128xf32, #tpu.memory_space<vmem>>, vector<16x128xf32>
    tpu.vector_store %arg10[%swap3A_75, %swap3A_76], %dot_general3A_74 {strides = array<i32>} : memref<16x128xf32, #tpu.memory_space<vmem>>, vector<16x128xf32>,
    return
  }
}

module attributes {stable_mosaic.version = 14 : i64} {
  func.func @_tc_layer_body(%arg0: memref<10000x128xf32, #tpu.memory_space<vmem>>, %arg1: memref<2x10000x128xf32, #tpu.memory_space<vmem>>, %arg2: memref<128x128xf32, #tpu.memory_space<vmem>>, %arg3: memref<1x128xf32, #tpu.memory_space<vmem>>, %arg4: memref<128x128xf32, #tpu.memory_space<vmem>>, %arg5: memref<1x128xf32, #tpu.memory_space<vmem>>, %arg6: memref<1x128xf32, #tpu.memory_space<vmem>>, %arg7: memref<1x128xf32, #tpu.memory_space<vmem>>, %arg8: memref<1x10000xi32, #tpu.memory_space<vmem>>, %arg9: memref<10000x128xf32, #tpu.memory_space<vmem>>, %arg10: memref<16x128xf32, #tpu.memory_space<vmem>>) attributes {dimension_semantics = [], scalar_prefetch = 0 : i64, scratch_operands = 0 : i64, tpu.core_type = #tpu.core_type<tc>} {
    %get3A = arith.constant 0 : index
    %get3A_0 = arith.constant 0 : index
    %get3A_1 = vector.load %arg0[%get3A, %get3A_0] : memref<10000x128xf32, #tpu.memory_space<vmem>>, vector<10000x128xf32>
    %get3A_2 = arith.constant 0 : index
    %get3A_3 = arith.constant 0 : index
    %get3A_4 = arith.constant 0 : index
    %get3A_5 = vector.load %arg1[%get3A_2, %get3A_3, %get3A_4] : memref<2x10000x128xf32, #tpu.memory_space<vmem>>, vector<1x10000x128xf32>
    %get3A_6 = vector.shape_cast %get3A_5 : vector<1x10000x128xf32> to vector<10000x128xf32>
    %add3A = arith.addf %get3A_1, %get3A_6 : vector<10000x128xf32>
    %get3A_7 = arith.constant 1 : index
    %get3A_8 = arith.constant 0 : index
    %get3A_9 = arith.constant 0 : index
    %get3A_10 = vector.load %arg1[%get3A_7, %get3A_8, %get3A_9] : memref<2x10000x128xf32, #tpu.memory_space<vmem>>, vector<1x10000x128xf32>
    %get3A_11 = vector.shape_cast %get3A_10 : vector<1x10000x128xf32> to vector<10000x128xf32>
    %add3A_12 = arith.addf %add3A, %get3A_11 : vector<10000x128xf32>
    %convert_element_type3A = arith.truncf %add3A_12 : vector<10000x128xf32> to vector<10000x128xbf16>
    %get3A_13 = arith.constant 0 : index
    %get3A_14 = arith.constant 0 : index
    %get3A_15 = vector.load %arg2[%get3A_13, %get3A_14] : memref<128x128xf32, #tpu.memory_space<vmem>>, vector<128x128xf32>
    %convert_element_type3A_16 = arith.truncf %get3A_15 : vector<128x128xf32> to vector<128x128xbf16>
    %dot_general3A = arith.constant dense<0.000000e+00> : vector<10000x128xf32>
    %dot_general3A_17 = tpu.matmul %convert_element_type3A, %convert_element_type3A_16, %dot_general3A {dimension_numbers = #tpu.dot_dimension_numbers<[1], [0], [0], [1], [0, 0, 1, 1], [], []>, transpose_lhs_hint = false} : vector<10000x128xbf16>, vector<128x128xbf16>, vector<10000x128xf32> -> vector<10000x128xf32>
    %get3A_18 = arith.constant 0 : index
    %get3A_19 = arith.constant 0 : index
    %get3A_20 = vector.load %arg3[%get3A_18, %get3A_19] : memref<1x128xf32, #tpu.memory_space<vmem>>, vector<1x128xf32>
    %add3A_21 = vector.broadcast %get3A_20 : vector<1x128xf32> to vector<10000x128xf32>
    %add3A_22 = arith.addf %dot_general3A_17, %add3A_21 : vector<10000x128xf32>
    %max3A = arith.constant 0.000000e+00 : f32
    %max3A_23 = vector.broadcast %max3A : f32 to vector<10000x128xf32>
    %max3A_24 = arith.maximumf %add3A_22, %max3A_23 : vector<10000x128xf32>
    %convert_element_type3A_25 = arith.truncf %max3A_24 : vector<10000x128xf32> to vector<10000x128xbf16>
    %get3A_26 = arith.constant 0 : index
    %get3A_27 = arith.constant 0 : index
    %get3A_28 = vector.load %arg4[%get3A_26, %get3A_27] : memref<128x128xf32, #tpu.memory_space<vmem>>, vector<128x128xf32>
    %convert_element_type3A_29 = arith.truncf %get3A_28 : vector<128x128xf32> to vector<128x128xbf16>
    %dot_general3A_30 = arith.constant dense<0.000000e+00> : vector<10000x128xf32>
    %dot_general3A_31 = tpu.matmul %convert_element_type3A_25, %convert_element_type3A_29, %dot_general3A_30 {dimension_numbers = #tpu.dot_dimension_numbers<[1], [0], [0], [1], [0, 0, 1, 1], [], []>, transpose_lhs_hint = false} : vector<10000x128xbf16>, vector<128x128xbf16>, vector<10000x128xf32> -> vector<10000x128xf32>
    %get3A_32 = arith.constant 0 : index
    %get3A_33 = arith.constant 0 : index
    %get3A_34 = vector.load %arg5[%get3A_32, %get3A_33] : memref<1x128xf32, #tpu.memory_space<vmem>>, vector<1x128xf32>
    %add3A_35 = vector.broadcast %get3A_34 : vector<1x128xf32> to vector<10000x128xf32>
    %add3A_36 = arith.addf %dot_general3A_31, %add3A_35 : vector<10000x128xf32>
    %max3A_37 = arith.constant 0.000000e+00 : f32
    %max3A_38 = vector.broadcast %max3A_37 : f32 to vector<10000x128xf32>
    %max3A_39 = arith.maximumf %add3A_36, %max3A_38 : vector<10000x128xf32>
    %reduce_sum3A = arith.constant dense<0.000000e+00> : vector<128xf32>
    %reduce_sum3A_40 = vector.multi_reduction <add>, %max3A_39, %reduce_sum3A [0] : vector<10000x128xf32> to vector<128xf32>
    %broadcast_in_dim3A = vector.shape_cast %reduce_sum3A_40 : vector<128xf32> to vector<1x128xf32>
    %div3A = arith.constant 1.000000e+04 : f32
    %div3A_41 = vector.broadcast %div3A : f32 to vector<1x128xf32>
    %div3A_42 = arith.divf %broadcast_in_dim3A, %div3A_41 : vector<1x128xf32>
    %sub3A = vector.broadcast %div3A_42 : vector<1x128xf32> to vector<10000x128xf32>
    %sub3A_43 = arith.subf %max3A_39, %sub3A : vector<10000x128xf32>
    %mul3A = arith.mulf %sub3A_43, %sub3A_43 : vector<10000x128xf32>
    %reduce_sum3A_44 = arith.constant dense<0.000000e+00> : vector<128xf32>
    %reduce_sum3A_45 = vector.multi_reduction <add>, %mul3A, %reduce_sum3A_44 [0] : vector<10000x128xf32> to vector<128xf32>
    %broadcast_in_dim3A_46 = vector.shape_cast %reduce_sum3A_45 : vector<128xf32> to vector<1x128xf32>
    %div3A_47 = arith.constant 1.000000e+04 : f32
    %div3A_48 = vector.broadcast %div3A_47 : f32 to vector<1x128xf32>
    %div3A_49 = arith.divf %broadcast_in_dim3A_46, %div3A_48 : vector<1x128xf32>
    %get3A_50 = arith.constant 0 : index
    %get3A_51 = arith.constant 0 : index
    %get3A_52 = vector.load %arg6[%get3A_50, %get3A_51] : memref<1x128xf32, #tpu.memory_space<vmem>>, vector<1x128xf32>
    %mul3A_53 = vector.broadcast %get3A_52 : vector<1x128xf32> to vector<10000x128xf32>
    %mul3A_54 = arith.mulf %mul3A_53, %sub3A_43 : vector<10000x128xf32>
    %add3A_55 = arith.constant 9.99999974E-6 : f32
    %add3A_56 = vector.broadcast %add3A_55 : f32 to vector<1x128xf32>
    %add3A_57 = arith.addf %div3A_49, %add3A_56 : vector<1x128xf32>
    %rsqrt3A = math.rsqrt %add3A_57 : vector<1x128xf32>
    %mul3A_58 = vector.broadcast %rsqrt3A : vector<1x128xf32> to vector<10000x128xf32>
    %mul3A_59 = arith.mulf %mul3A_54, %mul3A_58 : vector<10000x128xf32>
    %get3A_60 = arith.constant 0 : index
    %get3A_61 = arith.constant 0 : index
    %get3A_62 = vector.load %arg7[%get3A_60, %get3A_61] : memref<1x128xf32, #tpu.memory_space<vmem>>, vector<1x128xf32>
    %add3A_63 = vector.broadcast %get3A_62 : vector<1x128xf32> to vector<10000x128xf32>
    %add3A_64 = arith.addf %mul3A_59, %add3A_63 : vector<10000x128xf32>
    %swap3A = arith.constant 0 : index
    %swap3A_65 = arith.constant 0 : index
    %swap3A_66 = vector.load %arg9[%swap3A, %swap3A_65] : memref<10000x128xf32, #tpu.memory_space<vmem>>, vector<10000x128xf32>
    tpu.vector_store %arg9[%swap3A, %swap3A_65], %add3A_64 {strides = array<i32>} : memref<10000x128xf32, #tpu.memory_space<vmem>>, vector<10000x128xf32>,
    %get3A_67 = arith.constant 0 : index
    %get3A_68 = arith.constant 0 : index
    %get3A_69 = vector.load %arg8[%get3A_67, %get3A_68] : memref<1x10000xi32, #tpu.memory_space<vmem>>, vector<1x10000xi32>
    %iota3A = tpu.iota {dimensions = array<i32: 0>} : vector<16x10000xi32>
    %eq3A = vector.broadcast %get3A_69 : vector<1x10000xi32> to vector<16x10000xi32>
    %eq3A_70 = arith.cmpi eq, %eq3A, %iota3A : vector<16x10000xi32>
    %convert_element_type3A_71 = arith.extui %eq3A_70 : vector<16x10000xi1> to vector<16x10000xi32>
    %convert_element_type3A_72 = arith.sitofp %convert_element_type3A_71 : vector<16x10000xi32> to vector<16x10000xf32>
    %dot_general3A_73 = arith.constant dense<0.000000e+00> : vector<16x128xf32>
    %dot_general3A_74 = tpu.matmul %convert_element_type3A_72, %add3A_64, %dot_general3A_73 {dimension_numbers = #tpu.dot_dimension_numbers<[1], [0], [0], [1], [0, 0, 1, 1], [], []>, precision = #tpu.contract_precision<fp32>, transpose_lhs_hint = false} : vector<16x10000xf32>, vector<10000x128xf32>, vector<16x128xf32> -> vector<16x128xf32>
    %swap3A_75 = arith.constant 0 : index
    %swap3A_76 = arith.constant 0 : index
    %swap3A_77 = vector.load %arg10[%swap3A_75, %swap3A_76] : memref<16x128xf32, #tpu.memory_space<vmem>>, vector<16x128xf32>
    tpu.vector_store %arg10[%swap3A_75, %swap3A_76], %dot_general3A_74 {strides = array<i32>} : memref<16x128xf32, #tpu.memory_space<vmem>>, vector<16x128xf32>,
    return
  }
}

</mosaic_0001>

<sc_bundles>
// kernel: kernel.6.cloned.1.call-start
scs
__scs_entry_jumppad:
0x0: {  	(pc) =	sbr.rel $0x88, $3  }
0x1: {  	(tag) =	ssettag $0x0;
	lr =	simm.s32 $0x1  }
0x2: {  	[smem:$0x3F92] =	sst lr;
	_ =	strace $0xD0000000  }
0x3: {  	_ = 	snop  }
0x4: {  	_ = 	snop  }
0x5: {  	_ = 	snop  }
0x6: {  	_ = 	snop  }
0x7: {  	_ = 	snop  }
__scs_overlays_trampoline_lowered:
0x8: {  	[smem:$0x3FA1] =	sst s0  }
0x9: {  	[smem:$0x3FA2] =	sst s1  }
0xa: {  	[smem:$0x3FA3] =	sst s2  }
0xb: {  	[smem:$0x3FA4] =	sst s3  }
0xc: {  	[smem:$0x3FA5] =	sst s4  }
0xd: {  	[smem:$0x3FA6] =	sst s5  }
0xe: {  	[smem:$0x3FA7] =	sst s6  }
0xf: {  	[smem:$0x3FA8] =	sst s7  }
0x10: {  	[smem:$0x3FA9] =	sst s8  }
0x11: {  	[smem:$0x3FAA] =	sst s9;
	s0 =	simm.s32 @!p0 $0x0  }
0x12: {  	s1 =	sld [smem:$0x3F90];
	s0 =	simm.s32 @p0 $0x1  }
0x13: {  	[smem:$0x3FAB] =	sst s0;
	s0 =	simm.s32 @!p1 $0x0  }
0x14: {  	s2 =	sld [smem:$0x3F8F];
	s0 =	simm.s32 @p1 $0x1  }
0x15: {  	[smem:$0x3FAC] =	sst s0;
	s0 =	simm.s32 @!p2 $0x0  }
0x16: {  	s3 =	sld [smem:$0x3FDB];
	s0 =	simm.s32 @p2 $0x1  }
0x17: {  	s4 =	simm.s32 $0x1BF5;
	[smem:$0x3FAE] =	sst s0  }
0x18: {  	s0 =	sld [smem:$0x3F91];
	_ =	swait.ge [sflag:s4], $0x0  }
0x19: {  	s7 =	sld [smem:$0x3F92]  }
0x1a: {  	s8 =	sadd.s32 $0xFFFFE003, lr  }
0x1b: {  	s9 =	sadd.s32 $0xFFFFFEF7, lr;
	s5 =	simm.s32 $0xFFFFFFFF;
	p2 =	slt.u32 s8, $0xFFFFF086  }
0x1c: {  	p1 =	slt.u32 s9, $0xF7A;
	s5 =	simm.s32 @!p2 $0x0  }
0x1d: {  	s5 =	simm.s32 @p1 $0x1;
	p0 =	seq.s32 s7, s2  }
0x1e: {  	s7 =	smul.u32 @!p0 $0xF7A, s2;
	p2 =	seq.s32 @!p0 s5, $0x0  }
0x1f: {  	s9 =	smul.u32 $0xF7A, s1;
	s8 =	simm.s32 @!p0 $0x1BF5;
	p2 =	por !p2, p0  }
0x20: {  	[sflag:s8] =	ssyncset.s32 @!p0 $0xFFFFF086;
	s6 =	sadd.s32 @!p0 s3, s7;
	s7 =	simm.s32 @!p0 $0x108  }
0x21: {  	s3 =	sadd.s32 s3, s9;
	s6 =	sadd.s32 @!p0 $0x88, s6;
	s7 =	simm.s32 @p2 $0x1082  }
0x22: {  	[simem:s7], [sflag:s8] =	dma.local @!p0 [hbm:s6], $0xF7A  }
0x23: {  	s9 =	sor.u32 $0xD0000000, s2;
	s6 =	simm.s32 $0x108;
	_ =	swait.ge @!p0 [sflag:s8], $0x0  }
0x24: {  	s3 =	sadd.s32 $0x88, s3;
	s6 =	simm.s32 @!p1 $0x1082;
	[sflag:s4] =	ssyncset.s32 $0xFFFFF086  }
0x25: {  	[simem:s6], [sflag:s4] =	dma.local [hbm:s3], $0xF7A  }
0x26: {  	[smem:$0x3F92] =	sst s1;
	(tag) =	ssettag s2;
	_ =	strace s9  }
0x27: {  	s1 =	sld [smem:$0x3FA2]  }
0x28: {  	s2 =	sld [smem:$0x3FA3]  }
0x29: {  	s4 =	sld [smem:$0x3FA5]  }
0x2a: {  	p0 =	seq.s32 s5, $0x0;
	s5 =	sld [smem:$0x3FA6]  }
0x2b: {  	s6 =	sld [smem:$0x3FA7]  }
0x2c: {  	s7 =	sld [smem:$0x3FA8]  }
0x2d: {  	s3 =	simm.s32 $0x108;
	s8 =	sld [smem:$0x3FA9]  }
0x2e: {  	s3 =	simm.s32 @!p0 $0x1082;
	s9 =	sld [smem:$0x3FAA]  }
0x2f: {  	lr =	sadd.s32 s0, s3;
	s0 =	sld [smem:$0x3FA1]  }
0x30: {  	s3 =	sld [smem:$0x3FA4]  }
0x31: {  	[smem:$0x3FAD] =	sst s10  }
0x32: {  	s10 =	sld [smem:$0x3FAB];
	_ =	sdelay $0x3  }
0x33: {  	p0 =	seq.s32 s10, $0x1;
	s10 =	sld [smem:$0x3FAD];
	_ =	sdelay $0x3  }
0x34: {  	[smem:$0x3FAD] =	sst s10  }
0x35: {  	s10 =	sld [smem:$0x3FAC];
	_ =	sdelay $0x3  }
0x36: {  	p1 =	seq.s32 s10, $0x1;
	s10 =	sld [smem:$0x3FAD];
	_ =	sdelay $0x3  }
0x37: {  	[smem:$0x3FAD] =	sst s10  }
0x38: {  	s10 =	sld [smem:$0x3FAE]  }
0x39: {  	_ = 	snop;
	(pc) =	sbr.ind lr, $3  }
0x3a: {  	_ = 	snop  }
0x3b: {  	_ = 	snop  }
0x3c: {  	p2 =	seq.s32 s10, $0x1;
	s10 =	sld [smem:$0x3FAD]  }
0x3d: {  	_ =	shalt  }
0x3e: {  	_ =	shalt  }
0x3f: {  	_ =	shalt  }
0x40: {  	_ =	shalt  }
0x41: {  	_ =	shalt  }
0x42: {  	_ =	shalt  }
0x43: {  	_ =	shalt  }
0x44: {  	_ =	shalt  }
0x45: {  	_ =	shalt  }
0x46: {  	_ =	shalt  }
0x47: {  	_ =	shalt  }
0x48: {  	_ =	shalt  }
0x49: {  	_ =	shalt  }
0x4a: {  	_ =	shalt  }
0x4b: {  	_ =	shalt  }
0x4c: {  	_ =	shalt  }
0x4d: {  	_ =	shalt  }
0x4e: {  	_ =	shalt  }
0x4f: {  	_ =	shalt  }
0x50: {  	_ =	shalt  }
0x51: {  	_ =	shalt  }
0x52: {  	_ =	shalt  }
0x53: {  	_ =	shalt  }
0x54: {  	_ =	shalt  }
0x55: {  	_ =	shalt  }
0x56: {  	_ =	shalt  }
0x57: {  	_ =	shalt  }
0x58: {  	_ =	shalt  }
0x59: {  	_ =	shalt  }
0x5a: {  	_ =	shalt  }
0x5b: {  	_ =	shalt  }
0x5c: {  	_ =	shalt  }
0x5d: {  	_ =	shalt  }
0x5e: {  	_ =	shalt  }
0x5f: {  	_ =	shalt  }
0x60: {  	_ =	shalt  }
0x61: {  	_ =	shalt  }
0x62: {  	_ =	shalt  }
0x63: {  	_ =	shalt  }
0x64: {  	_ =	shalt  }
0x65: {  	_ =	shalt  }
0x66: {  	_ =	shalt  }
0x67: {  	_ =	shalt  }
0x68: {  	_ =	shalt  }
0x69: {  	_ =	shalt  }
0x6a: {  	_ =	shalt  }
0x6b: {  	_ =	shalt  }
0x6c: {  	_ =	shalt  }
0x6d: {  	_ =	shalt  }
0x6e: {  	_ =	shalt  }
0x6f: {  	_ =	shalt  }
0x70: {  	_ =	shalt  }
0x71: {  	_ =	shalt  }
0x72: {  	_ =	shalt  }
0x73: {  	_ =	shalt  }
0x74: {  	_ =	shalt  }
0x75: {  	_ =	shalt  }
0x76: {  	_ =	shalt  }
0x77: {  	_ =	shalt  }
0x78: {  	_ =	shalt  }
0x79: {  	_ =	shalt  }
0x7a: {  	_ =	shalt  }
0x7b: {  	_ =	shalt  }
0x7c: {  	_ =	shalt  }
0x7d: {  	_ =	shalt  }
0x7e: {  	_ =	shalt  }
0x7f: {  	_ =	shalt  }
0x80: {  	_ =	shalt  }
0x81: {  	_ =	shalt  }
0x82: {  	_ =	shalt  }
0x83: {  	_ =	shalt  }
0x84: {  	_ =	shalt  }
0x85: {  	_ =	shalt  }
0x86: {  	_ =	shalt  }
0x87: {  	_ =	shalt  }
.Lfunc_end0:
.L_simem_size_0:
called_computation_lowered:
.L_overlay_start_0:
0x88: {  	s2 =	sld [smem:$0x3FD9]  }
0x89: {  	s3 =	sld [smem:$0x3FFE];
	_ =	sdelay $0x1  }
0x8a: {  	s1 =	srdreg.scid  }
0x8b: {  	s0 =	sand.u32 $0x1, s1  }
0x8c: {  	s17 =	sshll.u32 s0, $0xA;
	s2 =	sadd.s32 s3, s2  }
0x8d: {  	s2 =	sadd.s32 s2, s17  }
0x8e: {  	[smem:$0x3FB9] =	sst s2  }
0x8f: {  	_ = 	snop  }
0x90: {  	s2 =	sld [smem:$0x3FC9];
	(tm) =	ssettm $0x1  }
0x91: {  	s18 =	sld [smem:$0x3FFB];
	_ =	sdelay $0x3  }
0x92: {  	_ =	strace s18  }
0x93: {  	s3 =	sld [smem:$0x3FFC];
	_ =	sdelay $0x3  }
0x94: {  	_ =	strace s3  }
0x95: {  	s3 =	sld [smem:$0x3FFD];
	_ =	sdelay $0x3  }
0x96: {  	_ =	strace s3  }
0x97: {  	_ =	strace $0x8FFFFFFF  }
0x98: {  	s19 =	sld [smem:$0x3FDB];
	_ =	sdelay $0x1  }
0x99: {  	s4 =	simm.s32 $_scs_section_size  }
0x9a: {  	s5 =	simm.s32 $_size__tile_overlayer_lowered;
	s6 =	simm.s32 $_tile_overlayer_lowered  }
0x9b: {  	s22 =	simm.s32 $0x1BFF;
	s21 =	sshll.u32 s6, $0x1;
	s3 =	sadd.s32 s4, s19  }
0x9c: {  	s7 =	simm.s32 $0x0;
	s20 =	sshll.u32 s5, $0x1;
	s5 =	sadd.s32 s21, s3  }
0x9d: {  	[timem:s7], [sflag:s22] =	dma.local [hbm:s5], s20  }
0x9e: {  	_ =	swait.ge [sflag:s22], s20  }
0x9f: {  	s4 =	ssub.s32 $0x0, s20;
	[sflag:s22] =	ssyncset.done $0x0  }
0xa0: {  	[sflag:s22] =	ssyncadd.s32 s4;
	_ =	sdelay $0x1  }
0xa1: {  	s23 =	simm.s32 $0x1B8B  }
0xa2: {  	_ =	swait.ge [sflag:s23], $0x1  }
0xa3: {  	[sflag:s23] =	ssyncset.done $0x0  }
0xa4: {  	s25 =	simm.s32 $0x1B8E;
	s24 =	sld [smem:$0x3FFE];
	[sflag:s23] =	ssyncadd.s32 $0xFFFFFFFF  }
0xa5: {  	s26 =	simm.s32 $execute0_lowered;
	[smem:$0x3FD2] =	sst s25  }
0xa6: {  	s5 =	sshll.u32 s26, $0x1;
	_ =	strace $0x80000046;
	[dreg:$0x1] =	wrdreg $0xFFFFFFFF  }
0xa7: {  	s28 =	simm.s32 $_size_execute0_lowered;
	s3 =	sadd.s32 s3, s5;
	[dreg:$0x0] =	wrdreg $0x0  }
0xa8: {  	s5 =	sshll.u32 s28, $0x1;
	[dreg:$0x2] =	wrdreg s3  }
0xa9: {  	[dreg:$0x3] =	wrdreg s5  }
0xaa: {  	[dreg:$0x4] =	wrdreg $0xC0  }
0xab: {  	_ =	task [dreg:s7], $0x5FFFF  }
0xac: {  	[dreg:$0x1] =	wrdreg $0xFFFFFFFF  }
0xad: {  	[dreg:$0x0] =	wrdreg $0x60  }
0xae: {  	[dreg:$0x2] =	wrdreg s2  }
0xaf: {  	[dreg:$0x3] =	wrdreg s24  }
0xb0: {  	[dreg:$0x4] =	wrdreg $0xA8000  }
0xb1: {  	[dreg:$0x5] =	wrdreg $0x9  }
0xb2: {  	_ =	task.clear_ibuf [dreg:s7], $0x6FFFF;
	_ =	strace $0x90000046  }
0xb3: {  	s29 =	simm.s32 $0x9;
	_ =	strace $0x80000048  }
0xb4: {  	_ =	swait.ge [sflag:s29], $0x1  }
0xb5: {  	[sflag:s29] =	ssyncadd.s32 $0xFFFFFFFF  }
0xb6: {  	_ =	strace $0x90000048  }
0xb7: {  	_ =	sfence  }
0xb8: {  	s30 =	sld [smem:$0x0];
	_ =	sdelay $0x2  }
0xb9: {  	s31 =	sshll.u32 s1, $0xD;
	s1 =	sshrl.u32 s1, $0x2  }
0xba: {  	s3 =	sand.u32 $0x4000, s31;
	s1 =	sadd.s32 s1, s30  }
0xbb: {  	s0 =	sor.u32 s3, s0;
	s1 =	sshll.u32 s1, $0x11  }
0xbc: {  	s0 =	sor.u32 s1, s0  }
0xbd: {  	s0 =	sadd.s32 $0x8F2B, s0  }
0xbe: {  	[sflag:s0] =	ssyncadd.remote.s32 $0x1  }
0xbf: {  	_ =	sfence.sel $0xFFFF  }
0xc0: {  	[dreg:$0x0] =	wrdreg $0xFFFFFFFF;
	(pc) =	sbr.abs _section_cstart, $3  }
0xc1: {  	[dreg:$0x1] =	wrdreg $0xFFFFFFFF  }
0xc2: {  	_ =	task.clear_ibuf [dreg:s7], $0x2FFFF;
	_ =	strace $0x9FFFFFFF  }
0xc3: {  	(tm) =	ssettm $0x7FFFFFFF  }
tec
execute0_lowered:
.L_overlay_start_1:
0x0: {  	(tag) =	ssettag $0x1  }
0x1: {  	s1 =	rddreg [dreg:$0x0]  }
0x2: {  	s5 =	rddreg [dreg:$0x1]  }
0x3: {  	s2 =	rddreg [dreg:$0x2]  }
0x4: {  	s0 =	rddreg [dreg:$0x3];
	s3 =	simm.s32 $0x0  }
0x5: {  	s4 =	srdreg.scid;
	s18 =	simm.s32 $0x1400;
	s19 =	simm.s32 $0x80  }
0x6: {  	s20 =	simm.s32 $0x6800;
	s21 =	simm.s32 $0x1;
	s22 =	simm.s32 $0x2  }
0x7: {  	s23 =	simm.s32 $0x2700;
	s26 =	simm.s32 $0x2780;
	[smem:$0x7FF] =	sst s3  }
0x8: {  	s6 =	sand.u32 $0x1, s4;
	s4 =	stileid.u32;
	s12 =	sadd.s32 $0xD600, s5  }
0x9: {  	s13 =	sadd.s32 $0x3600, s5;
	s24 =	sadd.s32 $0x12C000, s2;
	s7 =	smul.u32 $0x27100, s6  }
0xa: {  	_ =	strace $0x80000047;
	s8 =	smul.u32 $0x50000, s4;
	s28 =	ssub.s32 $0x2, s6  }
0xb: {  	s29 =	sshll.u32 s4, $0x1;
	s25 =	smul.u32 $0x2800, s4;
	p0 =	seq.s32 s4, $0xF  }
0xc: {  	s9 =	sshrl.u32 s28, $0x1;
	s10 =	sor.u32 s6, s29;
	s24 =	sshrl.u32 @p0 s24, $0x3  }
0xd: {  	s14 =	sadd.s32 s7, s5;
	s30 =	sshrl.u32 s8, $0x2;
	s11 =	smul.u32 $0x2800, s10  }
0xe: {  	s15 =	ssub.s32 s28, s9;
	s16 =	smul.u32 $0x500, s10;
	s5 =	sadd.s32 s30, s2  }
0xf: {  	s14 =	sadd.s32 $0x17600, s14;
	s15 =	smax.u32 s15, $0x1;
	s6 =	sadd.s32 $0x4000, s5  }
0x10: {  	s7 =	sadd.s32 $0x8000, s5;
	s8 =	sadd.s32 $0xC000, s5;
	s9 =	sadd.s32 $0x10000, s5  }
0x11: {  	s17 =	sshrl.u32 s11, $0x3;
	s10 =	sadd.s32 s12, s16;
	s11 =	sadd.s32 s13, s16  }
0x12: {  	s16 =	simm.s32 $0x2800;
	s25 =	sadd.s32 @!p0 s25, s14;
	s31 =	sadd.s32 $0x280, s17  }
0x13: {  	v0 =	vimm.f32 $0.0e+00;
	s17 =	simm.s32 $0x3;
	s12 =	sadd.s32 s12, s31;
	s13 =	sadd.s32 s13, s31  }
.LBB2_1:
0x14: {  	s28 =	simm.s32 $0x0;
	s29 =	simm.s32 $0x200  }
.LBB2_2:
0x15: {  	p1 =	sne.s32 s29, $0xFE00;
	[tilespmem:s28+$0x2870] =	vst v0  }
0x16: {  	[tilespmem:s28+$0x2800] =	vst v0  }
0x17: {  	[tilespmem:s28+$0x2810] =	vst v0  }
.Ltmp0:
0x18: {  	[tilespmem:s28+$0x2820] =	vst v0;
	(pc) =	sbr.rel @p1 .LBB2_2-.Ltmp0, $4  }
0x19: {  	[tilespmem:s28+$0x2830] =	vst v0  }
0x1a: {  	[tilespmem:s28+$0x2840] =	vst v0  }
0x1b: {  	[tilespmem:s28+$0x2850] =	vst v0  }
0x1c: {  	[tilespmem:s28+$0x2860] =	vst v0;
	s28 =	sshra.s32 s29, $0x2;
	s29 =	sadd.s32 $0x200, s29  }
0x1d: {  	[tilespmem:s28+$0x2870] =	vst v0  }
0x1e: {  	[tilespmem:s28+$0x2800] =	vst v0  }
0x1f: {  	[tilespmem:s28+$0x2810] =	vst v0  }
0x20: {  	[tilespmem:s28+$0x2820] =	vst v0  }
0x21: {  	[tilespmem:s28+$0x2830] =	vst v0  }
0x22: {  	[tilespmem:s28+$0x2840] =	vst v0  }
0x23: {  	[tilespmem:s28+$0x2850] =	vst v0  }
0x24: {  	[tilespmem:s28+$0x2860] =	vst v0  }
0x25: {  	[spmem:s5] =	stream.linear.scatter [tilespmem:s16], [sflag:$0x3], $0x4000, $0x38;
	[tilespmem:$0x1E800] =	vst v63  }
0x26: {  	_ =	swait.ge [sflag:s17], $0x4000  }
0x27: {  	[sflag:s17] =	ssyncset.done $0x0  }
0x28: {  	[sflag:s17] =	ssyncadd.s32 $0xFFFFC000  }
0x29: {  	[spmem:s6] =	stream.linear.scatter [tilespmem:s16], [sflag:$0x3], $0x4000, $0x38;
	[tilespmem:$0x1E800] =	vst v63  }
0x2a: {  	_ =	swait.ge [sflag:s17], $0x4000  }
0x2b: {  	[sflag:s17] =	ssyncset.done $0x0  }
0x2c: {  	[sflag:s17] =	ssyncadd.s32 $0xFFFFC000  }
0x2d: {  	[spmem:s7] =	stream.linear.scatter [tilespmem:s16], [sflag:$0x3], $0x4000, $0x38;
	[tilespmem:$0x1E800] =	vst v63  }
0x2e: {  	_ =	swait.ge [sflag:s17], $0x4000  }
0x2f: {  	[sflag:s17] =	ssyncset.done $0x0  }
0x30: {  	[sflag:s17] =	ssyncadd.s32 $0xFFFFC000  }
0x31: {  	[spmem:s8] =	stream.linear.scatter [tilespmem:s16], [sflag:$0x3], $0x4000, $0x38;
	[tilespmem:$0x1E800] =	vst v63  }
0x32: {  	_ =	swait.ge [sflag:s17], $0x4000  }
0x33: {  	[sflag:s17] =	ssyncset.done $0x0  }
0x34: {  	[sflag:s17] =	ssyncadd.s32 $0xFFFFC000  }
0x35: {  	[spmem:s9] =	stream.linear.scatter [tilespmem:s16], [sflag:$0x3], $0x4000, $0x38;
	[tilespmem:$0x1E800] =	vst v63  }
0x36: {  	_ =	swait.ge [sflag:s17], $0x4000  }
0x37: {  	[sflag:s17] =	ssyncset.done $0x0  }
0x38: {  	[sflag:s17] =	ssyncadd.s32 $0xFFFFC000  }
0x39: {  	s28 =	simm.s32 $0x0;
	[bflag:$0x0] =	sbarrier.arrive $0xFFFF  }
0x3a: {  	[tilespmem:s28], [sflag:$0x3] =	stream.linear.gather [hbm4b:s10+s28], $0x1400, $0x38;
	[tilespmem:$0x1E800] =	vst v63  }
0x3b: {  	_ =	swait.ge [sflag:s17], $0x1400  }
0x3c: {  	[sflag:s17] =	ssyncset.done $0x0  }
0x3d: {  	[sflag:s17] =	ssyncadd.s32 $0xFFFFEC00  }
0x3e: {  	[tilespmem:s18], [sflag:$0x3] =	stream.linear.gather [hbm4b:s11+s28], $0x1400, $0x38;
	[tilespmem:$0x1E800] =	vst v63  }
0x3f: {  	_ =	swait.ge [sflag:s17], $0x1400  }
0x40: {  	[sflag:s17] =	ssyncset.done $0x0  }
0x41: {  	[sflag:s17] =	ssyncadd.s32 $0xFFFFEC00  }
0x42: {  	[tilespmem:s16], [sflag:$0x1] =	stream.indirect.gather [hbm4b:s1+s19], $0x80, s28, s19, $0xb8;
	[tilespmem:$0x1E800] =	vst v63  }
0x43: {  	_ = 	snop  }
0x44: {  	[tilespmem:s20], [sflag:$0x2] =	stream.indirect.gather [hbm4b:s1+s19], $0x80, s19, s19, $0xb8;
	[tilespmem:$0x1E800] =	vst v63  }
0x45: {  	_ =	swait.ge [sflag:s21], $0x4000  }
0x46: {  	[sflag:s21] =	ssyncset.done $0x0  }
0x47: {  	s28 =	simm.s32 $0x1400;
	[sflag:s21] =	ssyncadd.s32 $0xFFFFC000  }
0x48: {  	[spmem:s2] =	stream.indirect.scatter.add.f32 [tilespmem:s16], [sflag:$0x3], $0x80, s28, s19, $0xb8;
	[tilespmem:$0x1E800] =	vst v63  }
0x49: {  	_ =	swait.ge [sflag:s17], $0x4000  }
0x4a: {  	[sflag:s17] =	ssyncset.done $0x0  }
0x4b: {  	s28 =	simm.s32 $0x100;
	[sflag:s17] =	ssyncadd.s32 $0xFFFFC000  }
0x4c: {  	[tilespmem:s16], [sflag:$0x1] =	stream.indirect.gather [hbm4b:s1+s19], $0x80, s28, s19, $0xb8;
	[tilespmem:$0x1E800] =	vst v63  }
0x4d: {  	_ =	swait.ge [sflag:s22], $0x4000  }
0x4e: {  	[sflag:s22] =	ssyncset.done $0x0  }
0x4f: {  	s28 =	simm.s32 $0x1480;
	[sflag:s22] =	ssyncadd.s32 $0xFFFFC000  }
0x50: {  	[spmem:s2] =	stream.indirect.scatter.add.f32 [tilespmem:s20], [sflag:$0x3], $0x80, s28, s19, $0xb8;
	[tilespmem:$0x1E800] =	vst v63  }
0x51: {  	_ =	swait.ge [sflag:s17], $0x4000  }
0x52: {  	[sflag:s17] =	ssyncset.done $0x0  }
0x53: {  	s29 =	simm.s32 $0x180;
	s28 =	simm.s32 $0x400;
	[sflag:s17] =	ssyncadd.s32 $0xFFFFC000  }
.LBB2_4:
0x54: {  	[tilespmem:s20], [sflag:$0x2] =	stream.indirect.gather [hbm4b:s1+s19], $0x80, s29, s19, $0xb8;
	[tilespmem:$0x1E800] =	vst v63  }
0x55: {  	s29 =	smov.u32 s28  }
0x56: {  	p1 =	sne.s32 s28, $0x4800;
	s28 =	sadd.s32 $0x400, s28;
	_ =	swait.ge [sflag:s21], $0x4000  }
0x57: {  	s29 =	sshra.s32 s29, $0x2;
	[sflag:s21] =	ssyncset.done $0x0  }
0x58: {  	s30 =	sadd.s32 $0x1400, s29;
	[sflag:s21] =	ssyncadd.s32 $0xFFFFC000  }
0x59: {  	[spmem:s2] =	stream.indirect.scatter.add.f32 [tilespmem:s16], [sflag:$0x3], $0x80, s30, s19, $0xb8;
	[tilespmem:$0x1E800] =	vst v63  }
0x5a: {  	_ =	swait.ge [sflag:s17], $0x4000  }
0x5b: {  	[sflag:s17] =	ssyncset.done $0x0  }
0x5c: {  	s30 =	sadd.s32 $0x100, s29;
	[sflag:s17] =	ssyncadd.s32 $0xFFFFC000  }
0x5d: {  	[tilespmem:s16], [sflag:$0x1] =	stream.indirect.gather [hbm4b:s1+s19], $0x80, s30, s19, $0xb8;
	[tilespmem:$0x1E800] =	vst v63  }
0x5e: {  	_ =	swait.ge [sflag:s22], $0x4000  }
0x5f: {  	[sflag:s22] =	ssyncset.done $0x0  }
.Ltmp1:
0x60: {  	s30 =	sadd.s32 $0x1480, s29;
	[sflag:s22] =	ssyncadd.s32 $0xFFFFC000;
	(pc) =	sbr.rel @p1 .LBB2_4-.Ltmp1, $4  }
0x61: {  	[spmem:s2] =	stream.indirect.scatter.add.f32 [tilespmem:s20], [sflag:$0x3], $0x80, s30, s19, $0xb8;
	[tilespmem:$0x1E800] =	vst v63  }
0x62: {  	_ =	swait.ge [sflag:s17], $0x4000  }
0x63: {  	[sflag:s17] =	ssyncset.done $0x0  }
0x64: {  	s29 =	sadd.s32 $0x180, s29;
	[sflag:s17] =	ssyncadd.s32 $0xFFFFC000  }
0x65: {  	[tilespmem:s20], [sflag:$0x2] =	stream.indirect.gather [hbm4b:s1+s19], $0x80, s29, s19, $0xb8;
	[tilespmem:$0x1E800] =	vst v63  }
0x66: {  	_ =	swait.ge [sflag:s21], $0x4000  }
0x67: {  	[sflag:s21] =	ssyncset.done $0x0  }
0x68: {  	[sflag:s21] =	ssyncadd.s32 $0xFFFFC000  }
0x69: {  	[spmem:s2] =	stream.indirect.scatter.add.f32 [tilespmem:s16], [sflag:$0x3], $0x80, s23, s19, $0xb8;
	[tilespmem:$0x1E800] =	vst v63  }
0x6a: {  	_ =	swait.ge [sflag:s17], $0x4000  }
0x6b: {  	[sflag:s17] =	ssyncset.done $0x0  }
0x6c: {  	[sflag:s17] =	ssyncadd.s32 $0xFFFFC000  }
0x6d: {  	_ =	swait.ge [sflag:s22], $0x4000  }
0x6e: {  	[sflag:s22] =	ssyncset.done $0x0  }
0x6f: {  	[sflag:s22] =	ssyncadd.s32 $0xFFFFC000  }
0x70: {  	[spmem:s2] =	stream.indirect.scatter.add.f32 [tilespmem:s20], [sflag:$0x3], $0x80, s26, s19, $0xb8;
	[tilespmem:$0x1E800] =	vst v63  }
0x71: {  	_ =	swait.ge [sflag:s17], $0x4000  }
0x72: {  	[sflag:s17] =	ssyncset.done $0x0  }
0x73: {  	s28 =	simm.s32 $0x0;
	[sflag:s17] =	ssyncadd.s32 $0xFFFFC000  }
0x74: {  	[tilespmem:s28], [sflag:$0x3] =	stream.linear.gather [hbm4b:s12+s28], $0x1400, $0x38;
	[tilespmem:$0x1E800] =	vst v63  }
0x75: {  	_ =	swait.ge [sflag:s17], $0x1400  }
0x76: {  	[sflag:s17] =	ssyncset.done $0x0  }
0x77: {  	[sflag:s17] =	ssyncadd.s32 $0xFFFFEC00  }
0x78: {  	[tilespmem:s18], [sflag:$0x3] =	stream.linear.gather [hbm4b:s13+s28], $0x1400, $0x38;
	[tilespmem:$0x1E800] =	vst v63  }
0x79: {  	_ =	swait.ge [sflag:s17], $0x1400  }
0x7a: {  	[sflag:s17] =	ssyncset.done $0x0  }
0x7b: {  	[sflag:s17] =	ssyncadd.s32 $0xFFFFEC00  }
0x7c: {  	[tilespmem:s16], [sflag:$0x1] =	stream.indirect.gather [hbm4b:s1+s19], $0x80, s28, s19, $0xb8;
	[tilespmem:$0x1E800] =	vst v63  }
0x7d: {  	_ = 	snop  }
0x7e: {  	[tilespmem:s20], [sflag:$0x2] =	stream.indirect.gather [hbm4b:s1+s19], $0x80, s19, s19, $0xb8;
	[tilespmem:$0x1E800] =	vst v63  }
0x7f: {  	_ =	swait.ge [sflag:s21], $0x4000  }
0x80: {  	[sflag:s21] =	ssyncset.done $0x0  }
0x81: {  	s28 =	simm.s32 $0x1400;
	[sflag:s21] =	ssyncadd.s32 $0xFFFFC000  }
0x82: {  	[spmem:s2] =	stream.indirect.scatter.add.f32 [tilespmem:s16], [sflag:$0x3], $0x80, s28, s19, $0xb8;
	[tilespmem:$0x1E800] =	vst v63  }
0x83: {  	_ =	swait.ge [sflag:s17], $0x4000  }
0x84: {  	[sflag:s17] =	ssyncset.done $0x0  }
0x85: {  	s28 =	simm.s32 $0x100;
	[sflag:s17] =	ssyncadd.s32 $0xFFFFC000  }
0x86: {  	[tilespmem:s16], [sflag:$0x1] =	stream.indirect.gather [hbm4b:s1+s19], $0x80, s28, s19, $0xb8;
	[tilespmem:$0x1E800] =	vst v63  }
0x87: {  	_ =	swait.ge [sflag:s22], $0x4000  }
0x88: {  	[sflag:s22] =	ssyncset.done $0x0  }
0x89: {  	s28 =	simm.s32 $0x1480;
	[sflag:s22] =	ssyncadd.s32 $0xFFFFC000  }
0x8a: {  	[spmem:s2] =	stream.indirect.scatter.add.f32 [tilespmem:s20], [sflag:$0x3], $0x80, s28, s19, $0xb8;
	[tilespmem:$0x1E800] =	vst v63  }
0x8b: {  	_ =	swait.ge [sflag:s17], $0x4000  }
0x8c: {  	[sflag:s17] =	ssyncset.done $0x0  }
0x8d: {  	s29 =	simm.s32 $0x180;
	s28 =	simm.s32 $0x400;
	[sflag:s17] =	ssyncadd.s32 $0xFFFFC000  }
.LBB2_6:
0x8e: {  	[tilespmem:s20], [sflag:$0x2] =	stream.indirect.gather [hbm4b:s1+s19], $0x80, s29, s19, $0xb8;
	[tilespmem:$0x1E800] =	vst v63  }
0x8f: {  	s29 =	smov.u32 s28  }
0x90: {  	p1 =	sne.s32 s28, $0x4800;
	s28 =	sadd.s32 $0x400, s28;
	_ =	swait.ge [sflag:s21], $0x4000  }
0x91: {  	s29 =	sshra.s32 s29, $0x2;
	[sflag:s21] =	ssyncset.done $0x0  }
0x92: {  	s30 =	sadd.s32 $0x1400, s29;
	[sflag:s21] =	ssyncadd.s32 $0xFFFFC000  }
0x93: {  	[spmem:s2] =	stream.indirect.scatter.add.f32 [tilespmem:s16], [sflag:$0x3], $0x80, s30, s19, $0xb8;
	[tilespmem:$0x1E800] =	vst v63  }
0x94: {  	_ =	swait.ge [sflag:s17], $0x4000  }
0x95: {  	[sflag:s17] =	ssyncset.done $0x0  }
0x96: {  	s30 =	sadd.s32 $0x100, s29;
	[sflag:s17] =	ssyncadd.s32 $0xFFFFC000  }
0x97: {  	[tilespmem:s16], [sflag:$0x1] =	stream.indirect.gather [hbm4b:s1+s19], $0x80, s30, s19, $0xb8;
	[tilespmem:$0x1E800] =	vst v63  }
0x98: {  	_ =	swait.ge [sflag:s22], $0x4000  }
0x99: {  	[sflag:s22] =	ssyncset.done $0x0  }
.Ltmp2:
0x9a: {  	s30 =	sadd.s32 $0x1480, s29;
	[sflag:s22] =	ssyncadd.s32 $0xFFFFC000;
	(pc) =	sbr.rel @p1 .LBB2_6-.Ltmp2, $4  }
0x9b: {  	[spmem:s2] =	stream.indirect.scatter.add.f32 [tilespmem:s20], [sflag:$0x3], $0x80, s30, s19, $0xb8;
	[tilespmem:$0x1E800] =	vst v63  }
0x9c: {  	_ =	swait.ge [sflag:s17], $0x4000  }
0x9d: {  	[sflag:s17] =	ssyncset.done $0x0  }
0x9e: {  	s29 =	sadd.s32 $0x180, s29;
	[sflag:s17] =	ssyncadd.s32 $0xFFFFC000  }
0x9f: {  	[tilespmem:s20], [sflag:$0x2] =	stream.indirect.gather [hbm4b:s1+s19], $0x80, s29, s19, $0xb8;
	[tilespmem:$0x1E800] =	vst v63  }
0xa0: {  	_ =	swait.ge [sflag:s21], $0x4000  }
0xa1: {  	[sflag:s21] =	ssyncset.done $0x0  }
0xa2: {  	[sflag:s21] =	ssyncadd.s32 $0xFFFFC000  }
0xa3: {  	[spmem:s2] =	stream.indirect.scatter.add.f32 [tilespmem:s16], [sflag:$0x3], $0x80, s23, s19, $0xb8;
	[tilespmem:$0x1E800] =	vst v63  }
0xa4: {  	_ =	swait.ge [sflag:s17], $0x4000  }
0xa5: {  	[sflag:s17] =	ssyncset.done $0x0  }
0xa6: {  	[sflag:s17] =	ssyncadd.s32 $0xFFFFC000  }
0xa7: {  	_ =	swait.ge [sflag:s22], $0x4000  }
0xa8: {  	[sflag:s22] =	ssyncset.done $0x0  }
0xa9: {  	[sflag:s22] =	ssyncadd.s32 $0xFFFFC000  }
0xaa: {  	[spmem:s2] =	stream.indirect.scatter.add.f32 [tilespmem:s20], [sflag:$0x3], $0x80, s26, s19, $0xb8;
	[tilespmem:$0x1E800] =	vst v63  }
0xab: {  	_ =	swait.ge [sflag:s17], $0x4000  }
0xac: {  	[sflag:s17] =	ssyncset.done $0x0  }
0xad: {  	[sflag:s17] =	ssyncadd.s32 $0xFFFFC000  }
0xae: {  	s28 =	sadd.s32 @p0 $0x25800, s14;
	s29 =	simm.s32 @p0 $0x1FC3;
	[bflag:$0x0] =	sbarrier.arrive $0xFFFF  }
0xaf: {  	[hbm:s28], [sflag:s29] =	dma.local @p0 [spmem:s24], $0x1900  }
0xb0: {  	s28 =	simm.s32 @p0 $0x3  }
0xb1: {  	s3 =	sadd.s32 $0x1, s3;
	_ =	swait.ge @p0 [sflag:s28], $0x1900  }
0xb2: {  	p1 =	sne.s32 s3, s15;
	s29 =	sshll.u32 @!p0 s4, $0x6;
	[sflag:s28] =	ssyncset.done @p0 $0x0  }
0xb3: {  	[sflag:s28] =	ssyncadd.s32 @p0 $0xFFFFE700;
	s28 =	sor.u32 @!p0 $0x1C03, s29;
	s29 =	sshrl.u32 @!p0 s5, $0x3  }
0xb4: {  	[hbm:s25], [sflag:s28] =	dma.local @!p0 [spmem:s29], $0x2800  }
.Ltmp3:
0xb5: {  	_ = 	snop;
	(pc) =	sbr.rel @p1 .LBB2_1-.Ltmp3, $4  }
0xb6: {  	s28 =	simm.s32 @!p0 $0x3  }
0xb7: {  	_ =	swait.ge @!p0 [sflag:s28], $0x2800  }
0xb8: {  	[sflag:s28] =	ssyncset.done @!p0 $0x0  }
0xb9: {  	[sflag:s28] =	ssyncadd.s32 @!p0 $0xFFFFD800  }
0xba: {  	_ =	sfence.sel $0x180000  }
0xbb: {  	[bflag:$0x0] =	sbarrier.arrive $0xFFFF  }
0xbc: {  	p0 =	sne.s32 s4, $0x0;
	_ =	strace $0x90000047  }
0xbd: {  	s0 =	sadd.s32 @!p0 $0x100000, s0;
	[bflag:$0x2] =	sbarrier.arrive $0xFFFF  }
0xbe: {  	[sflag:s0] =	ssyncadd.tile.s32 @!p0 $0x1;
	_ =	shalt  }
.Lfunc_end2:
_tile_overlayer_lowered:
.L_overlay_start_2:
0xbf: {  	(tag) =	ssettag $0x2  }
0xc0: {  	s0 =	rddreg [dreg:$0x0];
	s2 =	stileid.u32  }
0xc1: {  	s1 =	rddreg [dreg:$0x1];
	p0 =	sne.s32 s2, $0x0  }
0xc2: {  	s3 =	rddreg [dreg:$0x2];
	[bflag:$0x3] =	sbarrier.arrive $0xFFFF;
	s2 =	simm.s32 @!p0 $0x1C03  }
0xc3: {  	[timem:s3], [sflag:s2] =	dma.local @!p0 [hbm:s0], s1  }
0xc4: {  	s0 =	simm.s32 @!p0 $0x3  }
0xc5: {  	_ =	swait.ge @!p0 [sflag:s0], s1  }
0xc6: {  	s1 =	ssub.s32 @!p0 $0x0, s1;
	[sflag:s0] =	ssyncset.done @!p0 $0x0  }
0xc7: {  	[sflag:s0] =	ssyncadd.s32 @!p0 s1  }
0xc8: {  	[bflag:$0x3] =	sbarrier.arrive $0xFFFF  }
0xc9: {  	_ =	shalt  }

// kernel: kernel.9.cloned.1.call-start
scs
__scs_entry_jumppad:
0x0: {  	(pc) =	sbr.rel $0x88, $3  }
0x1: {  	(tag) =	ssettag $0x0;
	lr =	simm.s32 $0x1  }
0x2: {  	[smem:$0x3F92] =	sst lr;
	_ =	strace $0xD0000000  }
0x3: {  	_ = 	snop  }
0x4: {  	_ = 	snop  }
0x5: {  	_ = 	snop  }
0x6: {  	_ = 	snop  }
0x7: {  	_ = 	snop  }
__scs_overlays_trampoline_lowered:
0x8: {  	[smem:$0x3FA1] =	sst s0  }
0x9: {  	[smem:$0x3FA2] =	sst s1  }
0xa: {  	[smem:$0x3FA3] =	sst s2  }
0xb: {  	[smem:$0x3FA4] =	sst s3  }
0xc: {  	[smem:$0x3FA5] =	sst s4  }
0xd: {  	[smem:$0x3FA6] =	sst s5  }
0xe: {  	[smem:$0x3FA7] =	sst s6  }
0xf: {  	[smem:$0x3FA8] =	sst s7  }
0x10: {  	[smem:$0x3FA9] =	sst s8  }
0x11: {  	[smem:$0x3FAA] =	sst s9;
	s0 =	simm.s32 @!p0 $0x0  }
0x12: {  	s1 =	sld [smem:$0x3F90];
	s0 =	simm.s32 @p0 $0x1  }
0x13: {  	[smem:$0x3FAB] =	sst s0;
	s0 =	simm.s32 @!p1 $0x0  }
0x14: {  	s2 =	sld [smem:$0x3F8F];
	s0 =	simm.s32 @p1 $0x1  }
0x15: {  	[smem:$0x3FAC] =	sst s0;
	s0 =	simm.s32 @!p2 $0x0  }
0x16: {  	s3 =	sld [smem:$0x3FDB];
	s0 =	simm.s32 @p2 $0x1  }
0x17: {  	s4 =	simm.s32 $0x1BF5;
	[smem:$0x3FAE] =	sst s0  }
0x18: {  	s0 =	sld [smem:$0x3F91];
	_ =	swait.ge [sflag:s4], $0x0  }
0x19: {  	s7 =	sld [smem:$0x3F92]  }
0x1a: {  	s8 =	sadd.s32 $0xFFFFE003, lr  }
0x1b: {  	s9 =	sadd.s32 $0xFFFFFEF7, lr;
	s5 =	simm.s32 $0xFFFFFFFF;
	p2 =	slt.u32 s8, $0xFFFFF086  }
0x1c: {  	p1 =	slt.u32 s9, $0xF7A;
	s5 =	simm.s32 @!p2 $0x0  }
0x1d: {  	s5 =	simm.s32 @p1 $0x1;
	p0 =	seq.s32 s7, s2  }
0x1e: {  	s7 =	smul.u32 @!p0 $0xF7A, s2;
	p2 =	seq.s32 @!p0 s5, $0x0  }
0x1f: {  	s9 =	smul.u32 $0xF7A, s1;
	s8 =	simm.s32 @!p0 $0x1BF5;
	p2 =	por !p2, p0  }
0x20: {  	[sflag:s8] =	ssyncset.s32 @!p0 $0xFFFFF086;
	s6 =	sadd.s32 @!p0 s3, s7;
	s7 =	simm.s32 @!p0 $0x108  }
0x21: {  	s3 =	sadd.s32 s3, s9;
	s6 =	sadd.s32 @!p0 $0x88, s6;
	s7 =	simm.s32 @p2 $0x1082  }
0x22: {  	[simem:s7], [sflag:s8] =	dma.local @!p0 [hbm:s6], $0xF7A  }
0x23: {  	s9 =	sor.u32 $0xD0000000, s2;
	s6 =	simm.s32 $0x108;
	_ =	swait.ge @!p0 [sflag:s8], $0x0  }
0x24: {  	s3 =	sadd.s32 $0x88, s3;
	s6 =	simm.s32 @!p1 $0x1082;
	[sflag:s4] =	ssyncset.s32 $0xFFFFF086  }
0x25: {  	[simem:s6], [sflag:s4] =	dma.local [hbm:s3], $0xF7A  }
0x26: {  	[smem:$0x3F92] =	sst s1;
	(tag) =	ssettag s2;
	_ =	strace s9  }
0x27: {  	s1 =	sld [smem:$0x3FA2]  }
0x28: {  	s2 =	sld [smem:$0x3FA3]  }
0x29: {  	s4 =	sld [smem:$0x3FA5]  }
0x2a: {  	p0 =	seq.s32 s5, $0x0;
	s5 =	sld [smem:$0x3FA6]  }
0x2b: {  	s6 =	sld [smem:$0x3FA7]  }
0x2c: {  	s7 =	sld [smem:$0x3FA8]  }
0x2d: {  	s3 =	simm.s32 $0x108;
	s8 =	sld [smem:$0x3FA9]  }
0x2e: {  	s3 =	simm.s32 @!p0 $0x1082;
	s9 =	sld [smem:$0x3FAA]  }
0x2f: {  	lr =	sadd.s32 s0, s3;
	s0 =	sld [smem:$0x3FA1]  }
0x30: {  	s3 =	sld [smem:$0x3FA4]  }
0x31: {  	[smem:$0x3FAD] =	sst s10  }
0x32: {  	s10 =	sld [smem:$0x3FAB];
	_ =	sdelay $0x3  }
0x33: {  	p0 =	seq.s32 s10, $0x1;
	s10 =	sld [smem:$0x3FAD];
	_ =	sdelay $0x3  }
0x34: {  	[smem:$0x3FAD] =	sst s10  }
0x35: {  	s10 =	sld [smem:$0x3FAC];
	_ =	sdelay $0x3  }
0x36: {  	p1 =	seq.s32 s10, $0x1;
	s10 =	sld [smem:$0x3FAD];
	_ =	sdelay $0x3  }
0x37: {  	[smem:$0x3FAD] =	sst s10  }
0x38: {  	s10 =	sld [smem:$0x3FAE]  }
0x39: {  	_ = 	snop;
	(pc) =	sbr.ind lr, $3  }
0x3a: {  	_ = 	snop  }
0x3b: {  	_ = 	snop  }
0x3c: {  	p2 =	seq.s32 s10, $0x1;
	s10 =	sld [smem:$0x3FAD]  }
0x3d: {  	_ =	shalt  }
0x3e: {  	_ =	shalt  }
0x3f: {  	_ =	shalt  }
0x40: {  	_ =	shalt  }
0x41: {  	_ =	shalt  }
0x42: {  	_ =	shalt  }
0x43: {  	_ =	shalt  }
0x44: {  	_ =	shalt  }
0x45: {  	_ =	shalt  }
0x46: {  	_ =	shalt  }
0x47: {  	_ =	shalt  }
0x48: {  	_ =	shalt  }
0x49: {  	_ =	shalt  }
0x4a: {  	_ =	shalt  }
0x4b: {  	_ =	shalt  }
0x4c: {  	_ =	shalt  }
0x4d: {  	_ =	shalt  }
0x4e: {  	_ =	shalt  }
0x4f: {  	_ =	shalt  }
0x50: {  	_ =	shalt  }
0x51: {  	_ =	shalt  }
0x52: {  	_ =	shalt  }
0x53: {  	_ =	shalt  }
0x54: {  	_ =	shalt  }
0x55: {  	_ =	shalt  }
0x56: {  	_ =	shalt  }
0x57: {  	_ =	shalt  }
0x58: {  	_ =	shalt  }
0x59: {  	_ =	shalt  }
0x5a: {  	_ =	shalt  }
0x5b: {  	_ =	shalt  }
0x5c: {  	_ =	shalt  }
0x5d: {  	_ =	shalt  }
0x5e: {  	_ =	shalt  }
0x5f: {  	_ =	shalt  }
0x60: {  	_ =	shalt  }
0x61: {  	_ =	shalt  }
0x62: {  	_ =	shalt  }
0x63: {  	_ =	shalt  }
0x64: {  	_ =	shalt  }
0x65: {  	_ =	shalt  }
0x66: {  	_ =	shalt  }
0x67: {  	_ =	shalt  }
0x68: {  	_ =	shalt  }
0x69: {  	_ =	shalt  }
0x6a: {  	_ =	shalt  }
0x6b: {  	_ =	shalt  }
0x6c: {  	_ =	shalt  }
0x6d: {  	_ =	shalt  }
0x6e: {  	_ =	shalt  }
0x6f: {  	_ =	shalt  }
0x70: {  	_ =	shalt  }
0x71: {  	_ =	shalt  }
0x72: {  	_ =	shalt  }
0x73: {  	_ =	shalt  }
0x74: {  	_ =	shalt  }
0x75: {  	_ =	shalt  }
0x76: {  	_ =	shalt  }
0x77: {  	_ =	shalt  }
0x78: {  	_ =	shalt  }
0x79: {  	_ =	shalt  }
0x7a: {  	_ =	shalt  }
0x7b: {  	_ =	shalt  }
0x7c: {  	_ =	shalt  }
0x7d: {  	_ =	shalt  }
0x7e: {  	_ =	shalt  }
0x7f: {  	_ =	shalt  }
0x80: {  	_ =	shalt  }
0x81: {  	_ =	shalt  }
0x82: {  	_ =	shalt  }
0x83: {  	_ =	shalt  }
0x84: {  	_ =	shalt  }
0x85: {  	_ =	shalt  }
0x86: {  	_ =	shalt  }
0x87: {  	_ =	shalt  }
.Lfunc_end0:
.L_simem_size_0:
called_computation.1_lowered:
.L_overlay_start_0:
0x88: {  	s2 =	sld [smem:$0x3FD9]  }
0x89: {  	s3 =	sld [smem:$0x3FFE];
	_ =	sdelay $0x1  }
0x8a: {  	s1 =	srdreg.scid  }
0x8b: {  	s0 =	sand.u32 $0x1, s1  }
0x8c: {  	s14 =	sshll.u32 s0, $0xA;
	s2 =	sadd.s32 s3, s2  }
0x8d: {  	s2 =	sadd.s32 s2, s14  }
0x8e: {  	[smem:$0x3FB9] =	sst s2  }
0x8f: {  	_ = 	snop  }
0x90: {  	s2 =	sld [smem:$0x3FD0];
	_ =	sdelay $0x2  }
0x91: {  	s15 =	simm.s32 $0xA;
	s4 =	simm.s32 $0x10  }
0x92: {  	[smem:s4], [sflag:s15] =	dma.local [hbm:s2], $0x1  }
0x93: {  	_ =	swait.eq [sflag:s15], $0x1  }
0x94: {  	[sflag:s15] =	ssyncset.done $0x0  }
0x95: {  	[sflag:s15] =	ssyncadd.s32 $0xFFFFFFFF  }
0x96: {  	s16 =	sld [smem:$0x11];
	(tm) =	ssettm $0x1  }
0x97: {  	s17 =	sld [smem:$0x3FFB];
	_ =	sdelay $0x3  }
0x98: {  	_ =	strace s17  }
0x99: {  	s3 =	sld [smem:$0x3FFC];
	_ =	sdelay $0x3  }
0x9a: {  	_ =	strace s3  }
0x9b: {  	s3 =	sld [smem:$0x3FFD];
	_ =	sdelay $0x3  }
0x9c: {  	_ =	strace s3  }
0x9d: {  	_ =	strace $0x8FFFFFFF  }
0x9e: {  	s18 =	sld [smem:$0x3FDB];
	_ =	sdelay $0x1  }
0x9f: {  	s19 =	simm.s32 $_scs_section_size  }
0xa0: {  	s5 =	simm.s32 $_size__tile_overlayer_lowered;
	s6 =	simm.s32 $_tile_overlayer_lowered  }
0xa1: {  	s22 =	simm.s32 $0x1BFF;
	s21 =	sshll.u32 s6, $0x1;
	s3 =	sadd.s32 s19, s18  }
0xa2: {  	s7 =	simm.s32 $0x0;
	s20 =	sshll.u32 s5, $0x1;
	s5 =	sadd.s32 s21, s3  }
0xa3: {  	[timem:s7], [sflag:s22] =	dma.local [hbm:s5], s20  }
0xa4: {  	_ =	swait.ge [sflag:s22], s20  }
0xa5: {  	s4 =	ssub.s32 $0x0, s20;
	[sflag:s22] =	ssyncset.done $0x0  }
0xa6: {  	[sflag:s22] =	ssyncadd.s32 s4;
	_ =	sdelay $0x1  }
0xa7: {  	s23 =	simm.s32 $0x1B8B  }
0xa8: {  	_ =	swait.ge [sflag:s23], $0x1  }
0xa9: {  	[sflag:s23] =	ssyncset.done $0x0  }
0xaa: {  	s25 =	simm.s32 $0x1B8E;
	s24 =	sld [smem:$0x3FFE];
	[sflag:s23] =	ssyncadd.s32 $0xFFFFFFFF  }
0xab: {  	s26 =	simm.s32 $execute0_lowered;
	[smem:$0x3FD2] =	sst s25  }
0xac: {  	s5 =	sshll.u32 s26, $0x1;
	_ =	strace $0x80000049;
	[dreg:$0x1] =	wrdreg $0xFFFFFFFF  }
0xad: {  	s28 =	simm.s32 $_size_execute0_lowered;
	s3 =	sadd.s32 s3, s5;
	[dreg:$0x0] =	wrdreg $0x0  }
0xae: {  	s5 =	sshll.u32 s28, $0x1;
	[dreg:$0x2] =	wrdreg s3  }
0xaf: {  	[dreg:$0x3] =	wrdreg s5  }
0xb0: {  	[dreg:$0x4] =	wrdreg $0xC0  }
0xb1: {  	_ =	task [dreg:s7], $0x5FFFF  }
0xb2: {  	[dreg:$0x1] =	wrdreg $0xFFFFFFFF  }
0xb3: {  	[dreg:$0x0] =	wrdreg $0x60  }
0xb4: {  	[dreg:$0x2] =	wrdreg s16  }
0xb5: {  	[dreg:$0x3] =	wrdreg s24  }
0xb6: {  	[dreg:$0x4] =	wrdreg $0xA8000  }
0xb7: {  	[dreg:$0x5] =	wrdreg $0x9  }
0xb8: {  	_ =	task.clear_ibuf [dreg:s7], $0x6FFFF;
	_ =	strace $0x90000049  }
0xb9: {  	s29 =	simm.s32 $0x9;
	_ =	strace $0x8000004B  }
0xba: {  	_ =	swait.ge [sflag:s29], $0x1  }
0xbb: {  	[sflag:s29] =	ssyncadd.s32 $0xFFFFFFFF  }
0xbc: {  	_ =	strace $0x9000004B  }
0xbd: {  	_ =	sfence  }
0xbe: {  	s30 =	sld [smem:$0x0];
	_ =	sdelay $0x2  }
0xbf: {  	s31 =	sshll.u32 s1, $0xD;
	s1 =	sshrl.u32 s1, $0x2  }
0xc0: {  	s3 =	sand.u32 $0x4000, s31;
	s1 =	sadd.s32 s1, s30  }
0xc1: {  	s0 =	sor.u32 s3, s0;
	s1 =	sshll.u32 s1, $0x11  }
0xc2: {  	s0 =	sor.u32 s1, s0  }
0xc3: {  	s0 =	sadd.s32 $0x8F2B, s0  }
0xc4: {  	[sflag:s0] =	ssyncadd.remote.s32 $0x1  }
0xc5: {  	_ =	sfence.sel $0xFFFF  }
0xc6: {  	[dreg:$0x0] =	wrdreg $0xFFFFFFFF;
	(pc) =	sbr.abs _section_cstart, $3  }
0xc7: {  	[dreg:$0x1] =	wrdreg $0xFFFFFFFF  }
0xc8: {  	_ =	task.clear_ibuf [dreg:s7], $0x2FFFF;
	_ =	strace $0x9FFFFFFF  }
0xc9: {  	(tm) =	ssettm $0x7FFFFFFF  }
tec
execute0_lowered:
.L_overlay_start_1:
0x0: {  	(tag) =	ssettag $0x1  }
0x1: {  	s1 =	rddreg [dreg:$0x0]  }
0x2: {  	s5 =	rddreg [dreg:$0x1]  }
0x3: {  	s2 =	rddreg [dreg:$0x2]  }
0x4: {  	s0 =	rddreg [dreg:$0x3];
	s3 =	simm.s32 $0x0  }
0x5: {  	s4 =	srdreg.scid;
	s18 =	simm.s32 $0x1400;
	s19 =	simm.s32 $0x80  }
0x6: {  	s20 =	simm.s32 $0x6800;
	s21 =	simm.s32 $0x1;
	s22 =	simm.s32 $0x2  }
0x7: {  	s23 =	simm.s32 $0x2700;
	s26 =	simm.s32 $0x2780;
	[smem:$0x7FF] =	sst s3  }
0x8: {  	s6 =	sand.u32 $0x1, s4;
	s4 =	stileid.u32;
	s12 =	sadd.s32 $0xD600, s5  }
0x9: {  	s13 =	sadd.s32 $0x3600, s5;
	s24 =	sadd.s32 $0x12C000, s2;
	s7 =	smul.u32 $0x27100, s6  }
0xa: {  	_ =	strace $0x8000004A;
	s8 =	smul.u32 $0x50000, s4;
	s28 =	ssub.s32 $0x2, s6  }
0xb: {  	s29 =	sshll.u32 s4, $0x1;
	s25 =	smul.u32 $0x2800, s4;
	p0 =	seq.s32 s4, $0xF  }
0xc: {  	s9 =	sshrl.u32 s28, $0x1;
	s10 =	sor.u32 s6, s29;
	s24 =	sshrl.u32 @p0 s24, $0x3  }
0xd: {  	s14 =	sadd.s32 s7, s5;
	s30 =	sshrl.u32 s8, $0x2;
	s11 =	smul.u32 $0x2800, s10  }
0xe: {  	s15 =	ssub.s32 s28, s9;
	s16 =	smul.u32 $0x500, s10;
	s5 =	sadd.s32 s30, s2  }
0xf: {  	s14 =	sadd.s32 $0x17600, s14;
	s15 =	smax.u32 s15, $0x1;
	s6 =	sadd.s32 $0x4000, s5  }
0x10: {  	s7 =	sadd.s32 $0x8000, s5;
	s8 =	sadd.s32 $0xC000, s5;
	s9 =	sadd.s32 $0x10000, s5  }
0x11: {  	s17 =	sshrl.u32 s11, $0x3;
	s10 =	sadd.s32 s12, s16;
	s11 =	sadd.s32 s13, s16  }
0x12: {  	s16 =	simm.s32 $0x2800;
	s25 =	sadd.s32 @!p0 s25, s14;
	s31 =	sadd.s32 $0x280, s17  }
0x13: {  	v0 =	vimm.f32 $0.0e+00;
	s17 =	simm.s32 $0x3;
	s12 =	sadd.s32 s12, s31;
	s13 =	sadd.s32 s13, s31  }
.LBB2_1:
0x14: {  	s28 =	simm.s32 $0x0;
	s29 =	simm.s32 $0x200  }
.LBB2_2:
0x15: {  	p1 =	sne.s32 s29, $0xFE00;
	[tilespmem:s28+$0x2870] =	vst v0  }
0x16: {  	[tilespmem:s28+$0x2800] =	vst v0  }
0x17: {  	[tilespmem:s28+$0x2810] =	vst v0  }
.Ltmp0:
0x18: {  	[tilespmem:s28+$0x2820] =	vst v0;
	(pc) =	sbr.rel @p1 .LBB2_2-.Ltmp0, $4  }
0x19: {  	[tilespmem:s28+$0x2830] =	vst v0  }
0x1a: {  	[tilespmem:s28+$0x2840] =	vst v0  }
0x1b: {  	[tilespmem:s28+$0x2850] =	vst v0  }
0x1c: {  	[tilespmem:s28+$0x2860] =	vst v0;
	s28 =	sshra.s32 s29, $0x2;
	s29 =	sadd.s32 $0x200, s29  }
0x1d: {  	[tilespmem:s28+$0x2870] =	vst v0  }
0x1e: {  	[tilespmem:s28+$0x2800] =	vst v0  }
0x1f: {  	[tilespmem:s28+$0x2810] =	vst v0  }
0x20: {  	[tilespmem:s28+$0x2820] =	vst v0  }
0x21: {  	[tilespmem:s28+$0x2830] =	vst v0  }
0x22: {  	[tilespmem:s28+$0x2840] =	vst v0  }
0x23: {  	[tilespmem:s28+$0x2850] =	vst v0  }
0x24: {  	[tilespmem:s28+$0x2860] =	vst v0  }
0x25: {  	[spmem:s5] =	stream.linear.scatter [tilespmem:s16], [sflag:$0x3], $0x4000, $0x38;
	[tilespmem:$0x1E800] =	vst v63  }
0x26: {  	_ =	swait.ge [sflag:s17], $0x4000  }
0x27: {  	[sflag:s17] =	ssyncset.done $0x0  }
0x28: {  	[sflag:s17] =	ssyncadd.s32 $0xFFFFC000  }
0x29: {  	[spmem:s6] =	stream.linear.scatter [tilespmem:s16], [sflag:$0x3], $0x4000, $0x38;
	[tilespmem:$0x1E800] =	vst v63  }
0x2a: {  	_ =	swait.ge [sflag:s17], $0x4000  }
0x2b: {  	[sflag:s17] =	ssyncset.done $0x0  }
0x2c: {  	[sflag:s17] =	ssyncadd.s32 $0xFFFFC000  }
0x2d: {  	[spmem:s7] =	stream.linear.scatter [tilespmem:s16], [sflag:$0x3], $0x4000, $0x38;
	[tilespmem:$0x1E800] =	vst v63  }
0x2e: {  	_ =	swait.ge [sflag:s17], $0x4000  }
0x2f: {  	[sflag:s17] =	ssyncset.done $0x0  }
0x30: {  	[sflag:s17] =	ssyncadd.s32 $0xFFFFC000  }
0x31: {  	[spmem:s8] =	stream.linear.scatter [tilespmem:s16], [sflag:$0x3], $0x4000, $0x38;
	[tilespmem:$0x1E800] =	vst v63  }
0x32: {  	_ =	swait.ge [sflag:s17], $0x4000  }
0x33: {  	[sflag:s17] =	ssyncset.done $0x0  }
0x34: {  	[sflag:s17] =	ssyncadd.s32 $0xFFFFC000  }
0x35: {  	[spmem:s9] =	stream.linear.scatter [tilespmem:s16], [sflag:$0x3], $0x4000, $0x38;
	[tilespmem:$0x1E800] =	vst v63  }
0x36: {  	_ =	swait.ge [sflag:s17], $0x4000  }
0x37: {  	[sflag:s17] =	ssyncset.done $0x0  }
0x38: {  	[sflag:s17] =	ssyncadd.s32 $0xFFFFC000  }
0x39: {  	s28 =	simm.s32 $0x0;
	[bflag:$0x0] =	sbarrier.arrive $0xFFFF  }
0x3a: {  	[tilespmem:s28], [sflag:$0x3] =	stream.linear.gather [hbm4b:s10+s28], $0x1400, $0x38;
	[tilespmem:$0x1E800] =	vst v63  }
0x3b: {  	_ =	swait.ge [sflag:s17], $0x1400  }
0x3c: {  	[sflag:s17] =	ssyncset.done $0x0  }
0x3d: {  	[sflag:s17] =	ssyncadd.s32 $0xFFFFEC00  }
0x3e: {  	[tilespmem:s18], [sflag:$0x3] =	stream.linear.gather [hbm4b:s11+s28], $0x1400, $0x38;
	[tilespmem:$0x1E800] =	vst v63  }
0x3f: {  	_ =	swait.ge [sflag:s17], $0x1400  }
0x40: {  	[sflag:s17] =	ssyncset.done $0x0  }
0x41: {  	[sflag:s17] =	ssyncadd.s32 $0xFFFFEC00  }
0x42: {  	[tilespmem:s16], [sflag:$0x1] =	stream.indirect.gather [hbm4b:s1+s19], $0x80, s28, s19, $0xb8;
	[tilespmem:$0x1E800] =	vst v63  }
0x43: {  	_ = 	snop  }
0x44: {  	[tilespmem:s20], [sflag:$0x2] =	stream.indirect.gather [hbm4b:s1+s19], $0x80, s19, s19, $0xb8;
	[tilespmem:$0x1E800] =	vst v63  }
0x45: {  	_ =	swait.ge [sflag:s21], $0x4000  }
0x46: {  	[sflag:s21] =	ssyncset.done $0x0  }
0x47: {  	s28 =	simm.s32 $0x1400;
	[sflag:s21] =	ssyncadd.s32 $0xFFFFC000  }
0x48: {  	[spmem:s2] =	stream.indirect.scatter.add.f32 [tilespmem:s16], [sflag:$0x3], $0x80, s28, s19, $0xb8;
	[tilespmem:$0x1E800] =	vst v63  }
0x49: {  	_ =	swait.ge [sflag:s17], $0x4000  }
0x4a: {  	[sflag:s17] =	ssyncset.done $0x0  }
0x4b: {  	s28 =	simm.s32 $0x100;
	[sflag:s17] =	ssyncadd.s32 $0xFFFFC000  }
0x4c: {  	[tilespmem:s16], [sflag:$0x1] =	stream.indirect.gather [hbm4b:s1+s19], $0x80, s28, s19, $0xb8;
	[tilespmem:$0x1E800] =	vst v63  }
0x4d: {  	_ =	swait.ge [sflag:s22], $0x4000  }
0x4e: {  	[sflag:s22] =	ssyncset.done $0x0  }
0x4f: {  	s28 =	simm.s32 $0x1480;
	[sflag:s22] =	ssyncadd.s32 $0xFFFFC000  }
0x50: {  	[spmem:s2] =	stream.indirect.scatter.add.f32 [tilespmem:s20], [sflag:$0x3], $0x80, s28, s19, $0xb8;
	[tilespmem:$0x1E800] =	vst v63  }
0x51: {  	_ =	swait.ge [sflag:s17], $0x4000  }
0x52: {  	[sflag:s17] =	ssyncset.done $0x0  }
0x53: {  	s29 =	simm.s32 $0x180;
	s28 =	simm.s32 $0x400;
	[sflag:s17] =	ssyncadd.s32 $0xFFFFC000  }
.LBB2_4:
0x54: {  	[tilespmem:s20], [sflag:$0x2] =	stream.indirect.gather [hbm4b:s1+s19], $0x80, s29, s19, $0xb8;
	[tilespmem:$0x1E800] =	vst v63  }
0x55: {  	s29 =	smov.u32 s28  }
0x56: {  	p1 =	sne.s32 s28, $0x4800;
	s28 =	sadd.s32 $0x400, s28;
	_ =	swait.ge [sflag:s21], $0x4000  }
0x57: {  	s29 =	sshra.s32 s29, $0x2;
	[sflag:s21] =	ssyncset.done $0x0  }
0x58: {  	s30 =	sadd.s32 $0x1400, s29;
	[sflag:s21] =	ssyncadd.s32 $0xFFFFC000  }
0x59: {  	[spmem:s2] =	stream.indirect.scatter.add.f32 [tilespmem:s16], [sflag:$0x3], $0x80, s30, s19, $0xb8;
	[tilespmem:$0x1E800] =	vst v63  }
0x5a: {  	_ =	swait.ge [sflag:s17], $0x4000  }
0x5b: {  	[sflag:s17] =	ssyncset.done $0x0  }
0x5c: {  	s30 =	sadd.s32 $0x100, s29;
	[sflag:s17] =	ssyncadd.s32 $0xFFFFC000  }
0x5d: {  	[tilespmem:s16], [sflag:$0x1] =	stream.indirect.gather [hbm4b:s1+s19], $0x80, s30, s19, $0xb8;
	[tilespmem:$0x1E800] =	vst v63  }
0x5e: {  	_ =	swait.ge [sflag:s22], $0x4000  }
0x5f: {  	[sflag:s22] =	ssyncset.done $0x0  }
.Ltmp1:
0x60: {  	s30 =	sadd.s32 $0x1480, s29;
	[sflag:s22] =	ssyncadd.s32 $0xFFFFC000;
	(pc) =	sbr.rel @p1 .LBB2_4-.Ltmp1, $4  }
0x61: {  	[spmem:s2] =	stream.indirect.scatter.add.f32 [tilespmem:s20], [sflag:$0x3], $0x80, s30, s19, $0xb8;
	[tilespmem:$0x1E800] =	vst v63  }
0x62: {  	_ =	swait.ge [sflag:s17], $0x4000  }
0x63: {  	[sflag:s17] =	ssyncset.done $0x0  }
0x64: {  	s29 =	sadd.s32 $0x180, s29;
	[sflag:s17] =	ssyncadd.s32 $0xFFFFC000  }
0x65: {  	[tilespmem:s20], [sflag:$0x2] =	stream.indirect.gather [hbm4b:s1+s19], $0x80, s29, s19, $0xb8;
	[tilespmem:$0x1E800] =	vst v63  }
0x66: {  	_ =	swait.ge [sflag:s21], $0x4000  }
0x67: {  	[sflag:s21] =	ssyncset.done $0x0  }
0x68: {  	[sflag:s21] =	ssyncadd.s32 $0xFFFFC000  }
0x69: {  	[spmem:s2] =	stream.indirect.scatter.add.f32 [tilespmem:s16], [sflag:$0x3], $0x80, s23, s19, $0xb8;
	[tilespmem:$0x1E800] =	vst v63  }
0x6a: {  	_ =	swait.ge [sflag:s17], $0x4000  }
0x6b: {  	[sflag:s17] =	ssyncset.done $0x0  }
0x6c: {  	[sflag:s17] =	ssyncadd.s32 $0xFFFFC000  }
0x6d: {  	_ =	swait.ge [sflag:s22], $0x4000  }
0x6e: {  	[sflag:s22] =	ssyncset.done $0x0  }
0x6f: {  	[sflag:s22] =	ssyncadd.s32 $0xFFFFC000  }
0x70: {  	[spmem:s2] =	stream.indirect.scatter.add.f32 [tilespmem:s20], [sflag:$0x3], $0x80, s26, s19, $0xb8;
	[tilespmem:$0x1E800] =	vst v63  }
0x71: {  	_ =	swait.ge [sflag:s17], $0x4000  }
0x72: {  	[sflag:s17] =	ssyncset.done $0x0  }
0x73: {  	s28 =	simm.s32 $0x0;
	[sflag:s17] =	ssyncadd.s32 $0xFFFFC000  }
0x74: {  	[tilespmem:s28], [sflag:$0x3] =	stream.linear.gather [hbm4b:s12+s28], $0x1400, $0x38;
	[tilespmem:$0x1E800] =	vst v63  }
0x75: {  	_ =	swait.ge [sflag:s17], $0x1400  }
0x76: {  	[sflag:s17] =	ssyncset.done $0x0  }
0x77: {  	[sflag:s17] =	ssyncadd.s32 $0xFFFFEC00  }
0x78: {  	[tilespmem:s18], [sflag:$0x3] =	stream.linear.gather [hbm4b:s13+s28], $0x1400, $0x38;
	[tilespmem:$0x1E800] =	vst v63  }
0x79: {  	_ =	swait.ge [sflag:s17], $0x1400  }
0x7a: {  	[sflag:s17] =	ssyncset.done $0x0  }
0x7b: {  	[sflag:s17] =	ssyncadd.s32 $0xFFFFEC00  }
0x7c: {  	[tilespmem:s16], [sflag:$0x1] =	stream.indirect.gather [hbm4b:s1+s19], $0x80, s28, s19, $0xb8;
	[tilespmem:$0x1E800] =	vst v63  }
0x7d: {  	_ = 	snop  }
0x7e: {  	[tilespmem:s20], [sflag:$0x2] =	stream.indirect.gather [hbm4b:s1+s19], $0x80, s19, s19, $0xb8;
	[tilespmem:$0x1E800] =	vst v63  }
0x7f: {  	_ =	swait.ge [sflag:s21], $0x4000  }
0x80: {  	[sflag:s21] =	ssyncset.done $0x0  }
0x81: {  	s28 =	simm.s32 $0x1400;
	[sflag:s21] =	ssyncadd.s32 $0xFFFFC000  }
0x82: {  	[spmem:s2] =	stream.indirect.scatter.add.f32 [tilespmem:s16], [sflag:$0x3], $0x80, s28, s19, $0xb8;
	[tilespmem:$0x1E800] =	vst v63  }
0x83: {  	_ =	swait.ge [sflag:s17], $0x4000  }
0x84: {  	[sflag:s17] =	ssyncset.done $0x0  }
0x85: {  	s28 =	simm.s32 $0x100;
	[sflag:s17] =	ssyncadd.s32 $0xFFFFC000  }
0x86: {  	[tilespmem:s16], [sflag:$0x1] =	stream.indirect.gather [hbm4b:s1+s19], $0x80, s28, s19, $0xb8;
	[tilespmem:$0x1E800] =	vst v63  }
0x87: {  	_ =	swait.ge [sflag:s22], $0x4000  }
0x88: {  	[sflag:s22] =	ssyncset.done $0x0  }
0x89: {  	s28 =	simm.s32 $0x1480;
	[sflag:s22] =	ssyncadd.s32 $0xFFFFC000  }
0x8a: {  	[spmem:s2] =	stream.indirect.scatter.add.f32 [tilespmem:s20], [sflag:$0x3], $0x80, s28, s19, $0xb8;
	[tilespmem:$0x1E800] =	vst v63  }
0x8b: {  	_ =	swait.ge [sflag:s17], $0x4000  }
0x8c: {  	[sflag:s17] =	ssyncset.done $0x0  }
0x8d: {  	s29 =	simm.s32 $0x180;
	s28 =	simm.s32 $0x400;
	[sflag:s17] =	ssyncadd.s32 $0xFFFFC000  }
.LBB2_6:
0x8e: {  	[tilespmem:s20], [sflag:$0x2] =	stream.indirect.gather [hbm4b:s1+s19], $0x80, s29, s19, $0xb8;
	[tilespmem:$0x1E800] =	vst v63  }
0x8f: {  	s29 =	smov.u32 s28  }
0x90: {  	p1 =	sne.s32 s28, $0x4800;
	s28 =	sadd.s32 $0x400, s28;
	_ =	swait.ge [sflag:s21], $0x4000  }
0x91: {  	s29 =	sshra.s32 s29, $0x2;
	[sflag:s21] =	ssyncset.done $0x0  }
0x92: {  	s30 =	sadd.s32 $0x1400, s29;
	[sflag:s21] =	ssyncadd.s32 $0xFFFFC000  }
0x93: {  	[spmem:s2] =	stream.indirect.scatter.add.f32 [tilespmem:s16], [sflag:$0x3], $0x80, s30, s19, $0xb8;
	[tilespmem:$0x1E800] =	vst v63  }
0x94: {  	_ =	swait.ge [sflag:s17], $0x4000  }
0x95: {  	[sflag:s17] =	ssyncset.done $0x0  }
0x96: {  	s30 =	sadd.s32 $0x100, s29;
	[sflag:s17] =	ssyncadd.s32 $0xFFFFC000  }
0x97: {  	[tilespmem:s16], [sflag:$0x1] =	stream.indirect.gather [hbm4b:s1+s19], $0x80, s30, s19, $0xb8;
	[tilespmem:$0x1E800] =	vst v63  }
0x98: {  	_ =	swait.ge [sflag:s22], $0x4000  }
0x99: {  	[sflag:s22] =	ssyncset.done $0x0  }
.Ltmp2:
0x9a: {  	s30 =	sadd.s32 $0x1480, s29;
	[sflag:s22] =	ssyncadd.s32 $0xFFFFC000;
	(pc) =	sbr.rel @p1 .LBB2_6-.Ltmp2, $4  }
0x9b: {  	[spmem:s2] =	stream.indirect.scatter.add.f32 [tilespmem:s20], [sflag:$0x3], $0x80, s30, s19, $0xb8;
	[tilespmem:$0x1E800] =	vst v63  }
0x9c: {  	_ =	swait.ge [sflag:s17], $0x4000  }
0x9d: {  	[sflag:s17] =	ssyncset.done $0x0  }
0x9e: {  	s29 =	sadd.s32 $0x180, s29;
	[sflag:s17] =	ssyncadd.s32 $0xFFFFC000  }
0x9f: {  	[tilespmem:s20], [sflag:$0x2] =	stream.indirect.gather [hbm4b:s1+s19], $0x80, s29, s19, $0xb8;
	[tilespmem:$0x1E800] =	vst v63  }
0xa0: {  	_ =	swait.ge [sflag:s21], $0x4000  }
0xa1: {  	[sflag:s21] =	ssyncset.done $0x0  }
0xa2: {  	[sflag:s21] =	ssyncadd.s32 $0xFFFFC000  }
0xa3: {  	[spmem:s2] =	stream.indirect.scatter.add.f32 [tilespmem:s16], [sflag:$0x3], $0x80, s23, s19, $0xb8;
	[tilespmem:$0x1E800] =	vst v63  }
0xa4: {  	_ =	swait.ge [sflag:s17], $0x4000  }
0xa5: {  	[sflag:s17] =	ssyncset.done $0x0  }
0xa6: {  	[sflag:s17] =	ssyncadd.s32 $0xFFFFC000  }
0xa7: {  	_ =	swait.ge [sflag:s22], $0x4000  }
0xa8: {  	[sflag:s22] =	ssyncset.done $0x0  }
0xa9: {  	[sflag:s22] =	ssyncadd.s32 $0xFFFFC000  }
0xaa: {  	[spmem:s2] =	stream.indirect.scatter.add.f32 [tilespmem:s20], [sflag:$0x3], $0x80, s26, s19, $0xb8;
	[tilespmem:$0x1E800] =	vst v63  }
0xab: {  	_ =	swait.ge [sflag:s17], $0x4000  }
0xac: {  	[sflag:s17] =	ssyncset.done $0x0  }
0xad: {  	[sflag:s17] =	ssyncadd.s32 $0xFFFFC000  }
0xae: {  	s28 =	sadd.s32 @p0 $0x25800, s14;
	s29 =	simm.s32 @p0 $0x1FC3;
	[bflag:$0x0] =	sbarrier.arrive $0xFFFF  }
0xaf: {  	[hbm:s28], [sflag:s29] =	dma.local @p0 [spmem:s24], $0x1900  }
0xb0: {  	s28 =	simm.s32 @p0 $0x3  }
0xb1: {  	s3 =	sadd.s32 $0x1, s3;
	_ =	swait.ge @p0 [sflag:s28], $0x1900  }
0xb2: {  	p1 =	sne.s32 s3, s15;
	s29 =	sshll.u32 @!p0 s4, $0x6;
	[sflag:s28] =	ssyncset.done @p0 $0x0  }
0xb3: {  	[sflag:s28] =	ssyncadd.s32 @p0 $0xFFFFE700;
	s28 =	sor.u32 @!p0 $0x1C03, s29;
	s29 =	sshrl.u32 @!p0 s5, $0x3  }
0xb4: {  	[hbm:s25], [sflag:s28] =	dma.local @!p0 [spmem:s29], $0x2800  }
.Ltmp3:
0xb5: {  	_ = 	snop;
	(pc) =	sbr.rel @p1 .LBB2_1-.Ltmp3, $4  }
0xb6: {  	s28 =	simm.s32 @!p0 $0x3  }
0xb7: {  	_ =	swait.ge @!p0 [sflag:s28], $0x2800  }
0xb8: {  	[sflag:s28] =	ssyncset.done @!p0 $0x0  }
0xb9: {  	[sflag:s28] =	ssyncadd.s32 @!p0 $0xFFFFD800  }
0xba: {  	_ =	sfence.sel $0x180000  }
0xbb: {  	[bflag:$0x0] =	sbarrier.arrive $0xFFFF  }
0xbc: {  	p0 =	sne.s32 s4, $0x0;
	_ =	strace $0x9000004A  }
0xbd: {  	s0 =	sadd.s32 @!p0 $0x100000, s0;
	[bflag:$0x2] =	sbarrier.arrive $0xFFFF  }
0xbe: {  	[sflag:s0] =	ssyncadd.tile.s32 @!p0 $0x1;
	_ =	shalt  }
.Lfunc_end2:
_tile_overlayer_lowered:
.L_overlay_start_2:
0xbf: {  	(tag) =	ssettag $0x2  }
0xc0: {  	s0 =	rddreg [dreg:$0x0];
	s2 =	stileid.u32  }
0xc1: {  	s1 =	rddreg [dreg:$0x1];
	p0 =	sne.s32 s2, $0x0  }
0xc2: {  	s3 =	rddreg [dreg:$0x2];
	[bflag:$0x3] =	sbarrier.arrive $0xFFFF;
	s2 =	simm.s32 @!p0 $0x1C03  }
0xc3: {  	[timem:s3], [sflag:s2] =	dma.local @!p0 [hbm:s0], s1  }
0xc4: {  	s0 =	simm.s32 @!p0 $0x3  }
0xc5: {  	_ =	swait.ge @!p0 [sflag:s0], s1  }
0xc6: {  	s1 =	ssub.s32 @!p0 $0x0, s1;
	[sflag:s0] =	ssyncset.done @!p0 $0x0  }
0xc7: {  	[sflag:s0] =	ssyncadd.s32 @!p0 s1  }
0xc8: {  	[bflag:$0x3] =	sbarrier.arrive $0xFFFF  }
0xc9: {  	_ =	shalt  }

</sc_bundles>
